<compile_context>
chip_gen: v7x
topology: tpu7x:2x2x1
jax: 0.10.2.dev20260603
libtpu: 0.0.44.dev20260713+nightly
codegen_flags: <defaults>
</compile_context>

<pallas_src>
import functools

import jax
import jax.numpy as jnp
from jax import lax
from jax.experimental import pallas as pl
from jax.experimental.pallas import tpu as pltpu
from jax.experimental.pallas import tpu_sc as plsc

N = 10000
E = 320000
NC = 2
NS = 16
NW = NC * NS
EPW = E // NW
CHUNK = 184
PAIRS = (EPW // CHUNK) // 2
REM = EPW - 2 * PAIRS * CHUNK
N_PAD = 10240
RPT = N_PAD // NS


def _segsum_partials(support, src, dst):
    D = support.shape[1]
    mesh = plsc.VectorSubcoreMesh(core_axis_name="c", subcore_axis_name="s",
                                  num_cores=NC, num_subcores=NS)

    @functools.partial(
        pl.kernel,
        out_type=jax.ShapeDtypeStruct((NC, N_PAD, D), jnp.float32),
        mesh=mesh,
        scratch_types=[
            pltpu.VMEM((CHUNK,), jnp.int32),
            pltpu.VMEM((CHUNK,), jnp.int32),
            pltpu.VMEM((CHUNK,), jnp.int32),
            pltpu.VMEM((CHUNK,), jnp.int32),
            pltpu.VMEM((REM,), jnp.int32),
            pltpu.VMEM((CHUNK, D), jnp.float32),
            pltpu.VMEM((CHUNK, D), jnp.float32),
            pltpu.VMEM_SHARED((N_PAD, D), jnp.float32),
            pltpu.SemaphoreType.DMA,
            pltpu.SemaphoreType.DMA,
            pltpu.SemaphoreType.DMA,
            pltpu.SemaphoreType.DMA,
            pltpu.SemaphoreType.DMA,
            pltpu.SemaphoreType.DMA,
        ],
    )
    def k(support_hbm, src_hbm, dst_hbm, out_hbm, src_a, src_b, dst_a, dst_b,
          dst_r, rows_a, rows_b, acc_sh, isem_a, isem_b, gsem_a, gsem_b,
          ssem_a, ssem_b):
        c = lax.axis_index("c")
        s = lax.axis_index("s")
        w = c * NS + s
        base = w * EPW

        def idx_issue(off, sref, dref, sem):
            pltpu.async_copy(src_hbm.at[pl.ds(off, CHUNK)], sref, sem)
            pltpu.async_copy(dst_hbm.at[pl.ds(off, CHUNK)], dref, sem)

        def idx_wait(off, sref, dref, sem):
            pltpu.make_async_copy(src_hbm.at[pl.ds(off, CHUNK)], sref,
                                  sem).wait()
            pltpu.make_async_copy(dst_hbm.at[pl.ds(off, CHUNK)], dref,
                                  sem).wait()

        idx_issue(base, src_a, dst_a, isem_a)
        idx_wait(base, src_a, dst_a, isem_a)
        pltpu.async_copy(support_hbm.at[src_a], rows_a, gsem_a)

        zeros16 = jnp.zeros((16,), jnp.float32)

        def zero_row(r, _):
            def zero_col(cc, __):
                rows_b[r, pl.ds(cc * 16, 16)] = zeros16
                return 0

            lax.fori_loop(0, D // 16, zero_col, 0, unroll=D // 16)
            return 0

        lax.fori_loop(0, CHUNK, zero_row, 0, unroll=4)
        for j in range(RPT // CHUNK):
            pltpu.sync_copy(rows_b, acc_sh.at[pl.ds(s * RPT + j * CHUNK,
                                                    CHUNK)])
        rem = RPT % CHUNK
        if rem:
            pltpu.sync_copy(
                rows_b.at[pl.ds(0, rem)],
                acc_sh.at[pl.ds(s * RPT + (RPT // CHUNK) * CHUNK, rem)])
        plsc.subcore_barrier()

        def body(p, _):
            off_b = base + (2 * p + 1) * CHUNK
            off_a2 = base + (2 * p + 2) * CHUNK
            idx_issue(off_b, src_b, dst_b, isem_b)
            pltpu.make_async_copy(support_hbm.at[src_a], rows_a,
                                  gsem_a).wait()
            pltpu.async_copy(rows_a, acc_sh.at[dst_a], ssem_a, add=True)
            idx_wait(off_b, src_b, dst_b, isem_b)
            pltpu.async_copy(support_hbm.at[src_b], rows_b, gsem_b)
            pltpu.make_async_copy(rows_a, acc_sh.at[dst_a], ssem_a).wait()

            @pl.when(p < PAIRS - 1)
            def _():
                idx_issue(off_a2, src_a, dst_a, isem_a)

            pltpu.make_async_copy(support_hbm.at[src_b], rows_b,
                                  gsem_b).wait()
            pltpu.async_copy(rows_b, acc_sh.at[dst_b], ssem_b, add=True)

            @pl.when(p < PAIRS - 1)
            def _():
                idx_wait(off_a2, src_a, dst_a, isem_a)
                pltpu.async_copy(support_hbm.at[src_a], rows_a, gsem_a)

            pltpu.make_async_copy(rows_b, acc_sh.at[dst_b], ssem_b).wait()
            return 0

        lax.fori_loop(0, PAIRS, body, 0)

        if REM:
            off_g = base + EPW - CHUNK
            pltpu.sync_copy(src_hbm.at[pl.ds(off_g, CHUNK)], src_a)
            pltpu.sync_copy(dst_hbm.at[pl.ds(base + EPW - REM, REM)], dst_r)
            pltpu.async_copy(support_hbm.at[src_a], rows_a, gsem_a).wait()
            pltpu.sync_copy(rows_a.at[pl.ds(CHUNK - REM, REM)],
                            acc_sh.at[dst_r], add=True)
        plsc.subcore_barrier()

        pltpu.sync_copy(acc_sh.at[pl.ds(s * RPT, RPT)],
                        out_hbm.at[c, pl.ds(s * RPT, RPT)])

    return k(support, src, dst)


_BLK = 1000


def _mm_first(x, W):

    def body(x_ref, w_ref, o_ref):
        o_ref[...] = jnp.dot(x_ref[...], w_ref[...],
                             preferred_element_type=jnp.float32)

    return pl.pallas_call(
        body,
        grid=(N // _BLK,),
        in_specs=[
            pl.BlockSpec((_BLK, x.shape[1]), lambda i: (i, 0)),
            pl.BlockSpec(W.shape, lambda i: (0, 0)),
        ],
        out_specs=pl.BlockSpec((_BLK, W.shape[1]), lambda i: (i, 0)),
        out_shape=jax.ShapeDtypeStruct((N, W.shape[1]), jnp.float32),
    )(x, W)


def _mm_mid(parts, b, W):
    D = parts.shape[2]

    def body(p_ref, b_ref, w_ref, o_ref):
        h = jax.nn.relu(p_ref[0] + p_ref[1] + b_ref[...])
        o_ref[...] = jnp.dot(h, w_ref[...], preferred_element_type=jnp.float32)

    return pl.pallas_call(
        body,
        grid=(N // _BLK,),
        in_specs=[
            pl.BlockSpec((NC, _BLK, D), lambda i: (0, i, 0)),
            pl.BlockSpec((1, D), lambda i: (0, 0)),
            pl.BlockSpec(W.shape, lambda i: (0, 0)),
        ],
        out_specs=pl.BlockSpec((_BLK, W.shape[1]), lambda i: (i, 0)),
        out_shape=jax.ShapeDtypeStruct((N, W.shape[1]), jnp.float32),
    )(parts, b.reshape(1, D), W)


def _final(parts, b):
    D = b.shape[0]
    DP = parts.shape[2]

    def body(p_ref, b_ref, o_ref):
        z = p_ref[0, :, :D] + p_ref[1, :, :D] + b_ref[...]
        z = z - jnp.max(z, axis=1, keepdims=True)
        o_ref[...] = z - jnp.log(jnp.sum(jnp.exp(z), axis=1, keepdims=True))

    return pl.pallas_call(
        body,
        grid=(N // _BLK,),
        in_specs=[
            pl.BlockSpec((NC, _BLK, DP), lambda i: (0, i, 0)),
            pl.BlockSpec((1, D), lambda i: (0, 0)),
        ],
        out_specs=pl.BlockSpec((_BLK, D), lambda i: (i, 0)),
        out_shape=jax.ShapeDtypeStruct((N, D), jnp.float32),
    )(parts, b.reshape(1, D))


def kernel(x, edge_index, W1, b1, W2, b2, W3, b3):
    src = edge_index[0]
    dst = edge_index[1]
    support1 = _mm_first(x, W1)
    p1 = _segsum_partials(support1, src, dst)
    support2 = _mm_mid(p1, b1, W2)
    p2 = _segsum_partials(support2, src, dst)
    W3p = jnp.pad(W3, ((0, 0), (0, 128 - W3.shape[1])))
    support3 = _mm_mid(p2, b2, W3p)
    p3 = _segsum_partials(support3, src, dst)
    return _final(p3, b3)

# --- scband reference (transcript-rebuilt; emitter-appended) ---
"""Pipeline reference for scband-gcn-63599875719349 (READ-ONLY COPY).

The authoritative reference and input builder live on the scoring server;
editing this copy changes nothing except your own understanding.
"""

import jax, jax.numpy as jnp
import numpy as np

N = 10000
E = 320000
NFEAT = 128
NHID = (128, 128)
NCLASS = 64


def setup_inputs(seed: int = 0) -> dict:
    key = jax.random.key(seed)
    ks = jax.random.split(key, 9)
    x = jax.random.normal(ks[0], (N, NFEAT), dtype=jnp.float32)
    edge_index = jax.random.randint(ks[1], (2, E), 0, N, dtype=jnp.int32)
    # Learned parameters per GraphConvolution layers: nfeat -> nhid[0] -> nhid[1] -> nclass
    W1 = jax.random.normal(ks[2], (NFEAT, NHID[0]), dtype=jnp.float32) * 0.05
    b1 = jnp.zeros((NHID[0],), dtype=jnp.float32)
    W2 = jax.random.normal(ks[3], (NHID[0], NHID[1]), dtype=jnp.float32) * 0.05
    b2 = jnp.zeros((NHID[1],), dtype=jnp.float32)
    W3 = jax.random.normal(ks[4], (NHID[1], NCLASS), dtype=jnp.float32) * 0.05
    b3 = jnp.zeros((NCLASS,), dtype=jnp.float32)
    return {"x": x, "edge_index": edge_index, "W1": W1, "b1": b1, "W2": W2, "b2": b2, "W3": W3, "b3": b3}


def _gc_layer(h, W, b, src, dst):
    # GraphConvolution: support = h @ W; out = spmm(adj, support) + b
    support = h @ W
    agg = jax.ops.segment_sum(support[src], dst, num_segments=N)
    return agg + b


def reference(x, edge_index, W1, b1, W2, b2, W3, b3):
    src = edge_index[0]
    dst = edge_index[1]
    h = jax.nn.relu(_gc_layer(x, W1, b1, src, dst))
    # dropout is identity in eval mode / omitted for determinism
    h = jax.nn.relu(_gc_layer(h, W2, b2, src, dst))
    out = _gc_layer(h, W3, b3, src, dst)
    return jax.nn.log_softmax(out, axis=1)

if __name__ == "__main__":
    import jax
    _d = setup_inputs()
    print(jax.jit(kernel)(*tuple(_d.values())))

</pallas_src>

<mosaic_0001>
#map = affine_map<(d0, d1) -> (0, 0)>
#map1 = affine_map<(d0, d1) -> (0)>
#map2 = affine_map<(d0, d1) -> (0, 0, 0)>
module attributes {stable_mosaic.version = 14 : i64} {
  func.func @k(%arg0: i32, %arg1: i32, %arg2: memref<10000x128xf32, #tpu.memory_space<hbm>>, %arg3: memref<320000xi32, #tpu.memory_space<hbm>>, %arg4: memref<320000xi32, #tpu.memory_space<hbm>>, %arg5: memref<2x10240x128xf32, #tpu.memory_space<hbm>>, %arg6: memref<184xi32, #tpu.memory_space<vmem>>, %arg7: memref<184xi32, #tpu.memory_space<vmem>>, %arg8: memref<184xi32, #tpu.memory_space<vmem>>, %arg9: memref<184xi32, #tpu.memory_space<vmem>>, %arg10: memref<64xi32, #tpu.memory_space<vmem>>, %arg11: memref<184x128xf32, #tpu.memory_space<vmem>>, %arg12: memref<184x128xf32, #tpu.memory_space<vmem>>, %arg13: memref<10240x128xf32, #tpu.memory_space<vmem_shared>>, %arg14: memref<!tpu.dma_semaphore, #tpu.memory_space<semaphore_mem>>, %arg15: memref<!tpu.dma_semaphore, #tpu.memory_space<semaphore_mem>>, %arg16: memref<!tpu.dma_semaphore, #tpu.memory_space<semaphore_mem>>, %arg17: memref<!tpu.dma_semaphore, #tpu.memory_space<semaphore_mem>>, %arg18: memref<!tpu.dma_semaphore, #tpu.memory_space<semaphore_mem>>, %arg19: memref<!tpu.dma_semaphore, #tpu.memory_space<semaphore_mem>>) attributes {dimension_semantics = [#tpu.dimension_semantics<core_parallel>, #tpu.dimension_semantics<subcore_parallel>], iteration_bounds = array<i64: 2, 16>, scalar_prefetch = 0 : i64, scratch_operands = 14 : i64, tpu.core_type = #tpu.core_type<sc_vector_subcore>, window_params = [{transform_indices = #map}, {transform_indices = #map1}, {transform_indices = #map1}, {transform_indices = #map2}]} {
    %mul3A = arith.constant 16 : i32
    %mul3A_0 = arith.muli %arg0, %mul3A : i32
    %add3A = arith.addi %mul3A_0, %arg1 : i32
    %mul3A_1 = arith.constant 10000 : i32
    %mul3A_2 = arith.muli %add3A, %mul3A_1 : i32
    %dma_start3A = tpu.memref_slice %arg3[%mul3A_2] : memref<320000xi32, #tpu.memory_space<hbm>> -> memref<184xi32, #tpu.memory_space<hbm>>
    %dma_start3A_3 = tpu.memref_slice %arg3[%mul3A_2] : memref<320000xi32, #tpu.memory_space<hbm>> -> memref<184xi32, #tpu.memory_space<hbm>>
    tpu.enqueue_dma source(%dma_start3A_3 : memref<184xi32, #tpu.memory_space<hbm>>) target(%arg6 : memref<184xi32, #tpu.memory_space<vmem>>) target_semaphore(%arg14 : memref<!tpu.dma_semaphore, #tpu.memory_space<semaphore_mem>>)
    %dma_start3A_4 = tpu.memref_slice %arg4[%mul3A_2] : memref<320000xi32, #tpu.memory_space<hbm>> -> memref<184xi32, #tpu.memory_space<hbm>>
    %dma_start3A_5 = tpu.memref_slice %arg4[%mul3A_2] : memref<320000xi32, #tpu.memory_space<hbm>> -> memref<184xi32, #tpu.memory_space<hbm>>
    tpu.enqueue_dma source(%dma_start3A_5 : memref<184xi32, #tpu.memory_space<hbm>>) target(%arg8 : memref<184xi32, #tpu.memory_space<vmem>>) target_semaphore(%arg14 : memref<!tpu.dma_semaphore, #tpu.memory_space<semaphore_mem>>)
    %dma_wait3A = tpu.memref_slice %arg3[%mul3A_2] : memref<320000xi32, #tpu.memory_space<hbm>> -> memref<184xi32, #tpu.memory_space<hbm>>
    %dma_wait3A_6 = tpu.memref_slice %arg3[%mul3A_2] : memref<320000xi32, #tpu.memory_space<hbm>> -> memref<184xi32, #tpu.memory_space<hbm>>
    tpu.wait_dma2 semaphore(%arg14 : memref<!tpu.dma_semaphore, #tpu.memory_space<semaphore_mem>>) src(%dma_wait3A_6 : memref<184xi32, #tpu.memory_space<hbm>>) dst(%arg6 : memref<184xi32, #tpu.memory_space<vmem>>)
    %dma_wait3A_7 = tpu.memref_slice %arg4[%mul3A_2] : memref<320000xi32, #tpu.memory_space<hbm>> -> memref<184xi32, #tpu.memory_space<hbm>>
    %dma_wait3A_8 = tpu.memref_slice %arg4[%mul3A_2] : memref<320000xi32, #tpu.memory_space<hbm>> -> memref<184xi32, #tpu.memory_space<hbm>>
    tpu.wait_dma2 semaphore(%arg14 : memref<!tpu.dma_semaphore, #tpu.memory_space<semaphore_mem>>) src(%dma_wait3A_8 : memref<184xi32, #tpu.memory_space<hbm>>) dst(%arg8 : memref<184xi32, #tpu.memory_space<vmem>>)
    %dma_start3A_9 = arith.constant 0 : i32
    %dma_start3A_10 = arith.constant 0 : i32
    %dma_start3A_11 = tpu.memref_slice %arg2[%dma_start3A_9, %dma_start3A_10] : memref<10000x128xf32, #tpu.memory_space<hbm>> -> memref<10000x128xf32, #tpu.memory_space<hbm>>
    tpu.enqueue_indirect_dma source(%dma_start3A_11 : memref<10000x128xf32, #tpu.memory_space<hbm>>) target(%arg11 : memref<184x128xf32, #tpu.memory_space<vmem>>) offsets(%arg6 : memref<184xi32, #tpu.memory_space<vmem>>) semaphore(%arg16 : memref<!tpu.dma_semaphore, #tpu.memory_space<semaphore_mem>>)
    %broadcast_in_dim3A = arith.constant 0.000000e+00 : f32
    %broadcast_in_dim3A_12 = vector.broadcast %broadcast_in_dim3A : f32 to vector<16xf32>
    %scan3A = arith.constant 0 : i32
    %scan3A_13 = arith.constant 0 : i32
    %scan3A_14 = arith.constant 184 : i32
    %scan3A_15 = arith.addi %scan3A_13, %scan3A_14 : i32
    %scan3A_16 = arith.constant 4 : i32
    %scan3A_17 = scf.for %scan3A_60 = %scan3A_13 to %scan3A_15 step %scan3A_16 iter_args(%scan3A_61 = %scan3A) -> (i32)  : i32 {
      %scan3A_62 = arith.constant 0 : i32
      %scan3A_63 = arith.constant 0 : i32
      %mul3A_64 = arith.constant 16 : i32
      %mul3A_65 = arith.muli %scan3A_63, %mul3A_64 : i32
      %swap3A = arith.index_cast %scan3A_60 : i32 to index
      %swap3A_66 = arith.index_cast %mul3A_65 : i32 to index
      %swap3A_67 = tpu.vector_load %arg12[%swap3A, %swap3A_66] {strides = array<i32>} : memref<184x128xf32, #tpu.memory_space<vmem>>, vector<1x16xf32>,
      %swap3A_68 = vector.shape_cast %swap3A_67 : vector<1x16xf32> to vector<16xf32>
      %swap3A_69 = vector.shape_cast %broadcast_in_dim3A_12 : vector<16xf32> to vector<1x16xf32>
      tpu.vector_store %arg12[%swap3A, %swap3A_66], %swap3A_69 {strides = array<i32>} : memref<184x128xf32, #tpu.memory_space<vmem>>, vector<1x16xf32>,
      %scan3A_70 = arith.constant 0 : i32
      %scan3A_71 = arith.constant 1 : i32
      %mul3A_72 = arith.constant 16 : i32
      %mul3A_73 = arith.muli %scan3A_71, %mul3A_72 : i32
      %swap3A_74 = arith.index_cast %scan3A_60 : i32 to index
      %swap3A_75 = arith.index_cast %mul3A_73 : i32 to index
      %swap3A_76 = tpu.vector_load %arg12[%swap3A_74, %swap3A_75] {strides = array<i32>} : memref<184x128xf32, #tpu.memory_space<vmem>>, vector<1x16xf32>,
      %swap3A_77 = vector.shape_cast %swap3A_76 : vector<1x16xf32> to vector<16xf32>
      %swap3A_78 = vector.shape_cast %broadcast_in_dim3A_12 : vector<16xf32> to vector<1x16xf32>
      tpu.vector_store %arg12[%swap3A_74, %swap3A_75], %swap3A_78 {strides = array<i32>} : memref<184x128xf32, #tpu.memory_space<vmem>>, vector<1x16xf32>,
      %scan3A_79 = arith.constant 0 : i32
      %scan3A_80 = arith.constant 2 : i32
      %mul3A_81 = arith.constant 16 : i32
      %mul3A_82 = arith.muli %scan3A_80, %mul3A_81 : i32
      %swap3A_83 = arith.index_cast %scan3A_60 : i32 to index
      %swap3A_84 = arith.index_cast %mul3A_82 : i32 to index
      %swap3A_85 = tpu.vector_load %arg12[%swap3A_83, %swap3A_84] {strides = array<i32>} : memref<184x128xf32, #tpu.memory_space<vmem>>, vector<1x16xf32>,
      %swap3A_86 = vector.shape_cast %swap3A_85 : vector<1x16xf32> to vector<16xf32>
      %swap3A_87 = vector.shape_cast %broadcast_in_dim3A_12 : vector<16xf32> to vector<1x16xf32>
      tpu.vector_store %arg12[%swap3A_83, %swap3A_84], %swap3A_87 {strides = array<i32>} : memref<184x128xf32, #tpu.memory_space<vmem>>, vector<1x16xf32>,
      %scan3A_88 = arith.constant 0 : i32
      %scan3A_89 = arith.constant 3 : i32
      %mul3A_90 = arith.constant 16 : i32
      %mul3A_91 = arith.muli %scan3A_89, %mul3A_90 : i32
      %swap3A_92 = arith.index_cast %scan3A_60 : i32 to index
      %swap3A_93 = arith.index_cast %mul3A_91 : i32 to index
      %swap3A_94 = tpu.vector_load %arg12[%swap3A_92, %swap3A_93] {strides = array<i32>} : memref<184x128xf32, #tpu.memory_space<vmem>>, vector<1x16xf32>,
      %swap3A_95 = vector.shape_cast %swap3A_94 : vector<1x16xf32> to vector<16xf32>
      %swap3A_96 = vector.shape_cast %broadcast_in_dim3A_12 : vector<16xf32> to vector<1x16xf32>
      tpu.vector_store %arg12[%swap3A_92, %swap3A_93], %swap3A_96 {strides = array<i32>} : memref<184x128xf32, #tpu.memory_space<vmem>>, vector<1x16xf32>,
      %scan3A_97 = arith.constant 0 : i32
      %scan3A_98 = arith.constant 4 : i32
      %mul3A_99 = arith.constant 16 : i32
      %mul3A_100 = arith.muli %scan3A_98, %mul3A_99 : i32
      %swap3A_101 = arith.index_cast %scan3A_60 : i32 to index
      %swap3A_102 = arith.index_cast %mul3A_100 : i32 to index
      %swap3A_103 = tpu.vector_load %arg12[%swap3A_101, %swap3A_102] {strides = array<i32>} : memref<184x128xf32, #tpu.memory_space<vmem>>, vector<1x16xf32>,
      %swap3A_104 = vector.shape_cast %swap3A_103 : vector<1x16xf32> to vector<16xf32>
      %swap3A_105 = vector.shape_cast %broadcast_in_dim3A_12 : vector<16xf32> to vector<1x16xf32>
      tpu.vector_store %arg12[%swap3A_101, %swap3A_102], %swap3A_105 {strides = array<i32>} : memref<184x128xf32, #tpu.memory_space<vmem>>, vector<1x16xf32>,
      %scan3A_106 = arith.constant 0 : i32
      %scan3A_107 = arith.constant 5 : i32
      %mul3A_108 = arith.constant 16 : i32
      %mul3A_109 = arith.muli %scan3A_107, %mul3A_108 : i32
      %swap3A_110 = arith.index_cast %scan3A_60 : i32 to index
      %swap3A_111 = arith.index_cast %mul3A_109 : i32 to index
      %swap3A_112 = tpu.vector_load %arg12[%swap3A_110, %swap3A_111] {strides = array<i32>} : memref<184x128xf32, #tpu.memory_space<vmem>>, vector<1x16xf32>,
      %swap3A_113 = vector.shape_cast %swap3A_112 : vector<1x16xf32> to vector<16xf32>
      %swap3A_114 = vector.shape_cast %broadcast_in_dim3A_12 : vector<16xf32> to vector<1x16xf32>
      tpu.vector_store %arg12[%swap3A_110, %swap3A_111], %swap3A_114 {strides = array<i32>} : memref<184x128xf32, #tpu.memory_space<vmem>>, vector<1x16xf32>,
      %scan3A_115 = arith.constant 0 : i32
      %scan3A_116 = arith.constant 6 : i32
      %mul3A_117 = arith.constant 16 : i32
      %mul3A_118 = arith.muli %scan3A_116, %mul3A_117 : i32
      %swap3A_119 = arith.index_cast %scan3A_60 : i32 to index
      %swap3A_120 = arith.index_cast %mul3A_118 : i32 to index
      %swap3A_121 = tpu.vector_load %arg12[%swap3A_119, %swap3A_120] {strides = array<i32>} : memref<184x128xf32, #tpu.memory_space<vmem>>, vector<1x16xf32>,
      %swap3A_122 = vector.shape_cast %swap3A_121 : vector<1x16xf32> to vector<16xf32>
      %swap3A_123 = vector.shape_cast %broadcast_in_dim3A_12 : vector<16xf32> to vector<1x16xf32>
      tpu.vector_store %arg12[%swap3A_119, %swap3A_120], %swap3A_123 {strides = array<i32>} : memref<184x128xf32, #tpu.memory_space<vmem>>, vector<1x16xf32>,
      %scan3A_124 = arith.constant 0 : i32
      %scan3A_125 = arith.constant 7 : i32
      %mul3A_126 = arith.constant 16 : i32
      %mul3A_127 = arith.muli %scan3A_125, %mul3A_126 : i32
      %swap3A_128 = arith.index_cast %scan3A_60 : i32 to index
      %swap3A_129 = arith.index_cast %mul3A_127 : i32 to index
      %swap3A_130 = tpu.vector_load %arg12[%swap3A_128, %swap3A_129] {strides = array<i32>} : memref<184x128xf32, #tpu.memory_space<vmem>>, vector<1x16xf32>,
      %swap3A_131 = vector.shape_cast %swap3A_130 : vector<1x16xf32> to vector<16xf32>
      %swap3A_132 = vector.shape_cast %broadcast_in_dim3A_12 : vector<16xf32> to vector<1x16xf32>
      tpu.vector_store %arg12[%swap3A_128, %swap3A_129], %swap3A_132 {strides = array<i32>} : memref<184x128xf32, #tpu.memory_space<vmem>>, vector<1x16xf32>,
      %scan3A_133 = arith.constant 0 : i32
      %scan3A_134 = arith.constant 8 : i32
      %scan3A_135 = arith.constant 0 : i32
      %scan3A_136 = arith.constant 1 : i32
      %scan3A_137 = arith.addi %scan3A_60, %scan3A_136 : i32
      %scan3A_138 = arith.constant 0 : i32
      %scan3A_139 = arith.constant 0 : i32
      %mul3A_140 = arith.constant 16 : i32
      %mul3A_141 = arith.muli %scan3A_139, %mul3A_140 : i32
      %swap3A_142 = arith.index_cast %scan3A_137 : i32 to index
      %swap3A_143 = arith.index_cast %mul3A_141 : i32 to index
      %swap3A_144 = tpu.vector_load %arg12[%swap3A_142, %swap3A_143] {strides = array<i32>} : memref<184x128xf32, #tpu.memory_space<vmem>>, vector<1x16xf32>,
      %swap3A_145 = vector.shape_cast %swap3A_144 : vector<1x16xf32> to vector<16xf32>
      %swap3A_146 = vector.shape_cast %broadcast_in_dim3A_12 : vector<16xf32> to vector<1x16xf32>
      tpu.vector_store %arg12[%swap3A_142, %swap3A_143], %swap3A_146 {strides = array<i32>} : memref<184x128xf32, #tpu.memory_space<vmem>>, vector<1x16xf32>,
      %scan3A_147 = arith.constant 0 : i32
      %scan3A_148 = arith.constant 1 : i32
      %mul3A_149 = arith.constant 16 : i32
      %mul3A_150 = arith.muli %scan3A_148, %mul3A_149 : i32
      %swap3A_151 = arith.index_cast %scan3A_137 : i32 to index
      %swap3A_152 = arith.index_cast %mul3A_150 : i32 to index
      %swap3A_153 = tpu.vector_load %arg12[%swap3A_151, %swap3A_152] {strides = array<i32>} : memref<184x128xf32, #tpu.memory_space<vmem>>, vector<1x16xf32>,
      %swap3A_154 = vector.shape_cast %swap3A_153 : vector<1x16xf32> to vector<16xf32>
      %swap3A_155 = vector.shape_cast %broadcast_in_dim3A_12 : vector<16xf32> to vector<1x16xf32>
      tpu.vector_store %arg12[%swap3A_151, %swap3A_152], %swap3A_155 {strides = array<i32>} : memref<184x128xf32, #tpu.memory_space<vmem>>, vector<1x16xf32>,
      %scan3A_156 = arith.constant 0 : i32
      %scan3A_157 = arith.constant 2 : i32
      %mul3A_158 = arith.constant 16 : i32
      %mul3A_159 = arith.muli %scan3A_157, %mul3A_158 : i32
      %swap3A_160 = arith.index_cast %scan3A_137 : i32 to index
      %swap3A_161 = arith.index_cast %mul3A_159 : i32 to index
      %swap3A_162 = tpu.vector_load %arg12[%swap3A_160, %swap3A_161] {strides = array<i32>} : memref<184x128xf32, #tpu.memory_space<vmem>>, vector<1x16xf32>,
      %swap3A_163 = vector.shape_cast %swap3A_162 : vector<1x16xf32> to vector<16xf32>
      %swap3A_164 = vector.shape_cast %broadcast_in_dim3A_12 : vector<16xf32> to vector<1x16xf32>
      tpu.vector_store %arg12[%swap3A_160, %swap3A_161], %swap3A_164 {strides = array<i32>} : memref<184x128xf32, #tpu.memory_space<vmem>>, vector<1x16xf32>,
      %scan3A_165 = arith.constant 0 : i32
      %scan3A_166 = arith.constant 3 : i32
      %mul3A_167 = arith.constant 16 : i32
      %mul3A_168 = arith.muli %scan3A_166, %mul3A_167 : i32
      %swap3A_169 = arith.index_cast %scan3A_137 : i32 to index
      %swap3A_170 = arith.index_cast %mul3A_168 : i32 to index
      %swap3A_171 = tpu.vector_load %arg12[%swap3A_169, %swap3A_170] {strides = array<i32>} : memref<184x128xf32, #tpu.memory_space<vmem>>, vector<1x16xf32>,
      %swap3A_172 = vector.shape_cast %swap3A_171 : vector<1x16xf32> to vector<16xf32>
      %swap3A_173 = vector.shape_cast %broadcast_in_dim3A_12 : vector<16xf32> to vector<1x16xf32>
      tpu.vector_store %arg12[%swap3A_169, %swap3A_170], %swap3A_173 {strides = array<i32>} : memref<184x128xf32, #tpu.memory_space<vmem>>, vector<1x16xf32>,
      %scan3A_174 = arith.constant 0 : i32
      %scan3A_175 = arith.constant 4 : i32
      %mul3A_176 = arith.constant 16 : i32
      %mul3A_177 = arith.muli %scan3A_175, %mul3A_176 : i32
      %swap3A_178 = arith.index_cast %scan3A_137 : i32 to index
      %swap3A_179 = arith.index_cast %mul3A_177 : i32 to index
      %swap3A_180 = tpu.vector_load %arg12[%swap3A_178, %swap3A_179] {strides = array<i32>} : memref<184x128xf32, #tpu.memory_space<vmem>>, vector<1x16xf32>,
      %swap3A_181 = vector.shape_cast %swap3A_180 : vector<1x16xf32> to vector<16xf32>
      %swap3A_182 = vector.shape_cast %broadcast_in_dim3A_12 : vector<16xf32> to vector<1x16xf32>
      tpu.vector_store %arg12[%swap3A_178, %swap3A_179], %swap3A_182 {strides = array<i32>} : memref<184x128xf32, #tpu.memory_space<vmem>>, vector<1x16xf32>,
      %scan3A_183 = arith.constant 0 : i32
      %scan3A_184 = arith.constant 5 : i32
      %mul3A_185 = arith.constant 16 : i32
      %mul3A_186 = arith.muli %scan3A_184, %mul3A_185 : i32
      %swap3A_187 = arith.index_cast %scan3A_137 : i32 to index
      %swap3A_188 = arith.index_cast %mul3A_186 : i32 to index
      %swap3A_189 = tpu.vector_load %arg12[%swap3A_187, %swap3A_188] {strides = array<i32>} : memref<184x128xf32, #tpu.memory_space<vmem>>, vector<1x16xf32>,
      %swap3A_190 = vector.shape_cast %swap3A_189 : vector<1x16xf32> to vector<16xf32>
      %swap3A_191 = vector.shape_cast %broadcast_in_dim3A_12 : vector<16xf32> to vector<1x16xf32>
      tpu.vector_store %arg12[%swap3A_187, %swap3A_188], %swap3A_191 {strides = array<i32>} : memref<184x128xf32, #tpu.memory_space<vmem>>, vector<1x16xf32>,
      %scan3A_192 = arith.constant 0 : i32
      %scan3A_193 = arith.constant 6 : i32
      %mul3A_194 = arith.constant 16 : i32
      %mul3A_195 = arith.muli %scan3A_193, %mul3A_194 : i32
      %swap3A_196 = arith.index_cast %scan3A_137 : i32 to index
      %swap3A_197 = arith.index_cast %mul3A_195 : i32 to index
      %swap3A_198 = tpu.vector_load %arg12[%swap3A_196, %swap3A_197] {strides = array<i32>} : memref<184x128xf32, #tpu.memory_space<vmem>>, vector<1x16xf32>,
      %swap3A_199 = vector.shape_cast %swap3A_198 : vector<1x16xf32> to vector<16xf32>
      %swap3A_200 = vector.shape_cast %broadcast_in_dim3A_12 : vector<16xf32> to vector<1x16xf32>
      tpu.vector_store %arg12[%swap3A_196, %swap3A_197], %swap3A_200 {strides = array<i32>} : memref<184x128xf32, #tpu.memory_space<vmem>>, vector<1x16xf32>,
      %scan3A_201 = arith.constant 0 : i32
      %scan3A_202 = arith.constant 7 : i32
      %mul3A_203 = arith.constant 16 : i32
      %mul3A_204 = arith.muli %scan3A_202, %mul3A_203 : i32
      %swap3A_205 = arith.index_cast %scan3A_137 : i32 to index
      %swap3A_206 = arith.index_cast %mul3A_204 : i32 to index
      %swap3A_207 = tpu.vector_load %arg12[%swap3A_205, %swap3A_206] {strides = array<i32>} : memref<184x128xf32, #tpu.memory_space<vmem>>, vector<1x16xf32>,
      %swap3A_208 = vector.shape_cast %swap3A_207 : vector<1x16xf32> to vector<16xf32>
      %swap3A_209 = vector.shape_cast %broadcast_in_dim3A_12 : vector<16xf32> to vector<1x16xf32>
      tpu.vector_store %arg12[%swap3A_205, %swap3A_206], %swap3A_209 {strides = array<i32>} : memref<184x128xf32, #tpu.memory_space<vmem>>, vector<1x16xf32>,
      %scan3A_210 = arith.constant 0 : i32
      %scan3A_211 = arith.constant 8 : i32
      %scan3A_212 = arith.constant 0 : i32
      %scan3A_213 = arith.constant 2 : i32
      %scan3A_214 = arith.addi %scan3A_60, %scan3A_213 : i32
      %scan3A_215 = arith.constant 0 : i32
      %scan3A_216 = arith.constant 0 : i32
      %mul3A_217 = arith.constant 16 : i32
      %mul3A_218 = arith.muli %scan3A_216, %mul3A_217 : i32
      %swap3A_219 = arith.index_cast %scan3A_214 : i32 to index
      %swap3A_220 = arith.index_cast %mul3A_218 : i32 to index
      %swap3A_221 = tpu.vector_load %arg12[%swap3A_219, %swap3A_220] {strides = array<i32>} : memref<184x128xf32, #tpu.memory_space<vmem>>, vector<1x16xf32>,
      %swap3A_222 = vector.shape_cast %swap3A_221 : vector<1x16xf32> to vector<16xf32>
      %swap3A_223 = vector.shape_cast %broadcast_in_dim3A_12 : vector<16xf32> to vector<1x16xf32>
      tpu.vector_store %arg12[%swap3A_219, %swap3A_220], %swap3A_223 {strides = array<i32>} : memref<184x128xf32, #tpu.memory_space<vmem>>, vector<1x16xf32>,
      %scan3A_224 = arith.constant 0 : i32
      %scan3A_225 = arith.constant 1 : i32
      %mul3A_226 = arith.constant 16 : i32
      %mul3A_227 = arith.muli %scan3A_225, %mul3A_226 : i32
      %swap3A_228 = arith.index_cast %scan3A_214 : i32 to index
      %swap3A_229 = arith.index_cast %mul3A_227 : i32 to index
      %swap3A_230 = tpu.vector_load %arg12[%swap3A_228, %swap3A_229] {strides = array<i32>} : memref<184x128xf32, #tpu.memory_space<vmem>>, vector<1x16xf32>,
      %swap3A_231 = vector.shape_cast %swap3A_230 : vector<1x16xf32> to vector<16xf32>
      %swap3A_232 = vector.shape_cast %broadcast_in_dim3A_12 : vector<16xf32> to vector<1x16xf32>
      tpu.vector_store %arg12[%swap3A_228, %swap3A_229], %swap3A_232 {strides = array<i32>} : memref<184x128xf32, #tpu.memory_space<vmem>>, vector<1x16xf32>,
      %scan3A_233 = arith.constant 0 : i32
      %scan3A_234 = arith.constant 2 : i32
      %mul3A_235 = arith.constant 16 : i32
      %mul3A_236 = arith.muli %scan3A_234, %mul3A_235 : i32
      %swap3A_237 = arith.index_cast %scan3A_214 : i32 to index
      %swap3A_238 = arith.index_cast %mul3A_236 : i32 to index
      %swap3A_239 = tpu.vector_load %arg12[%swap3A_237, %swap3A_238] {strides = array<i32>} : memref<184x128xf32, #tpu.memory_space<vmem>>, vector<1x16xf32>,
      %swap3A_240 = vector.shape_cast %swap3A_239 : vector<1x16xf32> to vector<16xf32>
      %swap3A_241 = vector.shape_cast %broadcast_in_dim3A_12 : vector<16xf32> to vector<1x16xf32>
      tpu.vector_store %arg12[%swap3A_237, %swap3A_238], %swap3A_241 {strides = array<i32>} : memref<184x128xf32, #tpu.memory_space<vmem>>, vector<1x16xf32>,
      %scan3A_242 = arith.constant 0 : i32
      %scan3A_243 = arith.constant 3 : i32
      %mul3A_244 = arith.constant 16 : i32
      %mul3A_245 = arith.muli %scan3A_243, %mul3A_244 : i32
      %swap3A_246 = arith.index_cast %scan3A_214 : i32 to index
      %swap3A_247 = arith.index_cast %mul3A_245 : i32 to index
      %swap3A_248 = tpu.vector_load %arg12[%swap3A_246, %swap3A_247] {strides = array<i32>} : memref<184x128xf32, #tpu.memory_space<vmem>>, vector<1x16xf32>,
      %swap3A_249 = vector.shape_cast %swap3A_248 : vector<1x16xf32> to vector<16xf32>
      %swap3A_250 = vector.shape_cast %broadcast_in_dim3A_12 : vector<16xf32> to vector<1x16xf32>
      tpu.vector_store %arg12[%swap3A_246, %swap3A_247], %swap3A_250 {strides = array<i32>} : memref<184x128xf32, #tpu.memory_space<vmem>>, vector<1x16xf32>,
      %scan3A_251 = arith.constant 0 : i32
      %scan3A_252 = arith.constant 4 : i32
      %mul3A_253 = arith.constant 16 : i32
      %mul3A_254 = arith.muli %scan3A_252, %mul3A_253 : i32
      %swap3A_255 = arith.index_cast %scan3A_214 : i32 to index
      %swap3A_256 = arith.index_cast %mul3A_254 : i32 to index
      %swap3A_257 = tpu.vector_load %arg12[%swap3A_255, %swap3A_256] {strides = array<i32>} : memref<184x128xf32, #tpu.memory_space<vmem>>, vector<1x16xf32>,
      %swap3A_258 = vector.shape_cast %swap3A_257 : vector<1x16xf32> to vector<16xf32>
      %swap3A_259 = vector.shape_cast %broadcast_in_dim3A_12 : vector<16xf32> to vector<1x16xf32>
      tpu.vector_store %arg12[%swap3A_255, %swap3A_256], %swap3A_259 {strides = array<i32>} : memref<184x128xf32, #tpu.memory_space<vmem>>, vector<1x16xf32>,
      %scan3A_260 = arith.constant 0 : i32
      %scan3A_261 = arith.constant 5 : i32
      %mul3A_262 = arith.constant 16 : i32
      %mul3A_263 = arith.muli %scan3A_261, %mul3A_262 : i32
      %swap3A_264 = arith.index_cast %scan3A_214 : i32 to index
      %swap3A_265 = arith.index_cast %mul3A_263 : i32 to index
      %swap3A_266 = tpu.vector_load %arg12[%swap3A_264, %swap3A_265] {strides = array<i32>} : memref<184x128xf32, #tpu.memory_space<vmem>>, vector<1x16xf32>,
      %swap3A_267 = vector.shape_cast %swap3A_266 : vector<1x16xf32> to vector<16xf32>
      %swap3A_268 = vector.shape_cast %broadcast_in_dim3A_12 : vector<16xf32> to vector<1x16xf32>
      tpu.vector_store %arg12[%swap3A_264, %swap3A_265], %swap3A_268 {strides = array<i32>} : memref<184x128xf32, #tpu.memory_space<vmem>>, vector<1x16xf32>,
      %scan3A_269 = arith.constant 0 : i32
      %scan3A_270 = arith.constant 6 : i32
      %mul3A_271 = arith.constant 16 : i32
      %mul3A_272 = arith.muli %scan3A_270, %mul3A_271 : i32
      %swap3A_273 = arith.index_cast %scan3A_214 : i32 to index
      %swap3A_274 = arith.index_cast %mul3A_272 : i32 to index
      %swap3A_275 = tpu.vector_load %arg12[%swap3A_273, %swap3A_274] {strides = array<i32>} : memref<184x128xf32, #tpu.memory_space<vmem>>, vector<1x16xf32>,
      %swap3A_276 = vector.shape_cast %swap3A_275 : vector<1x16xf32> to vector<16xf32>
      %swap3A_277 = vector.shape_cast %broadcast_in_dim3A_12 : vector<16xf32> to vector<1x16xf32>
      tpu.vector_store %arg12[%swap3A_273, %swap3A_274], %swap3A_277 {strides = array<i32>} : memref<184x128xf32, #tpu.memory_space<vmem>>, vector<1x16xf32>,
      %scan3A_278 = arith.constant 0 : i32
      %scan3A_279 = arith.constant 7 : i32
      %mul3A_280 = arith.constant 16 : i32
      %mul3A_281 = arith.muli %scan3A_279, %mul3A_280 : i32
      %swap3A_282 = arith.index_cast %scan3A_214 : i32 to index
      %swap3A_283 = arith.index_cast %mul3A_281 : i32 to index
      %swap3A_284 = tpu.vector_load %arg12[%swap3A_282, %swap3A_283] {strides = array<i32>} : memref<184x128xf32, #tpu.memory_space<vmem>>, vector<1x16xf32>,
      %swap3A_285 = vector.shape_cast %swap3A_284 : vector<1x16xf32> to vector<16xf32>
      %swap3A_286 = vector.shape_cast %broadcast_in_dim3A_12 : vector<16xf32> to vector<1x16xf32>
      tpu.vector_store %arg12[%swap3A_282, %swap3A_283], %swap3A_286 {strides = array<i32>} : memref<184x128xf32, #tpu.memory_space<vmem>>, vector<1x16xf32>,
      %scan3A_287 = arith.constant 0 : i32
      %scan3A_288 = arith.constant 8 : i32
      %scan3A_289 = arith.constant 0 : i32
      %scan3A_290 = arith.constant 3 : i32
      %scan3A_291 = arith.addi %scan3A_60, %scan3A_290 : i32
      %scan3A_292 = arith.constant 0 : i32
      %scan3A_293 = arith.constant 0 : i32
      %mul3A_294 = arith.constant 16 : i32
      %mul3A_295 = arith.muli %scan3A_293, %mul3A_294 : i32
      %swap3A_296 = arith.index_cast %scan3A_291 : i32 to index
      %swap3A_297 = arith.index_cast %mul3A_295 : i32 to index
      %swap3A_298 = tpu.vector_load %arg12[%swap3A_296, %swap3A_297] {strides = array<i32>} : memref<184x128xf32, #tpu.memory_space<vmem>>, vector<1x16xf32>,
      %swap3A_299 = vector.shape_cast %swap3A_298 : vector<1x16xf32> to vector<16xf32>
      %swap3A_300 = vector.shape_cast %broadcast_in_dim3A_12 : vector<16xf32> to vector<1x16xf32>
      tpu.vector_store %arg12[%swap3A_296, %swap3A_297], %swap3A_300 {strides = array<i32>} : memref<184x128xf32, #tpu.memory_space<vmem>>, vector<1x16xf32>,
      %scan3A_301 = arith.constant 0 : i32
      %scan3A_302 = arith.constant 1 : i32
      %mul3A_303 = arith.constant 16 : i32
      %mul3A_304 = arith.muli %scan3A_302, %mul3A_303 : i32
      %swap3A_305 = arith.index_cast %scan3A_291 : i32 to index
      %swap3A_306 = arith.index_cast %mul3A_304 : i32 to index
      %swap3A_307 = tpu.vector_load %arg12[%swap3A_305, %swap3A_306] {strides = array<i32>} : memref<184x128xf32, #tpu.memory_space<vmem>>, vector<1x16xf32>,
      %swap3A_308 = vector.shape_cast %swap3A_307 : vector<1x16xf32> to vector<16xf32>
      %swap3A_309 = vector.shape_cast %broadcast_in_dim3A_12 : vector<16xf32> to vector<1x16xf32>
      tpu.vector_store %arg12[%swap3A_305, %swap3A_306], %swap3A_309 {strides = array<i32>} : memref<184x128xf32, #tpu.memory_space<vmem>>, vector<1x16xf32>,
      %scan3A_310 = arith.constant 0 : i32
      %scan3A_311 = arith.constant 2 : i32
      %mul3A_312 = arith.constant 16 : i32
      %mul3A_313 = arith.muli %scan3A_311, %mul3A_312 : i32
      %swap3A_314 = arith.index_cast %scan3A_291 : i32 to index
      %swap3A_315 = arith.index_cast %mul3A_313 : i32 to index
      %swap3A_316 = tpu.vector_load %arg12[%swap3A_314, %swap3A_315] {strides = array<i32>} : memref<184x128xf32, #tpu.memory_space<vmem>>, vector<1x16xf32>,
      %swap3A_317 = vector.shape_cast %swap3A_316 : vector<1x16xf32> to vector<16xf32>
      %swap3A_318 = vector.shape_cast %broadcast_in_dim3A_12 : vector<16xf32> to vector<1x16xf32>
      tpu.vector_store %arg12[%swap3A_314, %swap3A_315], %swap3A_318 {strides = array<i32>} : memref<184x128xf32, #tpu.memory_space<vmem>>, vector<1x16xf32>,
      %scan3A_319 = arith.constant 0 : i32
      %scan3A_320 = arith.constant 3 : i32
      %mul3A_321 = arith.constant 16 : i32
      %mul3A_322 = arith.muli %scan3A_320, %mul3A_321 : i32
      %swap3A_323 = arith.index_cast %scan3A_291 : i32 to index
      %swap3A_324 = arith.index_cast %mul3A_322 : i32 to index
      %swap3A_325 = tpu.vector_load %arg12[%swap3A_323, %swap3A_324] {strides = array<i32>} : memref<184x128xf32, #tpu.memory_space<vmem>>, vector<1x16xf32>,
      %swap3A_326 = vector.shape_cast %swap3A_325 : vector<1x16xf32> to vector<16xf32>
      %swap3A_327 = vector.shape_cast %broadcast_in_dim3A_12 : vector<16xf32> to vector<1x16xf32>
      tpu.vector_store %arg12[%swap3A_323, %swap3A_324], %swap3A_327 {strides = array<i32>} : memref<184x128xf32, #tpu.memory_space<vmem>>, vector<1x16xf32>,
      %scan3A_328 = arith.constant 0 : i32
      %scan3A_329 = arith.constant 4 : i32
      %mul3A_330 = arith.constant 16 : i32
      %mul3A_331 = arith.muli %scan3A_329, %mul3A_330 : i32
      %swap3A_332 = arith.index_cast %scan3A_291 : i32 to index
      %swap3A_333 = arith.index_cast %mul3A_331 : i32 to index
      %swap3A_334 = tpu.vector_load %arg12[%swap3A_332, %swap3A_333] {strides = array<i32>} : memref<184x128xf32, #tpu.memory_space<vmem>>, vector<1x16xf32>,
      %swap3A_335 = vector.shape_cast %swap3A_334 : vector<1x16xf32> to vector<16xf32>
      %swap3A_336 = vector.shape_cast %broadcast_in_dim3A_12 : vector<16xf32> to vector<1x16xf32>
      tpu.vector_store %arg12[%swap3A_332, %swap3A_333], %swap3A_336 {strides = array<i32>} : memref<184x128xf32, #tpu.memory_space<vmem>>, vector<1x16xf32>,
      %scan3A_337 = arith.constant 0 : i32
      %scan3A_338 = arith.constant 5 : i32
      %mul3A_339 = arith.constant 16 : i32
      %mul3A_340 = arith.muli %scan3A_338, %mul3A_339 : i32
      %swap3A_341 = arith.index_cast %scan3A_291 : i32 to index
      %swap3A_342 = arith.index_cast %mul3A_340 : i32 to index
      %swap3A_343 = tpu.vector_load %arg12[%swap3A_341, %swap3A_342] {strides = array<i32>} : memref<184x128xf32, #tpu.memory_space<vmem>>, vector<1x16xf32>,
      %swap3A_344 = vector.shape_cast %swap3A_343 : vector<1x16xf32> to vector<16xf32>
      %swap3A_345 = vector.shape_cast %broadcast_in_dim3A_12 : vector<16xf32> to vector<1x16xf32>
      tpu.vector_store %arg12[%swap3A_341, %swap3A_342], %swap3A_345 {strides = array<i32>} : memref<184x128xf32, #tpu.memory_space<vmem>>, vector<1x16xf32>,
      %scan3A_346 = arith.constant 0 : i32
      %scan3A_347 = arith.constant 6 : i32
      %mul3A_348 = arith.constant 16 : i32
      %mul3A_349 = arith.muli %scan3A_347, %mul3A_348 : i32
      %swap3A_350 = arith.index_cast %scan3A_291 : i32 to index
      %swap3A_351 = arith.index_cast %mul3A_349 : i32 to index
      %swap3A_352 = tpu.vector_load %arg12[%swap3A_350, %swap3A_351] {strides = array<i32>} : memref<184x128xf32, #tpu.memory_space<vmem>>, vector<1x16xf32>,
      %swap3A_353 = vector.shape_cast %swap3A_352 : vector<1x16xf32> to vector<16xf32>
      %swap3A_354 = vector.shape_cast %broadcast_in_dim3A_12 : vector<16xf32> to vector<1x16xf32>
      tpu.vector_store %arg12[%swap3A_350, %swap3A_351], %swap3A_354 {strides = array<i32>} : memref<184x128xf32, #tpu.memory_space<vmem>>, vector<1x16xf32>,
      %scan3A_355 = arith.constant 0 : i32
      %scan3A_356 = arith.constant 7 : i32
      %mul3A_357 = arith.constant 16 : i32
      %mul3A_358 = arith.muli %scan3A_356, %mul3A_357 : i32
      %swap3A_359 = arith.index_cast %scan3A_291 : i32 to index
      %swap3A_360 = arith.index_cast %mul3A_358 : i32 to index
      %swap3A_361 = tpu.vector_load %arg12[%swap3A_359, %swap3A_360] {strides = array<i32>} : memref<184x128xf32, #tpu.memory_space<vmem>>, vector<1x16xf32>,
      %swap3A_362 = vector.shape_cast %swap3A_361 : vector<1x16xf32> to vector<16xf32>
      %swap3A_363 = vector.shape_cast %broadcast_in_dim3A_12 : vector<16xf32> to vector<1x16xf32>
      tpu.vector_store %arg12[%swap3A_359, %swap3A_360], %swap3A_363 {strides = array<i32>} : memref<184x128xf32, #tpu.memory_space<vmem>>, vector<1x16xf32>,
      %scan3A_364 = arith.constant 0 : i32
      %scan3A_365 = arith.constant 8 : i32
      %scan3A_366 = arith.constant 0 : i32
      scf.yield %scan3A_366 : i32
    }
    %scan3A_18 = arith.constant 184 : i32
    %mul3A_19 = arith.constant 640 : i32
    %mul3A_20 = arith.muli %arg1, %mul3A_19 : i32
    %add3A_21 = arith.constant 0 : i32
    %add3A_22 = arith.addi %mul3A_20, %add3A_21 : i32
    "tpu.region"() ({
      %run_scoped3A = tpu.sem_alloc : memref<!tpu.dma_semaphore, #tpu.memory_space<semaphore_mem>>
      %dma_start3A_60 = arith.constant 0 : i32
      %dma_start3A_61 = tpu.memref_slice %arg13[%add3A_22, %dma_start3A_60] : memref<10240x128xf32, #tpu.memory_space<vmem_shared>> -> memref<184x128xf32, #tpu.memory_space<vmem_shared>>
      %dma_start3A_62 = arith.constant 0 : i32
      %dma_start3A_63 = tpu.memref_slice %arg13[%add3A_22, %dma_start3A_62] : memref<10240x128xf32, #tpu.memory_space<vmem_shared>> -> memref<184x128xf32, #tpu.memory_space<vmem_shared>>
      tpu.enqueue_dma source(%arg12 : memref<184x128xf32, #tpu.memory_space<vmem>>) target(%dma_start3A_63 : memref<184x128xf32, #tpu.memory_space<vmem_shared>>) target_semaphore(%run_scoped3A : memref<!tpu.dma_semaphore, #tpu.memory_space<semaphore_mem>>)
      %dma_wait3A_64 = arith.constant 0 : i32
      %dma_wait3A_65 = tpu.memref_slice %arg13[%add3A_22, %dma_wait3A_64] : memref<10240x128xf32, #tpu.memory_space<vmem_shared>> -> memref<184x128xf32, #tpu.memory_space<vmem_shared>>
      %dma_wait3A_66 = arith.constant 0 : i32
      %dma_wait3A_67 = tpu.memref_slice %arg13[%add3A_22, %dma_wait3A_66] : memref<10240x128xf32, #tpu.memory_space<vmem_shared>> -> memref<184x128xf32, #tpu.memory_space<vmem_shared>>
      tpu.wait_dma2 semaphore(%run_scoped3A : memref<!tpu.dma_semaphore, #tpu.memory_space<semaphore_mem>>) src(%arg12 : memref<184x128xf32, #tpu.memory_space<vmem>>) dst(%dma_wait3A_67 : memref<184x128xf32, #tpu.memory_space<vmem_shared>>)
      tpu.yield
    }) : () -> ()
    %mul3A_23 = arith.constant 640 : i32
    %mul3A_24 = arith.muli %arg1, %mul3A_23 : i32
    %add3A_25 = arith.constant 184 : i32
    %add3A_26 = arith.addi %mul3A_24, %add3A_25 : i32
    "tpu.region"() ({
      %run_scoped3A = tpu.sem_alloc : memref<!tpu.dma_semaphore, #tpu.memory_space<semaphore_mem>>
      %dma_start3A_60 = arith.constant 0 : i32
      %dma_start3A_61 = tpu.memref_slice %arg13[%add3A_26, %dma_start3A_60] : memref<10240x128xf32, #tpu.memory_space<vmem_shared>> -> memref<184x128xf32, #tpu.memory_space<vmem_shared>>
      %dma_start3A_62 = arith.constant 0 : i32
      %dma_start3A_63 = tpu.memref_slice %arg13[%add3A_26, %dma_start3A_62] : memref<10240x128xf32, #tpu.memory_space<vmem_shared>> -> memref<184x128xf32, #tpu.memory_space<vmem_shared>>
      tpu.enqueue_dma source(%arg12 : memref<184x128xf32, #tpu.memory_space<vmem>>) target(%dma_start3A_63 : memref<184x128xf32, #tpu.memory_space<vmem_shared>>) target_semaphore(%run_scoped3A : memref<!tpu.dma_semaphore, #tpu.memory_space<semaphore_mem>>)
      %dma_wait3A_64 = arith.constant 0 : i32
      %dma_wait3A_65 = tpu.memref_slice %arg13[%add3A_26, %dma_wait3A_64] : memref<10240x128xf32, #tpu.memory_space<vmem_shared>> -> memref<184x128xf32, #tpu.memory_space<vmem_shared>>
      %dma_wait3A_66 = arith.constant 0 : i32
      %dma_wait3A_67 = tpu.memref_slice %arg13[%add3A_26, %dma_wait3A_66] : memref<10240x128xf32, #tpu.memory_space<vmem_shared>> -> memref<184x128xf32, #tpu.memory_space<vmem_shared>>
      tpu.wait_dma2 semaphore(%run_scoped3A : memref<!tpu.dma_semaphore, #tpu.memory_space<semaphore_mem>>) src(%arg12 : memref<184x128xf32, #tpu.memory_space<vmem>>) dst(%dma_wait3A_67 : memref<184x128xf32, #tpu.memory_space<vmem_shared>>)
      tpu.yield
    }) : () -> ()
    %mul3A_27 = arith.constant 640 : i32
    %mul3A_28 = arith.muli %arg1, %mul3A_27 : i32
    %add3A_29 = arith.constant 368 : i32
    %add3A_30 = arith.addi %mul3A_28, %add3A_29 : i32
    "tpu.region"() ({
      %run_scoped3A = tpu.sem_alloc : memref<!tpu.dma_semaphore, #tpu.memory_space<semaphore_mem>>
      %dma_start3A_60 = arith.constant 0 : i32
      %dma_start3A_61 = tpu.memref_slice %arg13[%add3A_30, %dma_start3A_60] : memref<10240x128xf32, #tpu.memory_space<vmem_shared>> -> memref<184x128xf32, #tpu.memory_space<vmem_shared>>
      %dma_start3A_62 = arith.constant 0 : i32
      %dma_start3A_63 = tpu.memref_slice %arg13[%add3A_30, %dma_start3A_62] : memref<10240x128xf32, #tpu.memory_space<vmem_shared>> -> memref<184x128xf32, #tpu.memory_space<vmem_shared>>
      tpu.enqueue_dma source(%arg12 : memref<184x128xf32, #tpu.memory_space<vmem>>) target(%dma_start3A_63 : memref<184x128xf32, #tpu.memory_space<vmem_shared>>) target_semaphore(%run_scoped3A : memref<!tpu.dma_semaphore, #tpu.memory_space<semaphore_mem>>)
      %dma_wait3A_64 = arith.constant 0 : i32
      %dma_wait3A_65 = tpu.memref_slice %arg13[%add3A_30, %dma_wait3A_64] : memref<10240x128xf32, #tpu.memory_space<vmem_shared>> -> memref<184x128xf32, #tpu.memory_space<vmem_shared>>
      %dma_wait3A_66 = arith.constant 0 : i32
      %dma_wait3A_67 = tpu.memref_slice %arg13[%add3A_30, %dma_wait3A_66] : memref<10240x128xf32, #tpu.memory_space<vmem_shared>> -> memref<184x128xf32, #tpu.memory_space<vmem_shared>>
      tpu.wait_dma2 semaphore(%run_scoped3A : memref<!tpu.dma_semaphore, #tpu.memory_space<semaphore_mem>>) src(%arg12 : memref<184x128xf32, #tpu.memory_space<vmem>>) dst(%dma_wait3A_67 : memref<184x128xf32, #tpu.memory_space<vmem_shared>>)
      tpu.yield
    }) : () -> ()
    %mul3A_31 = arith.constant 640 : i32
    %mul3A_32 = arith.muli %arg1, %mul3A_31 : i32
    %add3A_33 = arith.constant 552 : i32
    %add3A_34 = arith.addi %mul3A_32, %add3A_33 : i32
    "tpu.region"() ({
      %run_scoped3A = tpu.sem_alloc : memref<!tpu.dma_semaphore, #tpu.memory_space<semaphore_mem>>
      %dma_start3A_60 = arith.constant 0 : i32
      %dma_start3A_61 = arith.constant 0 : i32
      %dma_start3A_62 = tpu.memref_slice %arg12[%dma_start3A_60, %dma_start3A_61] : memref<184x128xf32, #tpu.memory_space<vmem>> -> memref<88x128xf32, #tpu.memory_space<vmem>>
      %dma_start3A_63 = arith.constant 0 : i32
      %dma_start3A_64 = tpu.memref_slice %arg13[%add3A_34, %dma_start3A_63] : memref<10240x128xf32, #tpu.memory_space<vmem_shared>> -> memref<88x128xf32, #tpu.memory_space<vmem_shared>>
      %dma_start3A_65 = arith.constant 0 : i32
      %dma_start3A_66 = tpu.memref_slice %arg13[%add3A_34, %dma_start3A_65] : memref<10240x128xf32, #tpu.memory_space<vmem_shared>> -> memref<88x128xf32, #tpu.memory_space<vmem_shared>>
      %dma_start3A_67 = arith.constant 0 : i32
      %dma_start3A_68 = arith.constant 0 : i32
      %dma_start3A_69 = tpu.memref_slice %arg12[%dma_start3A_67, %dma_start3A_68] : memref<184x128xf32, #tpu.memory_space<vmem>> -> memref<88x128xf32, #tpu.memory_space<vmem>>
      tpu.enqueue_dma source(%dma_start3A_69 : memref<88x128xf32, #tpu.memory_space<vmem>>) target(%dma_start3A_66 : memref<88x128xf32, #tpu.memory_space<vmem_shared>>) target_semaphore(%run_scoped3A : memref<!tpu.dma_semaphore, #tpu.memory_space<semaphore_mem>>)
      %dma_wait3A_70 = arith.constant 0 : i32
      %dma_wait3A_71 = arith.constant 0 : i32
      %dma_wait3A_72 = tpu.memref_slice %arg12[%dma_wait3A_70, %dma_wait3A_71] : memref<184x128xf32, #tpu.memory_space<vmem>> -> memref<88x128xf32, #tpu.memory_space<vmem>>
      %dma_wait3A_73 = arith.constant 0 : i32
      %dma_wait3A_74 = tpu.memref_slice %arg13[%add3A_34, %dma_wait3A_73] : memref<10240x128xf32, #tpu.memory_space<vmem_shared>> -> memref<88x128xf32, #tpu.memory_space<vmem_shared>>
      %dma_wait3A_75 = arith.constant 0 : i32
      %dma_wait3A_76 = tpu.memref_slice %arg13[%add3A_34, %dma_wait3A_75] : memref<10240x128xf32, #tpu.memory_space<vmem_shared>> -> memref<88x128xf32, #tpu.memory_space<vmem_shared>>
      %dma_wait3A_77 = arith.constant 0 : i32
      %dma_wait3A_78 = arith.constant 0 : i32
      %dma_wait3A_79 = tpu.memref_slice %arg12[%dma_wait3A_77, %dma_wait3A_78] : memref<184x128xf32, #tpu.memory_space<vmem>> -> memref<88x128xf32, #tpu.memory_space<vmem>>
      tpu.wait_dma2 semaphore(%run_scoped3A : memref<!tpu.dma_semaphore, #tpu.memory_space<semaphore_mem>>) src(%dma_wait3A_79 : memref<88x128xf32, #tpu.memory_space<vmem>>) dst(%dma_wait3A_76 : memref<88x128xf32, #tpu.memory_space<vmem_shared>>)
      tpu.yield
    }) : () -> ()
    %barrier3A = arith.constant 0 : index
    tpu.barrier barrier_id(%barrier3A)
    %scan3A_35 = arith.constant 0 : i32
    %scan3A_36 = arith.constant 0 : i32
    %scan3A_37 = arith.constant 27 : i32
    %scan3A_38 = arith.addi %scan3A_36, %scan3A_37 : i32
    %scan3A_39 = arith.constant 1 : i32
    %scan3A_40 = scf.for %scan3A_60 = %scan3A_36 to %scan3A_38 step %scan3A_39 iter_args(%scan3A_61 = %scan3A_35) -> (i32)  : i32 {
      %mul3A_62 = arith.constant 2 : i32
      %mul3A_63 = arith.muli %mul3A_62, %scan3A_60 : i32
      %add3A_64 = arith.constant 1 : i32
      %add3A_65 = arith.addi %mul3A_63, %add3A_64 : i32
      %mul3A_66 = arith.constant 184 : i32
      %mul3A_67 = arith.muli %add3A_65, %mul3A_66 : i32
      %add3A_68 = arith.addi %mul3A_2, %mul3A_67 : i32
      %mul3A_69 = arith.constant 2 : i32
      %mul3A_70 = arith.muli %mul3A_69, %scan3A_60 : i32
      %add3A_71 = arith.constant 2 : i32
      %add3A_72 = arith.addi %mul3A_70, %add3A_71 : i32
      %mul3A_73 = arith.constant 184 : i32
      %mul3A_74 = arith.muli %add3A_72, %mul3A_73 : i32
      %add3A_75 = arith.addi %mul3A_2, %mul3A_74 : i32
      %dma_start3A_76 = tpu.memref_slice %arg3[%add3A_68] : memref<320000xi32, #tpu.memory_space<hbm>> -> memref<184xi32, #tpu.memory_space<hbm>>
      %dma_start3A_77 = tpu.memref_slice %arg3[%add3A_68] : memref<320000xi32, #tpu.memory_space<hbm>> -> memref<184xi32, #tpu.memory_space<hbm>>
      tpu.enqueue_dma source(%dma_start3A_77 : memref<184xi32, #tpu.memory_space<hbm>>) target(%arg7 : memref<184xi32, #tpu.memory_space<vmem>>) target_semaphore(%arg15 : memref<!tpu.dma_semaphore, #tpu.memory_space<semaphore_mem>>)
      %dma_start3A_78 = tpu.memref_slice %arg4[%add3A_68] : memref<320000xi32, #tpu.memory_space<hbm>> -> memref<184xi32, #tpu.memory_space<hbm>>
      %dma_start3A_79 = tpu.memref_slice %arg4[%add3A_68] : memref<320000xi32, #tpu.memory_space<hbm>> -> memref<184xi32, #tpu.memory_space<hbm>>
      tpu.enqueue_dma source(%dma_start3A_79 : memref<184xi32, #tpu.memory_space<hbm>>) target(%arg9 : memref<184xi32, #tpu.memory_space<vmem>>) target_semaphore(%arg15 : memref<!tpu.dma_semaphore, #tpu.memory_space<semaphore_mem>>)
      %dma_wait3A_80 = arith.constant 0 : i32
      %dma_wait3A_81 = arith.constant 0 : i32
      %dma_wait3A_82 = tpu.memref_slice %arg2[%dma_wait3A_80, %dma_wait3A_81] : memref<10000x128xf32, #tpu.memory_space<hbm>> -> memref<10000x128xf32, #tpu.memory_space<hbm>>
      tpu.wait_indirect_dma semaphore(%arg16 : memref<!tpu.dma_semaphore, #tpu.memory_space<semaphore_mem>>) src(%dma_wait3A_82 : memref<10000x128xf32, #tpu.memory_space<hbm>>) dst(%arg11 : memref<184x128xf32, #tpu.memory_space<vmem>>)
      %dma_start3A_83 = arith.constant 0 : i32
      %dma_start3A_84 = arith.constant 0 : i32
      %dma_start3A_85 = tpu.memref_slice %arg13[%dma_start3A_83, %dma_start3A_84] : memref<10240x128xf32, #tpu.memory_space<vmem_shared>> -> memref<10240x128xf32, #tpu.memory_space<vmem_shared>>
      tpu.enqueue_indirect_dma source(%arg11 : memref<184x128xf32, #tpu.memory_space<vmem>>) target(%dma_start3A_85 : memref<10240x128xf32, #tpu.memory_space<vmem_shared>>) offsets(%arg8 : memref<184xi32, #tpu.memory_space<vmem>>) semaphore(%arg18 : memref<!tpu.dma_semaphore, #tpu.memory_space<semaphore_mem>>) {add = true}
      %dma_wait3A_86 = tpu.memref_slice %arg3[%add3A_68] : memref<320000xi32, #tpu.memory_space<hbm>> -> memref<184xi32, #tpu.memory_space<hbm>>
      %dma_wait3A_87 = tpu.memref_slice %arg3[%add3A_68] : memref<320000xi32, #tpu.memory_space<hbm>> -> memref<184xi32, #tpu.memory_space<hbm>>
      tpu.wait_dma2 semaphore(%arg15 : memref<!tpu.dma_semaphore, #tpu.memory_space<semaphore_mem>>) src(%dma_wait3A_87 : memref<184xi32, #tpu.memory_space<hbm>>) dst(%arg7 : memref<184xi32, #tpu.memory_space<vmem>>)
      %dma_wait3A_88 = tpu.memref_slice %arg4[%add3A_68] : memref<320000xi32, #tpu.memory_space<hbm>> -> memref<184xi32, #tpu.memory_space<hbm>>
      %dma_wait3A_89 = tpu.memref_slice %arg4[%add3A_68] : memref<320000xi32, #tpu.memory_space<hbm>> -> memref<184xi32, #tpu.memory_space<hbm>>
      tpu.wait_dma2 semaphore(%arg15 : memref<!tpu.dma_semaphore, #tpu.memory_space<semaphore_mem>>) src(%dma_wait3A_89 : memref<184xi32, #tpu.memory_space<hbm>>) dst(%arg9 : memref<184xi32, #tpu.memory_space<vmem>>)
      %dma_start3A_90 = arith.constant 0 : i32
      %dma_start3A_91 = arith.constant 0 : i32
      %dma_start3A_92 = tpu.memref_slice %arg2[%dma_start3A_90, %dma_start3A_91] : memref<10000x128xf32, #tpu.memory_space<hbm>> -> memref<10000x128xf32, #tpu.memory_space<hbm>>
      tpu.enqueue_indirect_dma source(%dma_start3A_92 : memref<10000x128xf32, #tpu.memory_space<hbm>>) target(%arg12 : memref<184x128xf32, #tpu.memory_space<vmem>>) offsets(%arg7 : memref<184xi32, #tpu.memory_space<vmem>>) semaphore(%arg17 : memref<!tpu.dma_semaphore, #tpu.memory_space<semaphore_mem>>)
      %dma_wait3A_93 = arith.constant 0 : i32
      %dma_wait3A_94 = arith.constant 0 : i32
      %dma_wait3A_95 = tpu.memref_slice %arg13[%dma_wait3A_93, %dma_wait3A_94] : memref<10240x128xf32, #tpu.memory_space<vmem_shared>> -> memref<10240x128xf32, #tpu.memory_space<vmem_shared>>
      tpu.wait_indirect_dma semaphore(%arg18 : memref<!tpu.dma_semaphore, #tpu.memory_space<semaphore_mem>>) src(%arg11 : memref<184x128xf32, #tpu.memory_space<vmem>>) dst(%dma_wait3A_95 : memref<10240x128xf32, #tpu.memory_space<vmem_shared>>)
      %lt3A = arith.constant 26 : i32
      %lt3A_96 = arith.cmpi slt, %scan3A_60, %lt3A : i32
      %convert_element_type3A = arith.extui %lt3A_96 : i1 to i32
      %cond3A = arith.constant 0 : i32
      %cond3A_97 = arith.cmpi ne, %convert_element_type3A, %cond3A : i32
      scf.if %cond3A_97 {
        %dma_start3A_113 = tpu.memref_slice %arg3[%add3A_75] : memref<320000xi32, #tpu.memory_space<hbm>> -> memref<184xi32, #tpu.memory_space<hbm>>
        %dma_start3A_114 = tpu.memref_slice %arg3[%add3A_75] : memref<320000xi32, #tpu.memory_space<hbm>> -> memref<184xi32, #tpu.memory_space<hbm>>
        tpu.enqueue_dma source(%dma_start3A_114 : memref<184xi32, #tpu.memory_space<hbm>>) target(%arg6 : memref<184xi32, #tpu.memory_space<vmem>>) target_semaphore(%arg14 : memref<!tpu.dma_semaphore, #tpu.memory_space<semaphore_mem>>)
        %dma_start3A_115 = tpu.memref_slice %arg4[%add3A_75] : memref<320000xi32, #tpu.memory_space<hbm>> -> memref<184xi32, #tpu.memory_space<hbm>>
        %dma_start3A_116 = tpu.memref_slice %arg4[%add3A_75] : memref<320000xi32, #tpu.memory_space<hbm>> -> memref<184xi32, #tpu.memory_space<hbm>>
        tpu.enqueue_dma source(%dma_start3A_116 : memref<184xi32, #tpu.memory_space<hbm>>) target(%arg8 : memref<184xi32, #tpu.memory_space<vmem>>) target_semaphore(%arg14 : memref<!tpu.dma_semaphore, #tpu.memory_space<semaphore_mem>>)
      } else {
      }
      %dma_wait3A_98 = arith.constant 0 : i32
      %dma_wait3A_99 = arith.constant 0 : i32
      %dma_wait3A_100 = tpu.memref_slice %arg2[%dma_wait3A_98, %dma_wait3A_99] : memref<10000x128xf32, #tpu.memory_space<hbm>> -> memref<10000x128xf32, #tpu.memory_space<hbm>>
      tpu.wait_indirect_dma semaphore(%arg17 : memref<!tpu.dma_semaphore, #tpu.memory_space<semaphore_mem>>) src(%dma_wait3A_100 : memref<10000x128xf32, #tpu.memory_space<hbm>>) dst(%arg12 : memref<184x128xf32, #tpu.memory_space<vmem>>)
      %dma_start3A_101 = arith.constant 0 : i32
      %dma_start3A_102 = arith.constant 0 : i32
      %dma_start3A_103 = tpu.memref_slice %arg13[%dma_start3A_101, %dma_start3A_102] : memref<10240x128xf32, #tpu.memory_space<vmem_shared>> -> memref<10240x128xf32, #tpu.memory_space<vmem_shared>>
      tpu.enqueue_indirect_dma source(%arg12 : memref<184x128xf32, #tpu.memory_space<vmem>>) target(%dma_start3A_103 : memref<10240x128xf32, #tpu.memory_space<vmem_shared>>) offsets(%arg9 : memref<184xi32, #tpu.memory_space<vmem>>) semaphore(%arg19 : memref<!tpu.dma_semaphore, #tpu.memory_space<semaphore_mem>>) {add = true}
      %lt3A_104 = arith.constant 26 : i32
      %lt3A_105 = arith.cmpi slt, %scan3A_60, %lt3A_104 : i32
      %convert_element_type3A_106 = arith.extui %lt3A_105 : i1 to i32
      %cond3A_107 = arith.constant 0 : i32
      %cond3A_108 = arith.cmpi ne, %convert_element_type3A_106, %cond3A_107 : i32
      scf.if %cond3A_108 {
        %dma_wait3A_113 = tpu.memref_slice %arg3[%add3A_75] : memref<320000xi32, #tpu.memory_space<hbm>> -> memref<184xi32, #tpu.memory_space<hbm>>
        %dma_wait3A_114 = tpu.memref_slice %arg3[%add3A_75] : memref<320000xi32, #tpu.memory_space<hbm>> -> memref<184xi32, #tpu.memory_space<hbm>>
        tpu.wait_dma2 semaphore(%arg14 : memref<!tpu.dma_semaphore, #tpu.memory_space<semaphore_mem>>) src(%dma_wait3A_114 : memref<184xi32, #tpu.memory_space<hbm>>) dst(%arg6 : memref<184xi32, #tpu.memory_space<vmem>>)
        %dma_wait3A_115 = tpu.memref_slice %arg4[%add3A_75] : memref<320000xi32, #tpu.memory_space<hbm>> -> memref<184xi32, #tpu.memory_space<hbm>>
        %dma_wait3A_116 = tpu.memref_slice %arg4[%add3A_75] : memref<320000xi32, #tpu.memory_space<hbm>> -> memref<184xi32, #tpu.memory_space<hbm>>
        tpu.wait_dma2 semaphore(%arg14 : memref<!tpu.dma_semaphore, #tpu.memory_space<semaphore_mem>>) src(%dma_wait3A_116 : memref<184xi32, #tpu.memory_space<hbm>>) dst(%arg8 : memref<184xi32, #tpu.memory_space<vmem>>)
        %dma_start3A_117 = arith.constant 0 : i32
        %dma_start3A_118 = arith.constant 0 : i32
        %dma_start3A_119 = tpu.memref_slice %arg2[%dma_start3A_117, %dma_start3A_118] : memref<10000x128xf32, #tpu.memory_space<hbm>> -> memref<10000x128xf32, #tpu.memory_space<hbm>>
        tpu.enqueue_indirect_dma source(%dma_start3A_119 : memref<10000x128xf32, #tpu.memory_space<hbm>>) target(%arg11 : memref<184x128xf32, #tpu.memory_space<vmem>>) offsets(%arg6 : memref<184xi32, #tpu.memory_space<vmem>>) semaphore(%arg16 : memref<!tpu.dma_semaphore, #tpu.memory_space<semaphore_mem>>)
      } else {
      }
      %dma_wait3A_109 = arith.constant 0 : i32
      %dma_wait3A_110 = arith.constant 0 : i32
      %dma_wait3A_111 = tpu.memref_slice %arg13[%dma_wait3A_109, %dma_wait3A_110] : memref<10240x128xf32, #tpu.memory_space<vmem_shared>> -> memref<10240x128xf32, #tpu.memory_space<vmem_shared>>
      tpu.wait_indirect_dma semaphore(%arg19 : memref<!tpu.dma_semaphore, #tpu.memory_space<semaphore_mem>>) src(%arg12 : memref<184x128xf32, #tpu.memory_space<vmem>>) dst(%dma_wait3A_111 : memref<10240x128xf32, #tpu.memory_space<vmem_shared>>)
      %scan3A_112 = arith.constant 0 : i32
      scf.yield %scan3A_112 : i32
    }
    %scan3A_41 = arith.constant 27 : i32
    %add3A_42 = arith.constant 10000 : i32
    %add3A_43 = arith.addi %mul3A_2, %add3A_42 : i32
    %sub3A = arith.constant 184 : i32
    %sub3A_44 = arith.subi %add3A_43, %sub3A : i32
    "tpu.region"() ({
      %run_scoped3A = tpu.sem_alloc : memref<!tpu.dma_semaphore, #tpu.memory_space<semaphore_mem>>
      %dma_start3A_60 = tpu.memref_slice %arg3[%sub3A_44] : memref<320000xi32, #tpu.memory_space<hbm>> -> memref<184xi32, #tpu.memory_space<hbm>>
      %dma_start3A_61 = tpu.memref_slice %arg3[%sub3A_44] : memref<320000xi32, #tpu.memory_space<hbm>> -> memref<184xi32, #tpu.memory_space<hbm>>
      tpu.enqueue_dma source(%dma_start3A_61 : memref<184xi32, #tpu.memory_space<hbm>>) target(%arg6 : memref<184xi32, #tpu.memory_space<vmem>>) target_semaphore(%run_scoped3A : memref<!tpu.dma_semaphore, #tpu.memory_space<semaphore_mem>>)
      %dma_wait3A_62 = tpu.memref_slice %arg3[%sub3A_44] : memref<320000xi32, #tpu.memory_space<hbm>> -> memref<184xi32, #tpu.memory_space<hbm>>
      %dma_wait3A_63 = tpu.memref_slice %arg3[%sub3A_44] : memref<320000xi32, #tpu.memory_space<hbm>> -> memref<184xi32, #tpu.memory_space<hbm>>
      tpu.wait_dma2 semaphore(%run_scoped3A : memref<!tpu.dma_semaphore, #tpu.memory_space<semaphore_mem>>) src(%dma_wait3A_63 : memref<184xi32, #tpu.memory_space<hbm>>) dst(%arg6 : memref<184xi32, #tpu.memory_space<vmem>>)
      tpu.yield
    }) : () -> ()
    %add3A_45 = arith.constant 10000 : i32
    %add3A_46 = arith.addi %mul3A_2, %add3A_45 : i32
    %sub3A_47 = arith.constant 64 : i32
    %sub3A_48 = arith.subi %add3A_46, %sub3A_47 : i32
    "tpu.region"() ({
      %run_scoped3A = tpu.sem_alloc : memref<!tpu.dma_semaphore, #tpu.memory_space<semaphore_mem>>
      %dma_start3A_60 = tpu.memref_slice %arg4[%sub3A_48] : memref<320000xi32, #tpu.memory_space<hbm>> -> memref<64xi32, #tpu.memory_space<hbm>>
      %dma_start3A_61 = tpu.memref_slice %arg4[%sub3A_48] : memref<320000xi32, #tpu.memory_space<hbm>> -> memref<64xi32, #tpu.memory_space<hbm>>
      tpu.enqueue_dma source(%dma_start3A_61 : memref<64xi32, #tpu.memory_space<hbm>>) target(%arg10 : memref<64xi32, #tpu.memory_space<vmem>>) target_semaphore(%run_scoped3A : memref<!tpu.dma_semaphore, #tpu.memory_space<semaphore_mem>>)
      %dma_wait3A_62 = tpu.memref_slice %arg4[%sub3A_48] : memref<320000xi32, #tpu.memory_space<hbm>> -> memref<64xi32, #tpu.memory_space<hbm>>
      %dma_wait3A_63 = tpu.memref_slice %arg4[%sub3A_48] : memref<320000xi32, #tpu.memory_space<hbm>> -> memref<64xi32, #tpu.memory_space<hbm>>
      tpu.wait_dma2 semaphore(%run_scoped3A : memref<!tpu.dma_semaphore, #tpu.memory_space<semaphore_mem>>) src(%dma_wait3A_63 : memref<64xi32, #tpu.memory_space<hbm>>) dst(%arg10 : memref<64xi32, #tpu.memory_space<vmem>>)
      tpu.yield
    }) : () -> ()
    %dma_start3A_49 = arith.constant 0 : i32
    %dma_start3A_50 = arith.constant 0 : i32
    %dma_start3A_51 = tpu.memref_slice %arg2[%dma_start3A_49, %dma_start3A_50] : memref<10000x128xf32, #tpu.memory_space<hbm>> -> memref<10000x128xf32, #tpu.memory_space<hbm>>
    tpu.enqueue_indirect_dma source(%dma_start3A_51 : memref<10000x128xf32, #tpu.memory_space<hbm>>) target(%arg11 : memref<184x128xf32, #tpu.memory_space<vmem>>) offsets(%arg6 : memref<184xi32, #tpu.memory_space<vmem>>) semaphore(%arg16 : memref<!tpu.dma_semaphore, #tpu.memory_space<semaphore_mem>>)
    %dma_wait3A_52 = arith.constant 0 : i32
    %dma_wait3A_53 = arith.constant 0 : i32
    %dma_wait3A_54 = tpu.memref_slice %arg2[%dma_wait3A_52, %dma_wait3A_53] : memref<10000x128xf32, #tpu.memory_space<hbm>> -> memref<10000x128xf32, #tpu.memory_space<hbm>>
    tpu.wait_indirect_dma semaphore(%arg16 : memref<!tpu.dma_semaphore, #tpu.memory_space<semaphore_mem>>) src(%dma_wait3A_54 : memref<10000x128xf32, #tpu.memory_space<hbm>>) dst(%arg11 : memref<184x128xf32, #tpu.memory_space<vmem>>)
    "tpu.region"() ({
      %run_scoped3A = tpu.sem_alloc : memref<!tpu.dma_semaphore, #tpu.memory_space<semaphore_mem>>
      %dma_start3A_60 = arith.constant 120 : i32
      %dma_start3A_61 = arith.constant 0 : i32
      %dma_start3A_62 = tpu.memref_slice %arg11[%dma_start3A_60, %dma_start3A_61] : memref<184x128xf32, #tpu.memory_space<vmem>> -> memref<64x128xf32, #tpu.memory_space<vmem>>
      %dma_start3A_63 = arith.constant 0 : i32
      %dma_start3A_64 = arith.constant 0 : i32
      %dma_start3A_65 = tpu.memref_slice %arg13[%dma_start3A_63, %dma_start3A_64] : memref<10240x128xf32, #tpu.memory_space<vmem_shared>> -> memref<10240x128xf32, #tpu.memory_space<vmem_shared>>
      tpu.enqueue_indirect_dma source(%dma_start3A_62 : memref<64x128xf32, #tpu.memory_space<vmem>>) target(%dma_start3A_65 : memref<10240x128xf32, #tpu.memory_space<vmem_shared>>) offsets(%arg10 : memref<64xi32, #tpu.memory_space<vmem>>) semaphore(%run_scoped3A : memref<!tpu.dma_semaphore, #tpu.memory_space<semaphore_mem>>) {add = true}
      %dma_wait3A_66 = arith.constant 120 : i32
      %dma_wait3A_67 = arith.constant 0 : i32
      %dma_wait3A_68 = tpu.memref_slice %arg11[%dma_wait3A_66, %dma_wait3A_67] : memref<184x128xf32, #tpu.memory_space<vmem>> -> memref<64x128xf32, #tpu.memory_space<vmem>>
      %dma_wait3A_69 = arith.constant 0 : i32
      %dma_wait3A_70 = arith.constant 0 : i32
      %dma_wait3A_71 = tpu.memref_slice %arg13[%dma_wait3A_69, %dma_wait3A_70] : memref<10240x128xf32, #tpu.memory_space<vmem_shared>> -> memref<10240x128xf32, #tpu.memory_space<vmem_shared>>
      tpu.wait_indirect_dma semaphore(%run_scoped3A : memref<!tpu.dma_semaphore, #tpu.memory_space<semaphore_mem>>) src(%dma_wait3A_68 : memref<64x128xf32, #tpu.memory_space<vmem>>) dst(%dma_wait3A_71 : memref<10240x128xf32, #tpu.memory_space<vmem_shared>>)
      tpu.yield
    }) : () -> ()
    %barrier3A_55 = arith.constant 0 : index
    tpu.barrier barrier_id(%barrier3A_55)
    %mul3A_56 = arith.constant 640 : i32
    %mul3A_57 = arith.muli %arg1, %mul3A_56 : i32
    %mul3A_58 = arith.constant 640 : i32
    %mul3A_59 = arith.muli %arg1, %mul3A_58 : i32
    "tpu.region"() ({
      %run_scoped3A = tpu.sem_alloc : memref<!tpu.dma_semaphore, #tpu.memory_space<semaphore_mem>>
      %dma_start3A_60 = arith.constant 0 : i32
      %dma_start3A_61 = tpu.memref_slice %arg5[%arg0, %mul3A_59, %dma_start3A_60] : memref<2x10240x128xf32, #tpu.memory_space<hbm>> -> memref<1x640x128xf32, #tpu.memory_space<hbm>>
      %dma_start3A_62 = tpu.memref_squeeze %dma_start3A_61 : memref<1x640x128xf32, #tpu.memory_space<hbm>> -> memref<640x128xf32, #tpu.memory_space<hbm>>
      %dma_start3A_63 = arith.constant 0 : i32
      %dma_start3A_64 = tpu.memref_slice %arg13[%mul3A_57, %dma_start3A_63] : memref<10240x128xf32, #tpu.memory_space<vmem_shared>> -> memref<640x128xf32, #tpu.memory_space<vmem_shared>>
      tpu.enqueue_dma source(%dma_start3A_64 : memref<640x128xf32, #tpu.memory_space<vmem_shared>>) target(%dma_start3A_62 : memref<640x128xf32, #tpu.memory_space<hbm>>) target_semaphore(%run_scoped3A : memref<!tpu.dma_semaphore, #tpu.memory_space<semaphore_mem>>)
      %dma_wait3A_65 = arith.constant 0 : i32
      %dma_wait3A_66 = tpu.memref_slice %arg5[%arg0, %mul3A_59, %dma_wait3A_65] : memref<2x10240x128xf32, #tpu.memory_space<hbm>> -> memref<1x640x128xf32, #tpu.memory_space<hbm>>
      %dma_wait3A_67 = tpu.memref_squeeze %dma_wait3A_66 : memref<1x640x128xf32, #tpu.memory_space<hbm>> -> memref<640x128xf32, #tpu.memory_space<hbm>>
      %dma_wait3A_68 = arith.constant 0 : i32
      %dma_wait3A_69 = tpu.memref_slice %arg13[%mul3A_57, %dma_wait3A_68] : memref<10240x128xf32, #tpu.memory_space<vmem_shared>> -> memref<640x128xf32, #tpu.memory_space<vmem_shared>>
      tpu.wait_dma2 semaphore(%run_scoped3A : memref<!tpu.dma_semaphore, #tpu.memory_space<semaphore_mem>>) src(%dma_wait3A_69 : memref<640x128xf32, #tpu.memory_space<vmem_shared>>) dst(%dma_wait3A_67 : memref<640x128xf32, #tpu.memory_space<hbm>>)
      tpu.yield
    }) : () -> ()
    return
  }
}

#map = affine_map<(d0, d1) -> (0, 0)>
#map1 = affine_map<(d0, d1) -> (0)>
#map2 = affine_map<(d0, d1) -> (0, 0, 0)>
module attributes {stable_mosaic.version = 14 : i64} {
  func.func @k(%arg0: i32, %arg1: i32, %arg2: memref<10000x128xf32, #tpu.memory_space<hbm>>, %arg3: memref<320000xi32, #tpu.memory_space<hbm>>, %arg4: memref<320000xi32, #tpu.memory_space<hbm>>, %arg5: memref<2x10240x128xf32, #tpu.memory_space<hbm>>, %arg6: memref<184xi32, #tpu.memory_space<vmem>>, %arg7: memref<184xi32, #tpu.memory_space<vmem>>, %arg8: memref<184xi32, #tpu.memory_space<vmem>>, %arg9: memref<184xi32, #tpu.memory_space<vmem>>, %arg10: memref<64xi32, #tpu.memory_space<vmem>>, %arg11: memref<184x128xf32, #tpu.memory_space<vmem>>, %arg12: memref<184x128xf32, #tpu.memory_space<vmem>>, %arg13: memref<10240x128xf32, #tpu.memory_space<vmem_shared>>, %arg14: memref<!tpu.dma_semaphore, #tpu.memory_space<semaphore_mem>>, %arg15: memref<!tpu.dma_semaphore, #tpu.memory_space<semaphore_mem>>, %arg16: memref<!tpu.dma_semaphore, #tpu.memory_space<semaphore_mem>>, %arg17: memref<!tpu.dma_semaphore, #tpu.memory_space<semaphore_mem>>, %arg18: memref<!tpu.dma_semaphore, #tpu.memory_space<semaphore_mem>>, %arg19: memref<!tpu.dma_semaphore, #tpu.memory_space<semaphore_mem>>) attributes {dimension_semantics = [#tpu.dimension_semantics<core_parallel>, #tpu.dimension_semantics<subcore_parallel>], iteration_bounds = array<i64: 2, 16>, scalar_prefetch = 0 : i64, scratch_operands = 14 : i64, tpu.core_type = #tpu.core_type<sc_vector_subcore>, window_params = [{transform_indices = #map}, {transform_indices = #map1}, {transform_indices = #map1}, {transform_indices = #map2}]} {
    %mul3A = arith.constant 16 : i32
    %mul3A_0 = arith.muli %arg0, %mul3A : i32
    %add3A = arith.addi %mul3A_0, %arg1 : i32
    %mul3A_1 = arith.constant 10000 : i32
    %mul3A_2 = arith.muli %add3A, %mul3A_1 : i32
    %dma_start3A = tpu.memref_slice %arg3[%mul3A_2] : memref<320000xi32, #tpu.memory_space<hbm>> -> memref<184xi32, #tpu.memory_space<hbm>>
    %dma_start3A_3 = tpu.memref_slice %arg3[%mul3A_2] : memref<320000xi32, #tpu.memory_space<hbm>> -> memref<184xi32, #tpu.memory_space<hbm>>
    tpu.enqueue_dma source(%dma_start3A_3 : memref<184xi32, #tpu.memory_space<hbm>>) target(%arg6 : memref<184xi32, #tpu.memory_space<vmem>>) target_semaphore(%arg14 : memref<!tpu.dma_semaphore, #tpu.memory_space<semaphore_mem>>)
    %dma_start3A_4 = tpu.memref_slice %arg4[%mul3A_2] : memref<320000xi32, #tpu.memory_space<hbm>> -> memref<184xi32, #tpu.memory_space<hbm>>
    %dma_start3A_5 = tpu.memref_slice %arg4[%mul3A_2] : memref<320000xi32, #tpu.memory_space<hbm>> -> memref<184xi32, #tpu.memory_space<hbm>>
    tpu.enqueue_dma source(%dma_start3A_5 : memref<184xi32, #tpu.memory_space<hbm>>) target(%arg8 : memref<184xi32, #tpu.memory_space<vmem>>) target_semaphore(%arg14 : memref<!tpu.dma_semaphore, #tpu.memory_space<semaphore_mem>>)
    %dma_wait3A = tpu.memref_slice %arg3[%mul3A_2] : memref<320000xi32, #tpu.memory_space<hbm>> -> memref<184xi32, #tpu.memory_space<hbm>>
    %dma_wait3A_6 = tpu.memref_slice %arg3[%mul3A_2] : memref<320000xi32, #tpu.memory_space<hbm>> -> memref<184xi32, #tpu.memory_space<hbm>>
    tpu.wait_dma2 semaphore(%arg14 : memref<!tpu.dma_semaphore, #tpu.memory_space<semaphore_mem>>) src(%dma_wait3A_6 : memref<184xi32, #tpu.memory_space<hbm>>) dst(%arg6 : memref<184xi32, #tpu.memory_space<vmem>>)
    %dma_wait3A_7 = tpu.memref_slice %arg4[%mul3A_2] : memref<320000xi32, #tpu.memory_space<hbm>> -> memref<184xi32, #tpu.memory_space<hbm>>
    %dma_wait3A_8 = tpu.memref_slice %arg4[%mul3A_2] : memref<320000xi32, #tpu.memory_space<hbm>> -> memref<184xi32, #tpu.memory_space<hbm>>
    tpu.wait_dma2 semaphore(%arg14 : memref<!tpu.dma_semaphore, #tpu.memory_space<semaphore_mem>>) src(%dma_wait3A_8 : memref<184xi32, #tpu.memory_space<hbm>>) dst(%arg8 : memref<184xi32, #tpu.memory_space<vmem>>)
    %dma_start3A_9 = arith.constant 0 : i32
    %dma_start3A_10 = arith.constant 0 : i32
    %dma_start3A_11 = tpu.memref_slice %arg2[%dma_start3A_9, %dma_start3A_10] : memref<10000x128xf32, #tpu.memory_space<hbm>> -> memref<10000x128xf32, #tpu.memory_space<hbm>>
    tpu.enqueue_indirect_dma source(%dma_start3A_11 : memref<10000x128xf32, #tpu.memory_space<hbm>>) target(%arg11 : memref<184x128xf32, #tpu.memory_space<vmem>>) offsets(%arg6 : memref<184xi32, #tpu.memory_space<vmem>>) semaphore(%arg16 : memref<!tpu.dma_semaphore, #tpu.memory_space<semaphore_mem>>)
    %broadcast_in_dim3A = arith.constant 0.000000e+00 : f32
    %broadcast_in_dim3A_12 = vector.broadcast %broadcast_in_dim3A : f32 to vector<16xf32>
    %scan3A = arith.constant 0 : i32
    %scan3A_13 = arith.constant 0 : i32
    %scan3A_14 = arith.constant 184 : i32
    %scan3A_15 = arith.addi %scan3A_13, %scan3A_14 : i32
    %scan3A_16 = arith.constant 4 : i32
    %scan3A_17 = scf.for %scan3A_60 = %scan3A_13 to %scan3A_15 step %scan3A_16 iter_args(%scan3A_61 = %scan3A) -> (i32)  : i32 {
      %scan3A_62 = arith.constant 0 : i32
      %scan3A_63 = arith.constant 0 : i32
      %mul3A_64 = arith.constant 16 : i32
      %mul3A_65 = arith.muli %scan3A_63, %mul3A_64 : i32
      %swap3A = arith.index_cast %scan3A_60 : i32 to index
      %swap3A_66 = arith.index_cast %mul3A_65 : i32 to index
      %swap3A_67 = tpu.vector_load %arg12[%swap3A, %swap3A_66] {strides = array<i32>} : memref<184x128xf32, #tpu.memory_space<vmem>>, vector<1x16xf32>,
      %swap3A_68 = vector.shape_cast %swap3A_67 : vector<1x16xf32> to vector<16xf32>
      %swap3A_69 = vector.shape_cast %broadcast_in_dim3A_12 : vector<16xf32> to vector<1x16xf32>
      tpu.vector_store %arg12[%swap3A, %swap3A_66], %swap3A_69 {strides = array<i32>} : memref<184x128xf32, #tpu.memory_space<vmem>>, vector<1x16xf32>,
      %scan3A_70 = arith.constant 0 : i32
      %scan3A_71 = arith.constant 1 : i32
      %mul3A_72 = arith.constant 16 : i32
      %mul3A_73 = arith.muli %scan3A_71, %mul3A_72 : i32
      %swap3A_74 = arith.index_cast %scan3A_60 : i32 to index
      %swap3A_75 = arith.index_cast %mul3A_73 : i32 to index
      %swap3A_76 = tpu.vector_load %arg12[%swap3A_74, %swap3A_75] {strides = array<i32>} : memref<184x128xf32, #tpu.memory_space<vmem>>, vector<1x16xf32>,
      %swap3A_77 = vector.shape_cast %swap3A_76 : vector<1x16xf32> to vector<16xf32>
      %swap3A_78 = vector.shape_cast %broadcast_in_dim3A_12 : vector<16xf32> to vector<1x16xf32>
      tpu.vector_store %arg12[%swap3A_74, %swap3A_75], %swap3A_78 {strides = array<i32>} : memref<184x128xf32, #tpu.memory_space<vmem>>, vector<1x16xf32>,
      %scan3A_79 = arith.constant 0 : i32
      %scan3A_80 = arith.constant 2 : i32
      %mul3A_81 = arith.constant 16 : i32
      %mul3A_82 = arith.muli %scan3A_80, %mul3A_81 : i32
      %swap3A_83 = arith.index_cast %scan3A_60 : i32 to index
      %swap3A_84 = arith.index_cast %mul3A_82 : i32 to index
      %swap3A_85 = tpu.vector_load %arg12[%swap3A_83, %swap3A_84] {strides = array<i32>} : memref<184x128xf32, #tpu.memory_space<vmem>>, vector<1x16xf32>,
      %swap3A_86 = vector.shape_cast %swap3A_85 : vector<1x16xf32> to vector<16xf32>
      %swap3A_87 = vector.shape_cast %broadcast_in_dim3A_12 : vector<16xf32> to vector<1x16xf32>
      tpu.vector_store %arg12[%swap3A_83, %swap3A_84], %swap3A_87 {strides = array<i32>} : memref<184x128xf32, #tpu.memory_space<vmem>>, vector<1x16xf32>,
      %scan3A_88 = arith.constant 0 : i32
      %scan3A_89 = arith.constant 3 : i32
      %mul3A_90 = arith.constant 16 : i32
      %mul3A_91 = arith.muli %scan3A_89, %mul3A_90 : i32
      %swap3A_92 = arith.index_cast %scan3A_60 : i32 to index
      %swap3A_93 = arith.index_cast %mul3A_91 : i32 to index
      %swap3A_94 = tpu.vector_load %arg12[%swap3A_92, %swap3A_93] {strides = array<i32>} : memref<184x128xf32, #tpu.memory_space<vmem>>, vector<1x16xf32>,
      %swap3A_95 = vector.shape_cast %swap3A_94 : vector<1x16xf32> to vector<16xf32>
      %swap3A_96 = vector.shape_cast %broadcast_in_dim3A_12 : vector<16xf32> to vector<1x16xf32>
      tpu.vector_store %arg12[%swap3A_92, %swap3A_93], %swap3A_96 {strides = array<i32>} : memref<184x128xf32, #tpu.memory_space<vmem>>, vector<1x16xf32>,
      %scan3A_97 = arith.constant 0 : i32
      %scan3A_98 = arith.constant 4 : i32
      %mul3A_99 = arith.constant 16 : i32
      %mul3A_100 = arith.muli %scan3A_98, %mul3A_99 : i32
      %swap3A_101 = arith.index_cast %scan3A_60 : i32 to index
      %swap3A_102 = arith.index_cast %mul3A_100 : i32 to index
      %swap3A_103 = tpu.vector_load %arg12[%swap3A_101, %swap3A_102] {strides = array<i32>} : memref<184x128xf32, #tpu.memory_space<vmem>>, vector<1x16xf32>,
      %swap3A_104 = vector.shape_cast %swap3A_103 : vector<1x16xf32> to vector<16xf32>
      %swap3A_105 = vector.shape_cast %broadcast_in_dim3A_12 : vector<16xf32> to vector<1x16xf32>
      tpu.vector_store %arg12[%swap3A_101, %swap3A_102], %swap3A_105 {strides = array<i32>} : memref<184x128xf32, #tpu.memory_space<vmem>>, vector<1x16xf32>,
      %scan3A_106 = arith.constant 0 : i32
      %scan3A_107 = arith.constant 5 : i32
      %mul3A_108 = arith.constant 16 : i32
      %mul3A_109 = arith.muli %scan3A_107, %mul3A_108 : i32
      %swap3A_110 = arith.index_cast %scan3A_60 : i32 to index
      %swap3A_111 = arith.index_cast %mul3A_109 : i32 to index
      %swap3A_112 = tpu.vector_load %arg12[%swap3A_110, %swap3A_111] {strides = array<i32>} : memref<184x128xf32, #tpu.memory_space<vmem>>, vector<1x16xf32>,
      %swap3A_113 = vector.shape_cast %swap3A_112 : vector<1x16xf32> to vector<16xf32>
      %swap3A_114 = vector.shape_cast %broadcast_in_dim3A_12 : vector<16xf32> to vector<1x16xf32>
      tpu.vector_store %arg12[%swap3A_110, %swap3A_111], %swap3A_114 {strides = array<i32>} : memref<184x128xf32, #tpu.memory_space<vmem>>, vector<1x16xf32>,
      %scan3A_115 = arith.constant 0 : i32
      %scan3A_116 = arith.constant 6 : i32
      %mul3A_117 = arith.constant 16 : i32
      %mul3A_118 = arith.muli %scan3A_116, %mul3A_117 : i32
      %swap3A_119 = arith.index_cast %scan3A_60 : i32 to index
      %swap3A_120 = arith.index_cast %mul3A_118 : i32 to index
      %swap3A_121 = tpu.vector_load %arg12[%swap3A_119, %swap3A_120] {strides = array<i32>} : memref<184x128xf32, #tpu.memory_space<vmem>>, vector<1x16xf32>,
      %swap3A_122 = vector.shape_cast %swap3A_121 : vector<1x16xf32> to vector<16xf32>
      %swap3A_123 = vector.shape_cast %broadcast_in_dim3A_12 : vector<16xf32> to vector<1x16xf32>
      tpu.vector_store %arg12[%swap3A_119, %swap3A_120], %swap3A_123 {strides = array<i32>} : memref<184x128xf32, #tpu.memory_space<vmem>>, vector<1x16xf32>,
      %scan3A_124 = arith.constant 0 : i32
      %scan3A_125 = arith.constant 7 : i32
      %mul3A_126 = arith.constant 16 : i32
      %mul3A_127 = arith.muli %scan3A_125, %mul3A_126 : i32
      %swap3A_128 = arith.index_cast %scan3A_60 : i32 to index
      %swap3A_129 = arith.index_cast %mul3A_127 : i32 to index
      %swap3A_130 = tpu.vector_load %arg12[%swap3A_128, %swap3A_129] {strides = array<i32>} : memref<184x128xf32, #tpu.memory_space<vmem>>, vector<1x16xf32>,
      %swap3A_131 = vector.shape_cast %swap3A_130 : vector<1x16xf32> to vector<16xf32>
      %swap3A_132 = vector.shape_cast %broadcast_in_dim3A_12 : vector<16xf32> to vector<1x16xf32>
      tpu.vector_store %arg12[%swap3A_128, %swap3A_129], %swap3A_132 {strides = array<i32>} : memref<184x128xf32, #tpu.memory_space<vmem>>, vector<1x16xf32>,
      %scan3A_133 = arith.constant 0 : i32
      %scan3A_134 = arith.constant 8 : i32
      %scan3A_135 = arith.constant 0 : i32
      %scan3A_136 = arith.constant 1 : i32
      %scan3A_137 = arith.addi %scan3A_60, %scan3A_136 : i32
      %scan3A_138 = arith.constant 0 : i32
      %scan3A_139 = arith.constant 0 : i32
      %mul3A_140 = arith.constant 16 : i32
      %mul3A_141 = arith.muli %scan3A_139, %mul3A_140 : i32
      %swap3A_142 = arith.index_cast %scan3A_137 : i32 to index
      %swap3A_143 = arith.index_cast %mul3A_141 : i32 to index
      %swap3A_144 = tpu.vector_load %arg12[%swap3A_142, %swap3A_143] {strides = array<i32>} : memref<184x128xf32, #tpu.memory_space<vmem>>, vector<1x16xf32>,
      %swap3A_145 = vector.shape_cast %swap3A_144 : vector<1x16xf32> to vector<16xf32>
      %swap3A_146 = vector.shape_cast %broadcast_in_dim3A_12 : vector<16xf32> to vector<1x16xf32>
      tpu.vector_store %arg12[%swap3A_142, %swap3A_143], %swap3A_146 {strides = array<i32>} : memref<184x128xf32, #tpu.memory_space<vmem>>, vector<1x16xf32>,
      %scan3A_147 = arith.constant 0 : i32
      %scan3A_148 = arith.constant 1 : i32
      %mul3A_149 = arith.constant 16 : i32
      %mul3A_150 = arith.muli %scan3A_148, %mul3A_149 : i32
      %swap3A_151 = arith.index_cast %scan3A_137 : i32 to index
      %swap3A_152 = arith.index_cast %mul3A_150 : i32 to index
      %swap3A_153 = tpu.vector_load %arg12[%swap3A_151, %swap3A_152] {strides = array<i32>} : memref<184x128xf32, #tpu.memory_space<vmem>>, vector<1x16xf32>,
      %swap3A_154 = vector.shape_cast %swap3A_153 : vector<1x16xf32> to vector<16xf32>
      %swap3A_155 = vector.shape_cast %broadcast_in_dim3A_12 : vector<16xf32> to vector<1x16xf32>
      tpu.vector_store %arg12[%swap3A_151, %swap3A_152], %swap3A_155 {strides = array<i32>} : memref<184x128xf32, #tpu.memory_space<vmem>>, vector<1x16xf32>,
      %scan3A_156 = arith.constant 0 : i32
      %scan3A_157 = arith.constant 2 : i32
      %mul3A_158 = arith.constant 16 : i32
      %mul3A_159 = arith.muli %scan3A_157, %mul3A_158 : i32
      %swap3A_160 = arith.index_cast %scan3A_137 : i32 to index
      %swap3A_161 = arith.index_cast %mul3A_159 : i32 to index
      %swap3A_162 = tpu.vector_load %arg12[%swap3A_160, %swap3A_161] {strides = array<i32>} : memref<184x128xf32, #tpu.memory_space<vmem>>, vector<1x16xf32>,
      %swap3A_163 = vector.shape_cast %swap3A_162 : vector<1x16xf32> to vector<16xf32>
      %swap3A_164 = vector.shape_cast %broadcast_in_dim3A_12 : vector<16xf32> to vector<1x16xf32>
      tpu.vector_store %arg12[%swap3A_160, %swap3A_161], %swap3A_164 {strides = array<i32>} : memref<184x128xf32, #tpu.memory_space<vmem>>, vector<1x16xf32>,
      %scan3A_165 = arith.constant 0 : i32
      %scan3A_166 = arith.constant 3 : i32
      %mul3A_167 = arith.constant 16 : i32
      %mul3A_168 = arith.muli %scan3A_166, %mul3A_167 : i32
      %swap3A_169 = arith.index_cast %scan3A_137 : i32 to index
      %swap3A_170 = arith.index_cast %mul3A_168 : i32 to index
      %swap3A_171 = tpu.vector_load %arg12[%swap3A_169, %swap3A_170] {strides = array<i32>} : memref<184x128xf32, #tpu.memory_space<vmem>>, vector<1x16xf32>,
      %swap3A_172 = vector.shape_cast %swap3A_171 : vector<1x16xf32> to vector<16xf32>
      %swap3A_173 = vector.shape_cast %broadcast_in_dim3A_12 : vector<16xf32> to vector<1x16xf32>
      tpu.vector_store %arg12[%swap3A_169, %swap3A_170], %swap3A_173 {strides = array<i32>} : memref<184x128xf32, #tpu.memory_space<vmem>>, vector<1x16xf32>,
      %scan3A_174 = arith.constant 0 : i32
      %scan3A_175 = arith.constant 4 : i32
      %mul3A_176 = arith.constant 16 : i32
      %mul3A_177 = arith.muli %scan3A_175, %mul3A_176 : i32
      %swap3A_178 = arith.index_cast %scan3A_137 : i32 to index
      %swap3A_179 = arith.index_cast %mul3A_177 : i32 to index
      %swap3A_180 = tpu.vector_load %arg12[%swap3A_178, %swap3A_179] {strides = array<i32>} : memref<184x128xf32, #tpu.memory_space<vmem>>, vector<1x16xf32>,
      %swap3A_181 = vector.shape_cast %swap3A_180 : vector<1x16xf32> to vector<16xf32>
      %swap3A_182 = vector.shape_cast %broadcast_in_dim3A_12 : vector<16xf32> to vector<1x16xf32>
      tpu.vector_store %arg12[%swap3A_178, %swap3A_179], %swap3A_182 {strides = array<i32>} : memref<184x128xf32, #tpu.memory_space<vmem>>, vector<1x16xf32>,
      %scan3A_183 = arith.constant 0 : i32
      %scan3A_184 = arith.constant 5 : i32
      %mul3A_185 = arith.constant 16 : i32
      %mul3A_186 = arith.muli %scan3A_184, %mul3A_185 : i32
      %swap3A_187 = arith.index_cast %scan3A_137 : i32 to index
      %swap3A_188 = arith.index_cast %mul3A_186 : i32 to index
      %swap3A_189 = tpu.vector_load %arg12[%swap3A_187, %swap3A_188] {strides = array<i32>} : memref<184x128xf32, #tpu.memory_space<vmem>>, vector<1x16xf32>,
      %swap3A_190 = vector.shape_cast %swap3A_189 : vector<1x16xf32> to vector<16xf32>
      %swap3A_191 = vector.shape_cast %broadcast_in_dim3A_12 : vector<16xf32> to vector<1x16xf32>
      tpu.vector_store %arg12[%swap3A_187, %swap3A_188], %swap3A_191 {strides = array<i32>} : memref<184x128xf32, #tpu.memory_space<vmem>>, vector<1x16xf32>,
      %scan3A_192 = arith.constant 0 : i32
      %scan3A_193 = arith.constant 6 : i32
      %mul3A_194 = arith.constant 16 : i32
      %mul3A_195 = arith.muli %scan3A_193, %mul3A_194 : i32
      %swap3A_196 = arith.index_cast %scan3A_137 : i32 to index
      %swap3A_197 = arith.index_cast %mul3A_195 : i32 to index
      %swap3A_198 = tpu.vector_load %arg12[%swap3A_196, %swap3A_197] {strides = array<i32>} : memref<184x128xf32, #tpu.memory_space<vmem>>, vector<1x16xf32>,
      %swap3A_199 = vector.shape_cast %swap3A_198 : vector<1x16xf32> to vector<16xf32>
      %swap3A_200 = vector.shape_cast %broadcast_in_dim3A_12 : vector<16xf32> to vector<1x16xf32>
      tpu.vector_store %arg12[%swap3A_196, %swap3A_197], %swap3A_200 {strides = array<i32>} : memref<184x128xf32, #tpu.memory_space<vmem>>, vector<1x16xf32>,
      %scan3A_201 = arith.constant 0 : i32
      %scan3A_202 = arith.constant 7 : i32
      %mul3A_203 = arith.constant 16 : i32
      %mul3A_204 = arith.muli %scan3A_202, %mul3A_203 : i32
      %swap3A_205 = arith.index_cast %scan3A_137 : i32 to index
      %swap3A_206 = arith.index_cast %mul3A_204 : i32 to index
      %swap3A_207 = tpu.vector_load %arg12[%swap3A_205, %swap3A_206] {strides = array<i32>} : memref<184x128xf32, #tpu.memory_space<vmem>>, vector<1x16xf32>,
      %swap3A_208 = vector.shape_cast %swap3A_207 : vector<1x16xf32> to vector<16xf32>
      %swap3A_209 = vector.shape_cast %broadcast_in_dim3A_12 : vector<16xf32> to vector<1x16xf32>
      tpu.vector_store %arg12[%swap3A_205, %swap3A_206], %swap3A_209 {strides = array<i32>} : memref<184x128xf32, #tpu.memory_space<vmem>>, vector<1x16xf32>,
      %scan3A_210 = arith.constant 0 : i32
      %scan3A_211 = arith.constant 8 : i32
      %scan3A_212 = arith.constant 0 : i32
      %scan3A_213 = arith.constant 2 : i32
      %scan3A_214 = arith.addi %scan3A_60, %scan3A_213 : i32
      %scan3A_215 = arith.constant 0 : i32
      %scan3A_216 = arith.constant 0 : i32
      %mul3A_217 = arith.constant 16 : i32
      %mul3A_218 = arith.muli %scan3A_216, %mul3A_217 : i32
      %swap3A_219 = arith.index_cast %scan3A_214 : i32 to index
      %swap3A_220 = arith.index_cast %mul3A_218 : i32 to index
      %swap3A_221 = tpu.vector_load %arg12[%swap3A_219, %swap3A_220] {strides = array<i32>} : memref<184x128xf32, #tpu.memory_space<vmem>>, vector<1x16xf32>,
      %swap3A_222 = vector.shape_cast %swap3A_221 : vector<1x16xf32> to vector<16xf32>
      %swap3A_223 = vector.shape_cast %broadcast_in_dim3A_12 : vector<16xf32> to vector<1x16xf32>
      tpu.vector_store %arg12[%swap3A_219, %swap3A_220], %swap3A_223 {strides = array<i32>} : memref<184x128xf32, #tpu.memory_space<vmem>>, vector<1x16xf32>,
      %scan3A_224 = arith.constant 0 : i32
      %scan3A_225 = arith.constant 1 : i32
      %mul3A_226 = arith.constant 16 : i32
      %mul3A_227 = arith.muli %scan3A_225, %mul3A_226 : i32
      %swap3A_228 = arith.index_cast %scan3A_214 : i32 to index
      %swap3A_229 = arith.index_cast %mul3A_227 : i32 to index
      %swap3A_230 = tpu.vector_load %arg12[%swap3A_228, %swap3A_229] {strides = array<i32>} : memref<184x128xf32, #tpu.memory_space<vmem>>, vector<1x16xf32>,
      %swap3A_231 = vector.shape_cast %swap3A_230 : vector<1x16xf32> to vector<16xf32>
      %swap3A_232 = vector.shape_cast %broadcast_in_dim3A_12 : vector<16xf32> to vector<1x16xf32>
      tpu.vector_store %arg12[%swap3A_228, %swap3A_229], %swap3A_232 {strides = array<i32>} : memref<184x128xf32, #tpu.memory_space<vmem>>, vector<1x16xf32>,
      %scan3A_233 = arith.constant 0 : i32
      %scan3A_234 = arith.constant 2 : i32
      %mul3A_235 = arith.constant 16 : i32
      %mul3A_236 = arith.muli %scan3A_234, %mul3A_235 : i32
      %swap3A_237 = arith.index_cast %scan3A_214 : i32 to index
      %swap3A_238 = arith.index_cast %mul3A_236 : i32 to index
      %swap3A_239 = tpu.vector_load %arg12[%swap3A_237, %swap3A_238] {strides = array<i32>} : memref<184x128xf32, #tpu.memory_space<vmem>>, vector<1x16xf32>,
      %swap3A_240 = vector.shape_cast %swap3A_239 : vector<1x16xf32> to vector<16xf32>
      %swap3A_241 = vector.shape_cast %broadcast_in_dim3A_12 : vector<16xf32> to vector<1x16xf32>
      tpu.vector_store %arg12[%swap3A_237, %swap3A_238], %swap3A_241 {strides = array<i32>} : memref<184x128xf32, #tpu.memory_space<vmem>>, vector<1x16xf32>,
      %scan3A_242 = arith.constant 0 : i32
      %scan3A_243 = arith.constant 3 : i32
      %mul3A_244 = arith.constant 16 : i32
      %mul3A_245 = arith.muli %scan3A_243, %mul3A_244 : i32
      %swap3A_246 = arith.index_cast %scan3A_214 : i32 to index
      %swap3A_247 = arith.index_cast %mul3A_245 : i32 to index
      %swap3A_248 = tpu.vector_load %arg12[%swap3A_246, %swap3A_247] {strides = array<i32>} : memref<184x128xf32, #tpu.memory_space<vmem>>, vector<1x16xf32>,
      %swap3A_249 = vector.shape_cast %swap3A_248 : vector<1x16xf32> to vector<16xf32>
      %swap3A_250 = vector.shape_cast %broadcast_in_dim3A_12 : vector<16xf32> to vector<1x16xf32>
      tpu.vector_store %arg12[%swap3A_246, %swap3A_247], %swap3A_250 {strides = array<i32>} : memref<184x128xf32, #tpu.memory_space<vmem>>, vector<1x16xf32>,
      %scan3A_251 = arith.constant 0 : i32
      %scan3A_252 = arith.constant 4 : i32
      %mul3A_253 = arith.constant 16 : i32
      %mul3A_254 = arith.muli %scan3A_252, %mul3A_253 : i32
      %swap3A_255 = arith.index_cast %scan3A_214 : i32 to index
      %swap3A_256 = arith.index_cast %mul3A_254 : i32 to index
      %swap3A_257 = tpu.vector_load %arg12[%swap3A_255, %swap3A_256] {strides = array<i32>} : memref<184x128xf32, #tpu.memory_space<vmem>>, vector<1x16xf32>,
      %swap3A_258 = vector.shape_cast %swap3A_257 : vector<1x16xf32> to vector<16xf32>
      %swap3A_259 = vector.shape_cast %broadcast_in_dim3A_12 : vector<16xf32> to vector<1x16xf32>
      tpu.vector_store %arg12[%swap3A_255, %swap3A_256], %swap3A_259 {strides = array<i32>} : memref<184x128xf32, #tpu.memory_space<vmem>>, vector<1x16xf32>,
      %scan3A_260 = arith.constant 0 : i32
      %scan3A_261 = arith.constant 5 : i32
      %mul3A_262 = arith.constant 16 : i32
      %mul3A_263 = arith.muli %scan3A_261, %mul3A_262 : i32
      %swap3A_264 = arith.index_cast %scan3A_214 : i32 to index
      %swap3A_265 = arith.index_cast %mul3A_263 : i32 to index
      %swap3A_266 = tpu.vector_load %arg12[%swap3A_264, %swap3A_265] {strides = array<i32>} : memref<184x128xf32, #tpu.memory_space<vmem>>, vector<1x16xf32>,
      %swap3A_267 = vector.shape_cast %swap3A_266 : vector<1x16xf32> to vector<16xf32>
      %swap3A_268 = vector.shape_cast %broadcast_in_dim3A_12 : vector<16xf32> to vector<1x16xf32>
      tpu.vector_store %arg12[%swap3A_264, %swap3A_265], %swap3A_268 {strides = array<i32>} : memref<184x128xf32, #tpu.memory_space<vmem>>, vector<1x16xf32>,
      %scan3A_269 = arith.constant 0 : i32
      %scan3A_270 = arith.constant 6 : i32
      %mul3A_271 = arith.constant 16 : i32
      %mul3A_272 = arith.muli %scan3A_270, %mul3A_271 : i32
      %swap3A_273 = arith.index_cast %scan3A_214 : i32 to index
      %swap3A_274 = arith.index_cast %mul3A_272 : i32 to index
      %swap3A_275 = tpu.vector_load %arg12[%swap3A_273, %swap3A_274] {strides = array<i32>} : memref<184x128xf32, #tpu.memory_space<vmem>>, vector<1x16xf32>,
      %swap3A_276 = vector.shape_cast %swap3A_275 : vector<1x16xf32> to vector<16xf32>
      %swap3A_277 = vector.shape_cast %broadcast_in_dim3A_12 : vector<16xf32> to vector<1x16xf32>
      tpu.vector_store %arg12[%swap3A_273, %swap3A_274], %swap3A_277 {strides = array<i32>} : memref<184x128xf32, #tpu.memory_space<vmem>>, vector<1x16xf32>,
      %scan3A_278 = arith.constant 0 : i32
      %scan3A_279 = arith.constant 7 : i32
      %mul3A_280 = arith.constant 16 : i32
      %mul3A_281 = arith.muli %scan3A_279, %mul3A_280 : i32
      %swap3A_282 = arith.index_cast %scan3A_214 : i32 to index
      %swap3A_283 = arith.index_cast %mul3A_281 : i32 to index
      %swap3A_284 = tpu.vector_load %arg12[%swap3A_282, %swap3A_283] {strides = array<i32>} : memref<184x128xf32, #tpu.memory_space<vmem>>, vector<1x16xf32>,
      %swap3A_285 = vector.shape_cast %swap3A_284 : vector<1x16xf32> to vector<16xf32>
      %swap3A_286 = vector.shape_cast %broadcast_in_dim3A_12 : vector<16xf32> to vector<1x16xf32>
      tpu.vector_store %arg12[%swap3A_282, %swap3A_283], %swap3A_286 {strides = array<i32>} : memref<184x128xf32, #tpu.memory_space<vmem>>, vector<1x16xf32>,
      %scan3A_287 = arith.constant 0 : i32
      %scan3A_288 = arith.constant 8 : i32
      %scan3A_289 = arith.constant 0 : i32
      %scan3A_290 = arith.constant 3 : i32
      %scan3A_291 = arith.addi %scan3A_60, %scan3A_290 : i32
      %scan3A_292 = arith.constant 0 : i32
      %scan3A_293 = arith.constant 0 : i32
      %mul3A_294 = arith.constant 16 : i32
      %mul3A_295 = arith.muli %scan3A_293, %mul3A_294 : i32
      %swap3A_296 = arith.index_cast %scan3A_291 : i32 to index
      %swap3A_297 = arith.index_cast %mul3A_295 : i32 to index
      %swap3A_298 = tpu.vector_load %arg12[%swap3A_296, %swap3A_297] {strides = array<i32>} : memref<184x128xf32, #tpu.memory_space<vmem>>, vector<1x16xf32>,
      %swap3A_299 = vector.shape_cast %swap3A_298 : vector<1x16xf32> to vector<16xf32>
      %swap3A_300 = vector.shape_cast %broadcast_in_dim3A_12 : vector<16xf32> to vector<1x16xf32>
      tpu.vector_store %arg12[%swap3A_296, %swap3A_297], %swap3A_300 {strides = array<i32>} : memref<184x128xf32, #tpu.memory_space<vmem>>, vector<1x16xf32>,
      %scan3A_301 = arith.constant 0 : i32
      %scan3A_302 = arith.constant 1 : i32
      %mul3A_303 = arith.constant 16 : i32
      %mul3A_304 = arith.muli %scan3A_302, %mul3A_303 : i32
      %swap3A_305 = arith.index_cast %scan3A_291 : i32 to index
      %swap3A_306 = arith.index_cast %mul3A_304 : i32 to index
      %swap3A_307 = tpu.vector_load %arg12[%swap3A_305, %swap3A_306] {strides = array<i32>} : memref<184x128xf32, #tpu.memory_space<vmem>>, vector<1x16xf32>,
      %swap3A_308 = vector.shape_cast %swap3A_307 : vector<1x16xf32> to vector<16xf32>
      %swap3A_309 = vector.shape_cast %broadcast_in_dim3A_12 : vector<16xf32> to vector<1x16xf32>
      tpu.vector_store %arg12[%swap3A_305, %swap3A_306], %swap3A_309 {strides = array<i32>} : memref<184x128xf32, #tpu.memory_space<vmem>>, vector<1x16xf32>,
      %scan3A_310 = arith.constant 0 : i32
      %scan3A_311 = arith.constant 2 : i32
      %mul3A_312 = arith.constant 16 : i32
      %mul3A_313 = arith.muli %scan3A_311, %mul3A_312 : i32
      %swap3A_314 = arith.index_cast %scan3A_291 : i32 to index
      %swap3A_315 = arith.index_cast %mul3A_313 : i32 to index
      %swap3A_316 = tpu.vector_load %arg12[%swap3A_314, %swap3A_315] {strides = array<i32>} : memref<184x128xf32, #tpu.memory_space<vmem>>, vector<1x16xf32>,
      %swap3A_317 = vector.shape_cast %swap3A_316 : vector<1x16xf32> to vector<16xf32>
      %swap3A_318 = vector.shape_cast %broadcast_in_dim3A_12 : vector<16xf32> to vector<1x16xf32>
      tpu.vector_store %arg12[%swap3A_314, %swap3A_315], %swap3A_318 {strides = array<i32>} : memref<184x128xf32, #tpu.memory_space<vmem>>, vector<1x16xf32>,
      %scan3A_319 = arith.constant 0 : i32
      %scan3A_320 = arith.constant 3 : i32
      %mul3A_321 = arith.constant 16 : i32
      %mul3A_322 = arith.muli %scan3A_320, %mul3A_321 : i32
      %swap3A_323 = arith.index_cast %scan3A_291 : i32 to index
      %swap3A_324 = arith.index_cast %mul3A_322 : i32 to index
      %swap3A_325 = tpu.vector_load %arg12[%swap3A_323, %swap3A_324] {strides = array<i32>} : memref<184x128xf32, #tpu.memory_space<vmem>>, vector<1x16xf32>,
      %swap3A_326 = vector.shape_cast %swap3A_325 : vector<1x16xf32> to vector<16xf32>
      %swap3A_327 = vector.shape_cast %broadcast_in_dim3A_12 : vector<16xf32> to vector<1x16xf32>
      tpu.vector_store %arg12[%swap3A_323, %swap3A_324], %swap3A_327 {strides = array<i32>} : memref<184x128xf32, #tpu.memory_space<vmem>>, vector<1x16xf32>,
      %scan3A_328 = arith.constant 0 : i32
      %scan3A_329 = arith.constant 4 : i32
      %mul3A_330 = arith.constant 16 : i32
      %mul3A_331 = arith.muli %scan3A_329, %mul3A_330 : i32
      %swap3A_332 = arith.index_cast %scan3A_291 : i32 to index
      %swap3A_333 = arith.index_cast %mul3A_331 : i32 to index
      %swap3A_334 = tpu.vector_load %arg12[%swap3A_332, %swap3A_333] {strides = array<i32>} : memref<184x128xf32, #tpu.memory_space<vmem>>, vector<1x16xf32>,
      %swap3A_335 = vector.shape_cast %swap3A_334 : vector<1x16xf32> to vector<16xf32>
      %swap3A_336 = vector.shape_cast %broadcast_in_dim3A_12 : vector<16xf32> to vector<1x16xf32>
      tpu.vector_store %arg12[%swap3A_332, %swap3A_333], %swap3A_336 {strides = array<i32>} : memref<184x128xf32, #tpu.memory_space<vmem>>, vector<1x16xf32>,
      %scan3A_337 = arith.constant 0 : i32
      %scan3A_338 = arith.constant 5 : i32
      %mul3A_339 = arith.constant 16 : i32
      %mul3A_340 = arith.muli %scan3A_338, %mul3A_339 : i32
      %swap3A_341 = arith.index_cast %scan3A_291 : i32 to index
      %swap3A_342 = arith.index_cast %mul3A_340 : i32 to index
      %swap3A_343 = tpu.vector_load %arg12[%swap3A_341, %swap3A_342] {strides = array<i32>} : memref<184x128xf32, #tpu.memory_space<vmem>>, vector<1x16xf32>,
      %swap3A_344 = vector.shape_cast %swap3A_343 : vector<1x16xf32> to vector<16xf32>
      %swap3A_345 = vector.shape_cast %broadcast_in_dim3A_12 : vector<16xf32> to vector<1x16xf32>
      tpu.vector_store %arg12[%swap3A_341, %swap3A_342], %swap3A_345 {strides = array<i32>} : memref<184x128xf32, #tpu.memory_space<vmem>>, vector<1x16xf32>,
      %scan3A_346 = arith.constant 0 : i32
      %scan3A_347 = arith.constant 6 : i32
      %mul3A_348 = arith.constant 16 : i32
      %mul3A_349 = arith.muli %scan3A_347, %mul3A_348 : i32
      %swap3A_350 = arith.index_cast %scan3A_291 : i32 to index
      %swap3A_351 = arith.index_cast %mul3A_349 : i32 to index
      %swap3A_352 = tpu.vector_load %arg12[%swap3A_350, %swap3A_351] {strides = array<i32>} : memref<184x128xf32, #tpu.memory_space<vmem>>, vector<1x16xf32>,
      %swap3A_353 = vector.shape_cast %swap3A_352 : vector<1x16xf32> to vector<16xf32>
      %swap3A_354 = vector.shape_cast %broadcast_in_dim3A_12 : vector<16xf32> to vector<1x16xf32>
      tpu.vector_store %arg12[%swap3A_350, %swap3A_351], %swap3A_354 {strides = array<i32>} : memref<184x128xf32, #tpu.memory_space<vmem>>, vector<1x16xf32>,
      %scan3A_355 = arith.constant 0 : i32
      %scan3A_356 = arith.constant 7 : i32
      %mul3A_357 = arith.constant 16 : i32
      %mul3A_358 = arith.muli %scan3A_356, %mul3A_357 : i32
      %swap3A_359 = arith.index_cast %scan3A_291 : i32 to index
      %swap3A_360 = arith.index_cast %mul3A_358 : i32 to index
      %swap3A_361 = tpu.vector_load %arg12[%swap3A_359, %swap3A_360] {strides = array<i32>} : memref<184x128xf32, #tpu.memory_space<vmem>>, vector<1x16xf32>,
      %swap3A_362 = vector.shape_cast %swap3A_361 : vector<1x16xf32> to vector<16xf32>
      %swap3A_363 = vector.shape_cast %broadcast_in_dim3A_12 : vector<16xf32> to vector<1x16xf32>
      tpu.vector_store %arg12[%swap3A_359, %swap3A_360], %swap3A_363 {strides = array<i32>} : memref<184x128xf32, #tpu.memory_space<vmem>>, vector<1x16xf32>,
      %scan3A_364 = arith.constant 0 : i32
      %scan3A_365 = arith.constant 8 : i32
      %scan3A_366 = arith.constant 0 : i32
      scf.yield %scan3A_366 : i32
    }
    %scan3A_18 = arith.constant 184 : i32
    %mul3A_19 = arith.constant 640 : i32
    %mul3A_20 = arith.muli %arg1, %mul3A_19 : i32
    %add3A_21 = arith.constant 0 : i32
    %add3A_22 = arith.addi %mul3A_20, %add3A_21 : i32
    "tpu.region"() ({
      %run_scoped3A = tpu.sem_alloc : memref<!tpu.dma_semaphore, #tpu.memory_space<semaphore_mem>>
      %dma_start3A_60 = arith.constant 0 : i32
      %dma_start3A_61 = tpu.memref_slice %arg13[%add3A_22, %dma_start3A_60] : memref<10240x128xf32, #tpu.memory_space<vmem_shared>> -> memref<184x128xf32, #tpu.memory_space<vmem_shared>>
      %dma_start3A_62 = arith.constant 0 : i32
      %dma_start3A_63 = tpu.memref_slice %arg13[%add3A_22, %dma_start3A_62] : memref<10240x128xf32, #tpu.memory_space<vmem_shared>> -> memref<184x128xf32, #tpu.memory_space<vmem_shared>>
      tpu.enqueue_dma source(%arg12 : memref<184x128xf32, #tpu.memory_space<vmem>>) target(%dma_start3A_63 : memref<184x128xf32, #tpu.memory_space<vmem_shared>>) target_semaphore(%run_scoped3A : memref<!tpu.dma_semaphore, #tpu.memory_space<semaphore_mem>>)
      %dma_wait3A_64 = arith.constant 0 : i32
      %dma_wait3A_65 = tpu.memref_slice %arg13[%add3A_22, %dma_wait3A_64] : memref<10240x128xf32, #tpu.memory_space<vmem_shared>> -> memref<184x128xf32, #tpu.memory_space<vmem_shared>>
      %dma_wait3A_66 = arith.constant 0 : i32
      %dma_wait3A_67 = tpu.memref_slice %arg13[%add3A_22, %dma_wait3A_66] : memref<10240x128xf32, #tpu.memory_space<vmem_shared>> -> memref<184x128xf32, #tpu.memory_space<vmem_shared>>
      tpu.wait_dma2 semaphore(%run_scoped3A : memref<!tpu.dma_semaphore, #tpu.memory_space<semaphore_mem>>) src(%arg12 : memref<184x128xf32, #tpu.memory_space<vmem>>) dst(%dma_wait3A_67 : memref<184x128xf32, #tpu.memory_space<vmem_shared>>)
      tpu.yield
    }) : () -> ()
    %mul3A_23 = arith.constant 640 : i32
    %mul3A_24 = arith.muli %arg1, %mul3A_23 : i32
    %add3A_25 = arith.constant 184 : i32
    %add3A_26 = arith.addi %mul3A_24, %add3A_25 : i32
    "tpu.region"() ({
      %run_scoped3A = tpu.sem_alloc : memref<!tpu.dma_semaphore, #tpu.memory_space<semaphore_mem>>
      %dma_start3A_60 = arith.constant 0 : i32
      %dma_start3A_61 = tpu.memref_slice %arg13[%add3A_26, %dma_start3A_60] : memref<10240x128xf32, #tpu.memory_space<vmem_shared>> -> memref<184x128xf32, #tpu.memory_space<vmem_shared>>
      %dma_start3A_62 = arith.constant 0 : i32
      %dma_start3A_63 = tpu.memref_slice %arg13[%add3A_26, %dma_start3A_62] : memref<10240x128xf32, #tpu.memory_space<vmem_shared>> -> memref<184x128xf32, #tpu.memory_space<vmem_shared>>
      tpu.enqueue_dma source(%arg12 : memref<184x128xf32, #tpu.memory_space<vmem>>) target(%dma_start3A_63 : memref<184x128xf32, #tpu.memory_space<vmem_shared>>) target_semaphore(%run_scoped3A : memref<!tpu.dma_semaphore, #tpu.memory_space<semaphore_mem>>)
      %dma_wait3A_64 = arith.constant 0 : i32
      %dma_wait3A_65 = tpu.memref_slice %arg13[%add3A_26, %dma_wait3A_64] : memref<10240x128xf32, #tpu.memory_space<vmem_shared>> -> memref<184x128xf32, #tpu.memory_space<vmem_shared>>
      %dma_wait3A_66 = arith.constant 0 : i32
      %dma_wait3A_67 = tpu.memref_slice %arg13[%add3A_26, %dma_wait3A_66] : memref<10240x128xf32, #tpu.memory_space<vmem_shared>> -> memref<184x128xf32, #tpu.memory_space<vmem_shared>>
      tpu.wait_dma2 semaphore(%run_scoped3A : memref<!tpu.dma_semaphore, #tpu.memory_space<semaphore_mem>>) src(%arg12 : memref<184x128xf32, #tpu.memory_space<vmem>>) dst(%dma_wait3A_67 : memref<184x128xf32, #tpu.memory_space<vmem_shared>>)
      tpu.yield
    }) : () -> ()
    %mul3A_27 = arith.constant 640 : i32
    %mul3A_28 = arith.muli %arg1, %mul3A_27 : i32
    %add3A_29 = arith.constant 368 : i32
    %add3A_30 = arith.addi %mul3A_28, %add3A_29 : i32
    "tpu.region"() ({
      %run_scoped3A = tpu.sem_alloc : memref<!tpu.dma_semaphore, #tpu.memory_space<semaphore_mem>>
      %dma_start3A_60 = arith.constant 0 : i32
      %dma_start3A_61 = tpu.memref_slice %arg13[%add3A_30, %dma_start3A_60] : memref<10240x128xf32, #tpu.memory_space<vmem_shared>> -> memref<184x128xf32, #tpu.memory_space<vmem_shared>>
      %dma_start3A_62 = arith.constant 0 : i32
      %dma_start3A_63 = tpu.memref_slice %arg13[%add3A_30, %dma_start3A_62] : memref<10240x128xf32, #tpu.memory_space<vmem_shared>> -> memref<184x128xf32, #tpu.memory_space<vmem_shared>>
      tpu.enqueue_dma source(%arg12 : memref<184x128xf32, #tpu.memory_space<vmem>>) target(%dma_start3A_63 : memref<184x128xf32, #tpu.memory_space<vmem_shared>>) target_semaphore(%run_scoped3A : memref<!tpu.dma_semaphore, #tpu.memory_space<semaphore_mem>>)
      %dma_wait3A_64 = arith.constant 0 : i32
      %dma_wait3A_65 = tpu.memref_slice %arg13[%add3A_30, %dma_wait3A_64] : memref<10240x128xf32, #tpu.memory_space<vmem_shared>> -> memref<184x128xf32, #tpu.memory_space<vmem_shared>>
      %dma_wait3A_66 = arith.constant 0 : i32
      %dma_wait3A_67 = tpu.memref_slice %arg13[%add3A_30, %dma_wait3A_66] : memref<10240x128xf32, #tpu.memory_space<vmem_shared>> -> memref<184x128xf32, #tpu.memory_space<vmem_shared>>
      tpu.wait_dma2 semaphore(%run_scoped3A : memref<!tpu.dma_semaphore, #tpu.memory_space<semaphore_mem>>) src(%arg12 : memref<184x128xf32, #tpu.memory_space<vmem>>) dst(%dma_wait3A_67 : memref<184x128xf32, #tpu.memory_space<vmem_shared>>)
      tpu.yield
    }) : () -> ()
    %mul3A_31 = arith.constant 640 : i32
    %mul3A_32 = arith.muli %arg1, %mul3A_31 : i32
    %add3A_33 = arith.constant 552 : i32
    %add3A_34 = arith.addi %mul3A_32, %add3A_33 : i32
    "tpu.region"() ({
      %run_scoped3A = tpu.sem_alloc : memref<!tpu.dma_semaphore, #tpu.memory_space<semaphore_mem>>
      %dma_start3A_60 = arith.constant 0 : i32
      %dma_start3A_61 = arith.constant 0 : i32
      %dma_start3A_62 = tpu.memref_slice %arg12[%dma_start3A_60, %dma_start3A_61] : memref<184x128xf32, #tpu.memory_space<vmem>> -> memref<88x128xf32, #tpu.memory_space<vmem>>
      %dma_start3A_63 = arith.constant 0 : i32
      %dma_start3A_64 = tpu.memref_slice %arg13[%add3A_34, %dma_start3A_63] : memref<10240x128xf32, #tpu.memory_space<vmem_shared>> -> memref<88x128xf32, #tpu.memory_space<vmem_shared>>
      %dma_start3A_65 = arith.constant 0 : i32
      %dma_start3A_66 = tpu.memref_slice %arg13[%add3A_34, %dma_start3A_65] : memref<10240x128xf32, #tpu.memory_space<vmem_shared>> -> memref<88x128xf32, #tpu.memory_space<vmem_shared>>
      %dma_start3A_67 = arith.constant 0 : i32
      %dma_start3A_68 = arith.constant 0 : i32
      %dma_start3A_69 = tpu.memref_slice %arg12[%dma_start3A_67, %dma_start3A_68] : memref<184x128xf32, #tpu.memory_space<vmem>> -> memref<88x128xf32, #tpu.memory_space<vmem>>
      tpu.enqueue_dma source(%dma_start3A_69 : memref<88x128xf32, #tpu.memory_space<vmem>>) target(%dma_start3A_66 : memref<88x128xf32, #tpu.memory_space<vmem_shared>>) target_semaphore(%run_scoped3A : memref<!tpu.dma_semaphore, #tpu.memory_space<semaphore_mem>>)
      %dma_wait3A_70 = arith.constant 0 : i32
      %dma_wait3A_71 = arith.constant 0 : i32
      %dma_wait3A_72 = tpu.memref_slice %arg12[%dma_wait3A_70, %dma_wait3A_71] : memref<184x128xf32, #tpu.memory_space<vmem>> -> memref<88x128xf32, #tpu.memory_space<vmem>>
      %dma_wait3A_73 = arith.constant 0 : i32
      %dma_wait3A_74 = tpu.memref_slice %arg13[%add3A_34, %dma_wait3A_73] : memref<10240x128xf32, #tpu.memory_space<vmem_shared>> -> memref<88x128xf32, #tpu.memory_space<vmem_shared>>
      %dma_wait3A_75 = arith.constant 0 : i32
      %dma_wait3A_76 = tpu.memref_slice %arg13[%add3A_34, %dma_wait3A_75] : memref<10240x128xf32, #tpu.memory_space<vmem_shared>> -> memref<88x128xf32, #tpu.memory_space<vmem_shared>>
      %dma_wait3A_77 = arith.constant 0 : i32
      %dma_wait3A_78 = arith.constant 0 : i32
      %dma_wait3A_79 = tpu.memref_slice %arg12[%dma_wait3A_77, %dma_wait3A_78] : memref<184x128xf32, #tpu.memory_space<vmem>> -> memref<88x128xf32, #tpu.memory_space<vmem>>
      tpu.wait_dma2 semaphore(%run_scoped3A : memref<!tpu.dma_semaphore, #tpu.memory_space<semaphore_mem>>) src(%dma_wait3A_79 : memref<88x128xf32, #tpu.memory_space<vmem>>) dst(%dma_wait3A_76 : memref<88x128xf32, #tpu.memory_space<vmem_shared>>)
      tpu.yield
    }) : () -> ()
    %barrier3A = arith.constant 0 : index
    tpu.barrier barrier_id(%barrier3A)
    %scan3A_35 = arith.constant 0 : i32
    %scan3A_36 = arith.constant 0 : i32
    %scan3A_37 = arith.constant 27 : i32
    %scan3A_38 = arith.addi %scan3A_36, %scan3A_37 : i32
    %scan3A_39 = arith.constant 1 : i32
    %scan3A_40 = scf.for %scan3A_60 = %scan3A_36 to %scan3A_38 step %scan3A_39 iter_args(%scan3A_61 = %scan3A_35) -> (i32)  : i32 {
      %mul3A_62 = arith.constant 2 : i32
      %mul3A_63 = arith.muli %mul3A_62, %scan3A_60 : i32
      %add3A_64 = arith.constant 1 : i32
      %add3A_65 = arith.addi %mul3A_63, %add3A_64 : i32
      %mul3A_66 = arith.constant 184 : i32
      %mul3A_67 = arith.muli %add3A_65, %mul3A_66 : i32
      %add3A_68 = arith.addi %mul3A_2, %mul3A_67 : i32
      %mul3A_69 = arith.constant 2 : i32
      %mul3A_70 = arith.muli %mul3A_69, %scan3A_60 : i32
      %add3A_71 = arith.constant 2 : i32
      %add3A_72 = arith.addi %mul3A_70, %add3A_71 : i32
      %mul3A_73 = arith.constant 184 : i32
      %mul3A_74 = arith.muli %add3A_72, %mul3A_73 : i32
      %add3A_75 = arith.addi %mul3A_2, %mul3A_74 : i32
      %dma_start3A_76 = tpu.memref_slice %arg3[%add3A_68] : memref<320000xi32, #tpu.memory_space<hbm>> -> memref<184xi32, #tpu.memory_space<hbm>>
      %dma_start3A_77 = tpu.memref_slice %arg3[%add3A_68] : memref<320000xi32, #tpu.memory_space<hbm>> -> memref<184xi32, #tpu.memory_space<hbm>>
      tpu.enqueue_dma source(%dma_start3A_77 : memref<184xi32, #tpu.memory_space<hbm>>) target(%arg7 : memref<184xi32, #tpu.memory_space<vmem>>) target_semaphore(%arg15 : memref<!tpu.dma_semaphore, #tpu.memory_space<semaphore_mem>>)
      %dma_start3A_78 = tpu.memref_slice %arg4[%add3A_68] : memref<320000xi32, #tpu.memory_space<hbm>> -> memref<184xi32, #tpu.memory_space<hbm>>
      %dma_start3A_79 = tpu.memref_slice %arg4[%add3A_68] : memref<320000xi32, #tpu.memory_space<hbm>> -> memref<184xi32, #tpu.memory_space<hbm>>
      tpu.enqueue_dma source(%dma_start3A_79 : memref<184xi32, #tpu.memory_space<hbm>>) target(%arg9 : memref<184xi32, #tpu.memory_space<vmem>>) target_semaphore(%arg15 : memref<!tpu.dma_semaphore, #tpu.memory_space<semaphore_mem>>)
      %dma_wait3A_80 = arith.constant 0 : i32
      %dma_wait3A_81 = arith.constant 0 : i32
      %dma_wait3A_82 = tpu.memref_slice %arg2[%dma_wait3A_80, %dma_wait3A_81] : memref<10000x128xf32, #tpu.memory_space<hbm>> -> memref<10000x128xf32, #tpu.memory_space<hbm>>
      tpu.wait_indirect_dma semaphore(%arg16 : memref<!tpu.dma_semaphore, #tpu.memory_space<semaphore_mem>>) src(%dma_wait3A_82 : memref<10000x128xf32, #tpu.memory_space<hbm>>) dst(%arg11 : memref<184x128xf32, #tpu.memory_space<vmem>>)
      %dma_start3A_83 = arith.constant 0 : i32
      %dma_start3A_84 = arith.constant 0 : i32
      %dma_start3A_85 = tpu.memref_slice %arg13[%dma_start3A_83, %dma_start3A_84] : memref<10240x128xf32, #tpu.memory_space<vmem_shared>> -> memref<10240x128xf32, #tpu.memory_space<vmem_shared>>
      tpu.enqueue_indirect_dma source(%arg11 : memref<184x128xf32, #tpu.memory_space<vmem>>) target(%dma_start3A_85 : memref<10240x128xf32, #tpu.memory_space<vmem_shared>>) offsets(%arg8 : memref<184xi32, #tpu.memory_space<vmem>>) semaphore(%arg18 : memref<!tpu.dma_semaphore, #tpu.memory_space<semaphore_mem>>) {add = true}
      %dma_wait3A_86 = tpu.memref_slice %arg3[%add3A_68] : memref<320000xi32, #tpu.memory_space<hbm>> -> memref<184xi32, #tpu.memory_space<hbm>>
      %dma_wait3A_87 = tpu.memref_slice %arg3[%add3A_68] : memref<320000xi32, #tpu.memory_space<hbm>> -> memref<184xi32, #tpu.memory_space<hbm>>
      tpu.wait_dma2 semaphore(%arg15 : memref<!tpu.dma_semaphore, #tpu.memory_space<semaphore_mem>>) src(%dma_wait3A_87 : memref<184xi32, #tpu.memory_space<hbm>>) dst(%arg7 : memref<184xi32, #tpu.memory_space<vmem>>)
      %dma_wait3A_88 = tpu.memref_slice %arg4[%add3A_68] : memref<320000xi32, #tpu.memory_space<hbm>> -> memref<184xi32, #tpu.memory_space<hbm>>
      %dma_wait3A_89 = tpu.memref_slice %arg4[%add3A_68] : memref<320000xi32, #tpu.memory_space<hbm>> -> memref<184xi32, #tpu.memory_space<hbm>>
      tpu.wait_dma2 semaphore(%arg15 : memref<!tpu.dma_semaphore, #tpu.memory_space<semaphore_mem>>) src(%dma_wait3A_89 : memref<184xi32, #tpu.memory_space<hbm>>) dst(%arg9 : memref<184xi32, #tpu.memory_space<vmem>>)
      %dma_start3A_90 = arith.constant 0 : i32
      %dma_start3A_91 = arith.constant 0 : i32
      %dma_start3A_92 = tpu.memref_slice %arg2[%dma_start3A_90, %dma_start3A_91] : memref<10000x128xf32, #tpu.memory_space<hbm>> -> memref<10000x128xf32, #tpu.memory_space<hbm>>
      tpu.enqueue_indirect_dma source(%dma_start3A_92 : memref<10000x128xf32, #tpu.memory_space<hbm>>) target(%arg12 : memref<184x128xf32, #tpu.memory_space<vmem>>) offsets(%arg7 : memref<184xi32, #tpu.memory_space<vmem>>) semaphore(%arg17 : memref<!tpu.dma_semaphore, #tpu.memory_space<semaphore_mem>>)
      %dma_wait3A_93 = arith.constant 0 : i32
      %dma_wait3A_94 = arith.constant 0 : i32
      %dma_wait3A_95 = tpu.memref_slice %arg13[%dma_wait3A_93, %dma_wait3A_94] : memref<10240x128xf32, #tpu.memory_space<vmem_shared>> -> memref<10240x128xf32, #tpu.memory_space<vmem_shared>>
      tpu.wait_indirect_dma semaphore(%arg18 : memref<!tpu.dma_semaphore, #tpu.memory_space<semaphore_mem>>) src(%arg11 : memref<184x128xf32, #tpu.memory_space<vmem>>) dst(%dma_wait3A_95 : memref<10240x128xf32, #tpu.memory_space<vmem_shared>>)
      %lt3A = arith.constant 26 : i32
      %lt3A_96 = arith.cmpi slt, %scan3A_60, %lt3A : i32
      %convert_element_type3A = arith.extui %lt3A_96 : i1 to i32
      %cond3A = arith.constant 0 : i32
      %cond3A_97 = arith.cmpi ne, %convert_element_type3A, %cond3A : i32
      scf.if %cond3A_97 {
        %dma_start3A_113 = tpu.memref_slice %arg3[%add3A_75] : memref<320000xi32, #tpu.memory_space<hbm>> -> memref<184xi32, #tpu.memory_space<hbm>>
        %dma_start3A_114 = tpu.memref_slice %arg3[%add3A_75] : memref<320000xi32, #tpu.memory_space<hbm>> -> memref<184xi32, #tpu.memory_space<hbm>>
        tpu.enqueue_dma source(%dma_start3A_114 : memref<184xi32, #tpu.memory_space<hbm>>) target(%arg6 : memref<184xi32, #tpu.memory_space<vmem>>) target_semaphore(%arg14 : memref<!tpu.dma_semaphore, #tpu.memory_space<semaphore_mem>>)
        %dma_start3A_115 = tpu.memref_slice %arg4[%add3A_75] : memref<320000xi32, #tpu.memory_space<hbm>> -> memref<184xi32, #tpu.memory_space<hbm>>
        %dma_start3A_116 = tpu.memref_slice %arg4[%add3A_75] : memref<320000xi32, #tpu.memory_space<hbm>> -> memref<184xi32, #tpu.memory_space<hbm>>
        tpu.enqueue_dma source(%dma_start3A_116 : memref<184xi32, #tpu.memory_space<hbm>>) target(%arg8 : memref<184xi32, #tpu.memory_space<vmem>>) target_semaphore(%arg14 : memref<!tpu.dma_semaphore, #tpu.memory_space<semaphore_mem>>)
      } else {
      }
      %dma_wait3A_98 = arith.constant 0 : i32
      %dma_wait3A_99 = arith.constant 0 : i32
      %dma_wait3A_100 = tpu.memref_slice %arg2[%dma_wait3A_98, %dma_wait3A_99] : memref<10000x128xf32, #tpu.memory_space<hbm>> -> memref<10000x128xf32, #tpu.memory_space<hbm>>
      tpu.wait_indirect_dma semaphore(%arg17 : memref<!tpu.dma_semaphore, #tpu.memory_space<semaphore_mem>>) src(%dma_wait3A_100 : memref<10000x128xf32, #tpu.memory_space<hbm>>) dst(%arg12 : memref<184x128xf32, #tpu.memory_space<vmem>>)
      %dma_start3A_101 = arith.constant 0 : i32
      %dma_start3A_102 = arith.constant 0 : i32
      %dma_start3A_103 = tpu.memref_slice %arg13[%dma_start3A_101, %dma_start3A_102] : memref<10240x128xf32, #tpu.memory_space<vmem_shared>> -> memref<10240x128xf32, #tpu.memory_space<vmem_shared>>
      tpu.enqueue_indirect_dma source(%arg12 : memref<184x128xf32, #tpu.memory_space<vmem>>) target(%dma_start3A_103 : memref<10240x128xf32, #tpu.memory_space<vmem_shared>>) offsets(%arg9 : memref<184xi32, #tpu.memory_space<vmem>>) semaphore(%arg19 : memref<!tpu.dma_semaphore, #tpu.memory_space<semaphore_mem>>) {add = true}
      %lt3A_104 = arith.constant 26 : i32
      %lt3A_105 = arith.cmpi slt, %scan3A_60, %lt3A_104 : i32
      %convert_element_type3A_106 = arith.extui %lt3A_105 : i1 to i32
      %cond3A_107 = arith.constant 0 : i32
      %cond3A_108 = arith.cmpi ne, %convert_element_type3A_106, %cond3A_107 : i32
      scf.if %cond3A_108 {
        %dma_wait3A_113 = tpu.memref_slice %arg3[%add3A_75] : memref<320000xi32, #tpu.memory_space<hbm>> -> memref<184xi32, #tpu.memory_space<hbm>>
        %dma_wait3A_114 = tpu.memref_slice %arg3[%add3A_75] : memref<320000xi32, #tpu.memory_space<hbm>> -> memref<184xi32, #tpu.memory_space<hbm>>
        tpu.wait_dma2 semaphore(%arg14 : memref<!tpu.dma_semaphore, #tpu.memory_space<semaphore_mem>>) src(%dma_wait3A_114 : memref<184xi32, #tpu.memory_space<hbm>>) dst(%arg6 : memref<184xi32, #tpu.memory_space<vmem>>)
        %dma_wait3A_115 = tpu.memref_slice %arg4[%add3A_75] : memref<320000xi32, #tpu.memory_space<hbm>> -> memref<184xi32, #tpu.memory_space<hbm>>
        %dma_wait3A_116 = tpu.memref_slice %arg4[%add3A_75] : memref<320000xi32, #tpu.memory_space<hbm>> -> memref<184xi32, #tpu.memory_space<hbm>>
        tpu.wait_dma2 semaphore(%arg14 : memref<!tpu.dma_semaphore, #tpu.memory_space<semaphore_mem>>) src(%dma_wait3A_116 : memref<184xi32, #tpu.memory_space<hbm>>) dst(%arg8 : memref<184xi32, #tpu.memory_space<vmem>>)
        %dma_start3A_117 = arith.constant 0 : i32
        %dma_start3A_118 = arith.constant 0 : i32
        %dma_start3A_119 = tpu.memref_slice %arg2[%dma_start3A_117, %dma_start3A_118] : memref<10000x128xf32, #tpu.memory_space<hbm>> -> memref<10000x128xf32, #tpu.memory_space<hbm>>
        tpu.enqueue_indirect_dma source(%dma_start3A_119 : memref<10000x128xf32, #tpu.memory_space<hbm>>) target(%arg11 : memref<184x128xf32, #tpu.memory_space<vmem>>) offsets(%arg6 : memref<184xi32, #tpu.memory_space<vmem>>) semaphore(%arg16 : memref<!tpu.dma_semaphore, #tpu.memory_space<semaphore_mem>>)
      } else {
      }
      %dma_wait3A_109 = arith.constant 0 : i32
      %dma_wait3A_110 = arith.constant 0 : i32
      %dma_wait3A_111 = tpu.memref_slice %arg13[%dma_wait3A_109, %dma_wait3A_110] : memref<10240x128xf32, #tpu.memory_space<vmem_shared>> -> memref<10240x128xf32, #tpu.memory_space<vmem_shared>>
      tpu.wait_indirect_dma semaphore(%arg19 : memref<!tpu.dma_semaphore, #tpu.memory_space<semaphore_mem>>) src(%arg12 : memref<184x128xf32, #tpu.memory_space<vmem>>) dst(%dma_wait3A_111 : memref<10240x128xf32, #tpu.memory_space<vmem_shared>>)
      %scan3A_112 = arith.constant 0 : i32
      scf.yield %scan3A_112 : i32
    }
    %scan3A_41 = arith.constant 27 : i32
    %add3A_42 = arith.constant 10000 : i32
    %add3A_43 = arith.addi %mul3A_2, %add3A_42 : i32
    %sub3A = arith.constant 184 : i32
    %sub3A_44 = arith.subi %add3A_43, %sub3A : i32
    "tpu.region"() ({
      %run_scoped3A = tpu.sem_alloc : memref<!tpu.dma_semaphore, #tpu.memory_space<semaphore_mem>>
      %dma_start3A_60 = tpu.memref_slice %arg3[%sub3A_44] : memref<320000xi32, #tpu.memory_space<hbm>> -> memref<184xi32, #tpu.memory_space<hbm>>
      %dma_start3A_61 = tpu.memref_slice %arg3[%sub3A_44] : memref<320000xi32, #tpu.memory_space<hbm>> -> memref<184xi32, #tpu.memory_space<hbm>>
      tpu.enqueue_dma source(%dma_start3A_61 : memref<184xi32, #tpu.memory_space<hbm>>) target(%arg6 : memref<184xi32, #tpu.memory_space<vmem>>) target_semaphore(%run_scoped3A : memref<!tpu.dma_semaphore, #tpu.memory_space<semaphore_mem>>)
      %dma_wait3A_62 = tpu.memref_slice %arg3[%sub3A_44] : memref<320000xi32, #tpu.memory_space<hbm>> -> memref<184xi32, #tpu.memory_space<hbm>>
      %dma_wait3A_63 = tpu.memref_slice %arg3[%sub3A_44] : memref<320000xi32, #tpu.memory_space<hbm>> -> memref<184xi32, #tpu.memory_space<hbm>>
      tpu.wait_dma2 semaphore(%run_scoped3A : memref<!tpu.dma_semaphore, #tpu.memory_space<semaphore_mem>>) src(%dma_wait3A_63 : memref<184xi32, #tpu.memory_space<hbm>>) dst(%arg6 : memref<184xi32, #tpu.memory_space<vmem>>)
      tpu.yield
    }) : () -> ()
    %add3A_45 = arith.constant 10000 : i32
    %add3A_46 = arith.addi %mul3A_2, %add3A_45 : i32
    %sub3A_47 = arith.constant 64 : i32
    %sub3A_48 = arith.subi %add3A_46, %sub3A_47 : i32
    "tpu.region"() ({
      %run_scoped3A = tpu.sem_alloc : memref<!tpu.dma_semaphore, #tpu.memory_space<semaphore_mem>>
      %dma_start3A_60 = tpu.memref_slice %arg4[%sub3A_48] : memref<320000xi32, #tpu.memory_space<hbm>> -> memref<64xi32, #tpu.memory_space<hbm>>
      %dma_start3A_61 = tpu.memref_slice %arg4[%sub3A_48] : memref<320000xi32, #tpu.memory_space<hbm>> -> memref<64xi32, #tpu.memory_space<hbm>>
      tpu.enqueue_dma source(%dma_start3A_61 : memref<64xi32, #tpu.memory_space<hbm>>) target(%arg10 : memref<64xi32, #tpu.memory_space<vmem>>) target_semaphore(%run_scoped3A : memref<!tpu.dma_semaphore, #tpu.memory_space<semaphore_mem>>)
      %dma_wait3A_62 = tpu.memref_slice %arg4[%sub3A_48] : memref<320000xi32, #tpu.memory_space<hbm>> -> memref<64xi32, #tpu.memory_space<hbm>>
      %dma_wait3A_63 = tpu.memref_slice %arg4[%sub3A_48] : memref<320000xi32, #tpu.memory_space<hbm>> -> memref<64xi32, #tpu.memory_space<hbm>>
      tpu.wait_dma2 semaphore(%run_scoped3A : memref<!tpu.dma_semaphore, #tpu.memory_space<semaphore_mem>>) src(%dma_wait3A_63 : memref<64xi32, #tpu.memory_space<hbm>>) dst(%arg10 : memref<64xi32, #tpu.memory_space<vmem>>)
      tpu.yield
    }) : () -> ()
    %dma_start3A_49 = arith.constant 0 : i32
    %dma_start3A_50 = arith.constant 0 : i32
    %dma_start3A_51 = tpu.memref_slice %arg2[%dma_start3A_49, %dma_start3A_50] : memref<10000x128xf32, #tpu.memory_space<hbm>> -> memref<10000x128xf32, #tpu.memory_space<hbm>>
    tpu.enqueue_indirect_dma source(%dma_start3A_51 : memref<10000x128xf32, #tpu.memory_space<hbm>>) target(%arg11 : memref<184x128xf32, #tpu.memory_space<vmem>>) offsets(%arg6 : memref<184xi32, #tpu.memory_space<vmem>>) semaphore(%arg16 : memref<!tpu.dma_semaphore, #tpu.memory_space<semaphore_mem>>)
    %dma_wait3A_52 = arith.constant 0 : i32
    %dma_wait3A_53 = arith.constant 0 : i32
    %dma_wait3A_54 = tpu.memref_slice %arg2[%dma_wait3A_52, %dma_wait3A_53] : memref<10000x128xf32, #tpu.memory_space<hbm>> -> memref<10000x128xf32, #tpu.memory_space<hbm>>
    tpu.wait_indirect_dma semaphore(%arg16 : memref<!tpu.dma_semaphore, #tpu.memory_space<semaphore_mem>>) src(%dma_wait3A_54 : memref<10000x128xf32, #tpu.memory_space<hbm>>) dst(%arg11 : memref<184x128xf32, #tpu.memory_space<vmem>>)
    "tpu.region"() ({
      %run_scoped3A = tpu.sem_alloc : memref<!tpu.dma_semaphore, #tpu.memory_space<semaphore_mem>>
      %dma_start3A_60 = arith.constant 120 : i32
      %dma_start3A_61 = arith.constant 0 : i32
      %dma_start3A_62 = tpu.memref_slice %arg11[%dma_start3A_60, %dma_start3A_61] : memref<184x128xf32, #tpu.memory_space<vmem>> -> memref<64x128xf32, #tpu.memory_space<vmem>>
      %dma_start3A_63 = arith.constant 0 : i32
      %dma_start3A_64 = arith.constant 0 : i32
      %dma_start3A_65 = tpu.memref_slice %arg13[%dma_start3A_63, %dma_start3A_64] : memref<10240x128xf32, #tpu.memory_space<vmem_shared>> -> memref<10240x128xf32, #tpu.memory_space<vmem_shared>>
      tpu.enqueue_indirect_dma source(%dma_start3A_62 : memref<64x128xf32, #tpu.memory_space<vmem>>) target(%dma_start3A_65 : memref<10240x128xf32, #tpu.memory_space<vmem_shared>>) offsets(%arg10 : memref<64xi32, #tpu.memory_space<vmem>>) semaphore(%run_scoped3A : memref<!tpu.dma_semaphore, #tpu.memory_space<semaphore_mem>>) {add = true}
      %dma_wait3A_66 = arith.constant 120 : i32
      %dma_wait3A_67 = arith.constant 0 : i32
      %dma_wait3A_68 = tpu.memref_slice %arg11[%dma_wait3A_66, %dma_wait3A_67] : memref<184x128xf32, #tpu.memory_space<vmem>> -> memref<64x128xf32, #tpu.memory_space<vmem>>
      %dma_wait3A_69 = arith.constant 0 : i32
      %dma_wait3A_70 = arith.constant 0 : i32
      %dma_wait3A_71 = tpu.memref_slice %arg13[%dma_wait3A_69, %dma_wait3A_70] : memref<10240x128xf32, #tpu.memory_space<vmem_shared>> -> memref<10240x128xf32, #tpu.memory_space<vmem_shared>>
      tpu.wait_indirect_dma semaphore(%run_scoped3A : memref<!tpu.dma_semaphore, #tpu.memory_space<semaphore_mem>>) src(%dma_wait3A_68 : memref<64x128xf32, #tpu.memory_space<vmem>>) dst(%dma_wait3A_71 : memref<10240x128xf32, #tpu.memory_space<vmem_shared>>)
      tpu.yield
    }) : () -> ()
    %barrier3A_55 = arith.constant 0 : index
    tpu.barrier barrier_id(%barrier3A_55)
    %mul3A_56 = arith.constant 640 : i32
    %mul3A_57 = arith.muli %arg1, %mul3A_56 : i32
    %mul3A_58 = arith.constant 640 : i32
    %mul3A_59 = arith.muli %arg1, %mul3A_58 : i32
    "tpu.region"() ({
      %run_scoped3A = tpu.sem_alloc : memref<!tpu.dma_semaphore, #tpu.memory_space<semaphore_mem>>
      %dma_start3A_60 = arith.constant 0 : i32
      %dma_start3A_61 = tpu.memref_slice %arg5[%arg0, %mul3A_59, %dma_start3A_60] : memref<2x10240x128xf32, #tpu.memory_space<hbm>> -> memref<1x640x128xf32, #tpu.memory_space<hbm>>
      %dma_start3A_62 = tpu.memref_squeeze %dma_start3A_61 : memref<1x640x128xf32, #tpu.memory_space<hbm>> -> memref<640x128xf32, #tpu.memory_space<hbm>>
      %dma_start3A_63 = arith.constant 0 : i32
      %dma_start3A_64 = tpu.memref_slice %arg13[%mul3A_57, %dma_start3A_63] : memref<10240x128xf32, #tpu.memory_space<vmem_shared>> -> memref<640x128xf32, #tpu.memory_space<vmem_shared>>
      tpu.enqueue_dma source(%dma_start3A_64 : memref<640x128xf32, #tpu.memory_space<vmem_shared>>) target(%dma_start3A_62 : memref<640x128xf32, #tpu.memory_space<hbm>>) target_semaphore(%run_scoped3A : memref<!tpu.dma_semaphore, #tpu.memory_space<semaphore_mem>>)
      %dma_wait3A_65 = arith.constant 0 : i32
      %dma_wait3A_66 = tpu.memref_slice %arg5[%arg0, %mul3A_59, %dma_wait3A_65] : memref<2x10240x128xf32, #tpu.memory_space<hbm>> -> memref<1x640x128xf32, #tpu.memory_space<hbm>>
      %dma_wait3A_67 = tpu.memref_squeeze %dma_wait3A_66 : memref<1x640x128xf32, #tpu.memory_space<hbm>> -> memref<640x128xf32, #tpu.memory_space<hbm>>
      %dma_wait3A_68 = arith.constant 0 : i32
      %dma_wait3A_69 = tpu.memref_slice %arg13[%mul3A_57, %dma_wait3A_68] : memref<10240x128xf32, #tpu.memory_space<vmem_shared>> -> memref<640x128xf32, #tpu.memory_space<vmem_shared>>
      tpu.wait_dma2 semaphore(%run_scoped3A : memref<!tpu.dma_semaphore, #tpu.memory_space<semaphore_mem>>) src(%dma_wait3A_69 : memref<640x128xf32, #tpu.memory_space<vmem_shared>>) dst(%dma_wait3A_67 : memref<640x128xf32, #tpu.memory_space<hbm>>)
      tpu.yield
    }) : () -> ()
    return
  }
}

#map = affine_map<(d0, d1) -> (0, 0)>
#map1 = affine_map<(d0, d1) -> (0)>
#map2 = affine_map<(d0, d1) -> (0, 0, 0)>
module attributes {stable_mosaic.version = 14 : i64} {
  func.func @k(%arg0: i32, %arg1: i32, %arg2: memref<10000x128xf32, #tpu.memory_space<hbm>>, %arg3: memref<320000xi32, #tpu.memory_space<hbm>>, %arg4: memref<320000xi32, #tpu.memory_space<hbm>>, %arg5: memref<2x10240x128xf32, #tpu.memory_space<hbm>>, %arg6: memref<184xi32, #tpu.memory_space<vmem>>, %arg7: memref<184xi32, #tpu.memory_space<vmem>>, %arg8: memref<184xi32, #tpu.memory_space<vmem>>, %arg9: memref<184xi32, #tpu.memory_space<vmem>>, %arg10: memref<64xi32, #tpu.memory_space<vmem>>, %arg11: memref<184x128xf32, #tpu.memory_space<vmem>>, %arg12: memref<184x128xf32, #tpu.memory_space<vmem>>, %arg13: memref<10240x128xf32, #tpu.memory_space<vmem_shared>>, %arg14: memref<!tpu.dma_semaphore, #tpu.memory_space<semaphore_mem>>, %arg15: memref<!tpu.dma_semaphore, #tpu.memory_space<semaphore_mem>>, %arg16: memref<!tpu.dma_semaphore, #tpu.memory_space<semaphore_mem>>, %arg17: memref<!tpu.dma_semaphore, #tpu.memory_space<semaphore_mem>>, %arg18: memref<!tpu.dma_semaphore, #tpu.memory_space<semaphore_mem>>, %arg19: memref<!tpu.dma_semaphore, #tpu.memory_space<semaphore_mem>>) attributes {dimension_semantics = [#tpu.dimension_semantics<core_parallel>, #tpu.dimension_semantics<subcore_parallel>], iteration_bounds = array<i64: 2, 16>, scalar_prefetch = 0 : i64, scratch_operands = 14 : i64, tpu.core_type = #tpu.core_type<sc_vector_subcore>, window_params = [{transform_indices = #map}, {transform_indices = #map1}, {transform_indices = #map1}, {transform_indices = #map2}]} {
    %mul3A = arith.constant 16 : i32
    %mul3A_0 = arith.muli %arg0, %mul3A : i32
    %add3A = arith.addi %mul3A_0, %arg1 : i32
    %mul3A_1 = arith.constant 10000 : i32
    %mul3A_2 = arith.muli %add3A, %mul3A_1 : i32
    %dma_start3A = tpu.memref_slice %arg3[%mul3A_2] : memref<320000xi32, #tpu.memory_space<hbm>> -> memref<184xi32, #tpu.memory_space<hbm>>
    %dma_start3A_3 = tpu.memref_slice %arg3[%mul3A_2] : memref<320000xi32, #tpu.memory_space<hbm>> -> memref<184xi32, #tpu.memory_space<hbm>>
    tpu.enqueue_dma source(%dma_start3A_3 : memref<184xi32, #tpu.memory_space<hbm>>) target(%arg6 : memref<184xi32, #tpu.memory_space<vmem>>) target_semaphore(%arg14 : memref<!tpu.dma_semaphore, #tpu.memory_space<semaphore_mem>>)
    %dma_start3A_4 = tpu.memref_slice %arg4[%mul3A_2] : memref<320000xi32, #tpu.memory_space<hbm>> -> memref<184xi32, #tpu.memory_space<hbm>>
    %dma_start3A_5 = tpu.memref_slice %arg4[%mul3A_2] : memref<320000xi32, #tpu.memory_space<hbm>> -> memref<184xi32, #tpu.memory_space<hbm>>
    tpu.enqueue_dma source(%dma_start3A_5 : memref<184xi32, #tpu.memory_space<hbm>>) target(%arg8 : memref<184xi32, #tpu.memory_space<vmem>>) target_semaphore(%arg14 : memref<!tpu.dma_semaphore, #tpu.memory_space<semaphore_mem>>)
    %dma_wait3A = tpu.memref_slice %arg3[%mul3A_2] : memref<320000xi32, #tpu.memory_space<hbm>> -> memref<184xi32, #tpu.memory_space<hbm>>
    %dma_wait3A_6 = tpu.memref_slice %arg3[%mul3A_2] : memref<320000xi32, #tpu.memory_space<hbm>> -> memref<184xi32, #tpu.memory_space<hbm>>
    tpu.wait_dma2 semaphore(%arg14 : memref<!tpu.dma_semaphore, #tpu.memory_space<semaphore_mem>>) src(%dma_wait3A_6 : memref<184xi32, #tpu.memory_space<hbm>>) dst(%arg6 : memref<184xi32, #tpu.memory_space<vmem>>)
    %dma_wait3A_7 = tpu.memref_slice %arg4[%mul3A_2] : memref<320000xi32, #tpu.memory_space<hbm>> -> memref<184xi32, #tpu.memory_space<hbm>>
    %dma_wait3A_8 = tpu.memref_slice %arg4[%mul3A_2] : memref<320000xi32, #tpu.memory_space<hbm>> -> memref<184xi32, #tpu.memory_space<hbm>>
    tpu.wait_dma2 semaphore(%arg14 : memref<!tpu.dma_semaphore, #tpu.memory_space<semaphore_mem>>) src(%dma_wait3A_8 : memref<184xi32, #tpu.memory_space<hbm>>) dst(%arg8 : memref<184xi32, #tpu.memory_space<vmem>>)
    %dma_start3A_9 = arith.constant 0 : i32
    %dma_start3A_10 = arith.constant 0 : i32
    %dma_start3A_11 = tpu.memref_slice %arg2[%dma_start3A_9, %dma_start3A_10] : memref<10000x128xf32, #tpu.memory_space<hbm>> -> memref<10000x128xf32, #tpu.memory_space<hbm>>
    tpu.enqueue_indirect_dma source(%dma_start3A_11 : memref<10000x128xf32, #tpu.memory_space<hbm>>) target(%arg11 : memref<184x128xf32, #tpu.memory_space<vmem>>) offsets(%arg6 : memref<184xi32, #tpu.memory_space<vmem>>) semaphore(%arg16 : memref<!tpu.dma_semaphore, #tpu.memory_space<semaphore_mem>>)
    %broadcast_in_dim3A = arith.constant 0.000000e+00 : f32
    %broadcast_in_dim3A_12 = vector.broadcast %broadcast_in_dim3A : f32 to vector<16xf32>
    %scan3A = arith.constant 0 : i32
    %scan3A_13 = arith.constant 0 : i32
    %scan3A_14 = arith.constant 184 : i32
    %scan3A_15 = arith.addi %scan3A_13, %scan3A_14 : i32
    %scan3A_16 = arith.constant 4 : i32
    %scan3A_17 = scf.for %scan3A_60 = %scan3A_13 to %scan3A_15 step %scan3A_16 iter_args(%scan3A_61 = %scan3A) -> (i32)  : i32 {
      %scan3A_62 = arith.constant 0 : i32
      %scan3A_63 = arith.constant 0 : i32
      %mul3A_64 = arith.constant 16 : i32
      %mul3A_65 = arith.muli %scan3A_63, %mul3A_64 : i32
      %swap3A = arith.index_cast %scan3A_60 : i32 to index
      %swap3A_66 = arith.index_cast %mul3A_65 : i32 to index
      %swap3A_67 = tpu.vector_load %arg12[%swap3A, %swap3A_66] {strides = array<i32>} : memref<184x128xf32, #tpu.memory_space<vmem>>, vector<1x16xf32>,
      %swap3A_68 = vector.shape_cast %swap3A_67 : vector<1x16xf32> to vector<16xf32>
      %swap3A_69 = vector.shape_cast %broadcast_in_dim3A_12 : vector<16xf32> to vector<1x16xf32>
      tpu.vector_store %arg12[%swap3A, %swap3A_66], %swap3A_69 {strides = array<i32>} : memref<184x128xf32, #tpu.memory_space<vmem>>, vector<1x16xf32>,
      %scan3A_70 = arith.constant 0 : i32
      %scan3A_71 = arith.constant 1 : i32
      %mul3A_72 = arith.constant 16 : i32
      %mul3A_73 = arith.muli %scan3A_71, %mul3A_72 : i32
      %swap3A_74 = arith.index_cast %scan3A_60 : i32 to index
      %swap3A_75 = arith.index_cast %mul3A_73 : i32 to index
      %swap3A_76 = tpu.vector_load %arg12[%swap3A_74, %swap3A_75] {strides = array<i32>} : memref<184x128xf32, #tpu.memory_space<vmem>>, vector<1x16xf32>,
      %swap3A_77 = vector.shape_cast %swap3A_76 : vector<1x16xf32> to vector<16xf32>
      %swap3A_78 = vector.shape_cast %broadcast_in_dim3A_12 : vector<16xf32> to vector<1x16xf32>
      tpu.vector_store %arg12[%swap3A_74, %swap3A_75], %swap3A_78 {strides = array<i32>} : memref<184x128xf32, #tpu.memory_space<vmem>>, vector<1x16xf32>,
      %scan3A_79 = arith.constant 0 : i32
      %scan3A_80 = arith.constant 2 : i32
      %mul3A_81 = arith.constant 16 : i32
      %mul3A_82 = arith.muli %scan3A_80, %mul3A_81 : i32
      %swap3A_83 = arith.index_cast %scan3A_60 : i32 to index
      %swap3A_84 = arith.index_cast %mul3A_82 : i32 to index
      %swap3A_85 = tpu.vector_load %arg12[%swap3A_83, %swap3A_84] {strides = array<i32>} : memref<184x128xf32, #tpu.memory_space<vmem>>, vector<1x16xf32>,
      %swap3A_86 = vector.shape_cast %swap3A_85 : vector<1x16xf32> to vector<16xf32>
      %swap3A_87 = vector.shape_cast %broadcast_in_dim3A_12 : vector<16xf32> to vector<1x16xf32>
      tpu.vector_store %arg12[%swap3A_83, %swap3A_84], %swap3A_87 {strides = array<i32>} : memref<184x128xf32, #tpu.memory_space<vmem>>, vector<1x16xf32>,
      %scan3A_88 = arith.constant 0 : i32
      %scan3A_89 = arith.constant 3 : i32
      %mul3A_90 = arith.constant 16 : i32
      %mul3A_91 = arith.muli %scan3A_89, %mul3A_90 : i32
      %swap3A_92 = arith.index_cast %scan3A_60 : i32 to index
      %swap3A_93 = arith.index_cast %mul3A_91 : i32 to index
      %swap3A_94 = tpu.vector_load %arg12[%swap3A_92, %swap3A_93] {strides = array<i32>} : memref<184x128xf32, #tpu.memory_space<vmem>>, vector<1x16xf32>,
      %swap3A_95 = vector.shape_cast %swap3A_94 : vector<1x16xf32> to vector<16xf32>
      %swap3A_96 = vector.shape_cast %broadcast_in_dim3A_12 : vector<16xf32> to vector<1x16xf32>
      tpu.vector_store %arg12[%swap3A_92, %swap3A_93], %swap3A_96 {strides = array<i32>} : memref<184x128xf32, #tpu.memory_space<vmem>>, vector<1x16xf32>,
      %scan3A_97 = arith.constant 0 : i32
      %scan3A_98 = arith.constant 4 : i32
      %mul3A_99 = arith.constant 16 : i32
      %mul3A_100 = arith.muli %scan3A_98, %mul3A_99 : i32
      %swap3A_101 = arith.index_cast %scan3A_60 : i32 to index
      %swap3A_102 = arith.index_cast %mul3A_100 : i32 to index
      %swap3A_103 = tpu.vector_load %arg12[%swap3A_101, %swap3A_102] {strides = array<i32>} : memref<184x128xf32, #tpu.memory_space<vmem>>, vector<1x16xf32>,
      %swap3A_104 = vector.shape_cast %swap3A_103 : vector<1x16xf32> to vector<16xf32>
      %swap3A_105 = vector.shape_cast %broadcast_in_dim3A_12 : vector<16xf32> to vector<1x16xf32>
      tpu.vector_store %arg12[%swap3A_101, %swap3A_102], %swap3A_105 {strides = array<i32>} : memref<184x128xf32, #tpu.memory_space<vmem>>, vector<1x16xf32>,
      %scan3A_106 = arith.constant 0 : i32
      %scan3A_107 = arith.constant 5 : i32
      %mul3A_108 = arith.constant 16 : i32
      %mul3A_109 = arith.muli %scan3A_107, %mul3A_108 : i32
      %swap3A_110 = arith.index_cast %scan3A_60 : i32 to index
      %swap3A_111 = arith.index_cast %mul3A_109 : i32 to index
      %swap3A_112 = tpu.vector_load %arg12[%swap3A_110, %swap3A_111] {strides = array<i32>} : memref<184x128xf32, #tpu.memory_space<vmem>>, vector<1x16xf32>,
      %swap3A_113 = vector.shape_cast %swap3A_112 : vector<1x16xf32> to vector<16xf32>
      %swap3A_114 = vector.shape_cast %broadcast_in_dim3A_12 : vector<16xf32> to vector<1x16xf32>
      tpu.vector_store %arg12[%swap3A_110, %swap3A_111], %swap3A_114 {strides = array<i32>} : memref<184x128xf32, #tpu.memory_space<vmem>>, vector<1x16xf32>,
      %scan3A_115 = arith.constant 0 : i32
      %scan3A_116 = arith.constant 6 : i32
      %mul3A_117 = arith.constant 16 : i32
      %mul3A_118 = arith.muli %scan3A_116, %mul3A_117 : i32
      %swap3A_119 = arith.index_cast %scan3A_60 : i32 to index
      %swap3A_120 = arith.index_cast %mul3A_118 : i32 to index
      %swap3A_121 = tpu.vector_load %arg12[%swap3A_119, %swap3A_120] {strides = array<i32>} : memref<184x128xf32, #tpu.memory_space<vmem>>, vector<1x16xf32>,
      %swap3A_122 = vector.shape_cast %swap3A_121 : vector<1x16xf32> to vector<16xf32>
      %swap3A_123 = vector.shape_cast %broadcast_in_dim3A_12 : vector<16xf32> to vector<1x16xf32>
      tpu.vector_store %arg12[%swap3A_119, %swap3A_120], %swap3A_123 {strides = array<i32>} : memref<184x128xf32, #tpu.memory_space<vmem>>, vector<1x16xf32>,
      %scan3A_124 = arith.constant 0 : i32
      %scan3A_125 = arith.constant 7 : i32
      %mul3A_126 = arith.constant 16 : i32
      %mul3A_127 = arith.muli %scan3A_125, %mul3A_126 : i32
      %swap3A_128 = arith.index_cast %scan3A_60 : i32 to index
      %swap3A_129 = arith.index_cast %mul3A_127 : i32 to index
      %swap3A_130 = tpu.vector_load %arg12[%swap3A_128, %swap3A_129] {strides = array<i32>} : memref<184x128xf32, #tpu.memory_space<vmem>>, vector<1x16xf32>,
      %swap3A_131 = vector.shape_cast %swap3A_130 : vector<1x16xf32> to vector<16xf32>
      %swap3A_132 = vector.shape_cast %broadcast_in_dim3A_12 : vector<16xf32> to vector<1x16xf32>
      tpu.vector_store %arg12[%swap3A_128, %swap3A_129], %swap3A_132 {strides = array<i32>} : memref<184x128xf32, #tpu.memory_space<vmem>>, vector<1x16xf32>,
      %scan3A_133 = arith.constant 0 : i32
      %scan3A_134 = arith.constant 8 : i32
      %scan3A_135 = arith.constant 0 : i32
      %scan3A_136 = arith.constant 1 : i32
      %scan3A_137 = arith.addi %scan3A_60, %scan3A_136 : i32
      %scan3A_138 = arith.constant 0 : i32
      %scan3A_139 = arith.constant 0 : i32
      %mul3A_140 = arith.constant 16 : i32
      %mul3A_141 = arith.muli %scan3A_139, %mul3A_140 : i32
      %swap3A_142 = arith.index_cast %scan3A_137 : i32 to index
      %swap3A_143 = arith.index_cast %mul3A_141 : i32 to index
      %swap3A_144 = tpu.vector_load %arg12[%swap3A_142, %swap3A_143] {strides = array<i32>} : memref<184x128xf32, #tpu.memory_space<vmem>>, vector<1x16xf32>,
      %swap3A_145 = vector.shape_cast %swap3A_144 : vector<1x16xf32> to vector<16xf32>
      %swap3A_146 = vector.shape_cast %broadcast_in_dim3A_12 : vector<16xf32> to vector<1x16xf32>
      tpu.vector_store %arg12[%swap3A_142, %swap3A_143], %swap3A_146 {strides = array<i32>} : memref<184x128xf32, #tpu.memory_space<vmem>>, vector<1x16xf32>,
      %scan3A_147 = arith.constant 0 : i32
      %scan3A_148 = arith.constant 1 : i32
      %mul3A_149 = arith.constant 16 : i32
      %mul3A_150 = arith.muli %scan3A_148, %mul3A_149 : i32
      %swap3A_151 = arith.index_cast %scan3A_137 : i32 to index
      %swap3A_152 = arith.index_cast %mul3A_150 : i32 to index
      %swap3A_153 = tpu.vector_load %arg12[%swap3A_151, %swap3A_152] {strides = array<i32>} : memref<184x128xf32, #tpu.memory_space<vmem>>, vector<1x16xf32>,
      %swap3A_154 = vector.shape_cast %swap3A_153 : vector<1x16xf32> to vector<16xf32>
      %swap3A_155 = vector.shape_cast %broadcast_in_dim3A_12 : vector<16xf32> to vector<1x16xf32>
      tpu.vector_store %arg12[%swap3A_151, %swap3A_152], %swap3A_155 {strides = array<i32>} : memref<184x128xf32, #tpu.memory_space<vmem>>, vector<1x16xf32>,
      %scan3A_156 = arith.constant 0 : i32
      %scan3A_157 = arith.constant 2 : i32
      %mul3A_158 = arith.constant 16 : i32
      %mul3A_159 = arith.muli %scan3A_157, %mul3A_158 : i32
      %swap3A_160 = arith.index_cast %scan3A_137 : i32 to index
      %swap3A_161 = arith.index_cast %mul3A_159 : i32 to index
      %swap3A_162 = tpu.vector_load %arg12[%swap3A_160, %swap3A_161] {strides = array<i32>} : memref<184x128xf32, #tpu.memory_space<vmem>>, vector<1x16xf32>,
      %swap3A_163 = vector.shape_cast %swap3A_162 : vector<1x16xf32> to vector<16xf32>
      %swap3A_164 = vector.shape_cast %broadcast_in_dim3A_12 : vector<16xf32> to vector<1x16xf32>
      tpu.vector_store %arg12[%swap3A_160, %swap3A_161], %swap3A_164 {strides = array<i32>} : memref<184x128xf32, #tpu.memory_space<vmem>>, vector<1x16xf32>,
      %scan3A_165 = arith.constant 0 : i32
      %scan3A_166 = arith.constant 3 : i32
      %mul3A_167 = arith.constant 16 : i32
      %mul3A_168 = arith.muli %scan3A_166, %mul3A_167 : i32
      %swap3A_169 = arith.index_cast %scan3A_137 : i32 to index
      %swap3A_170 = arith.index_cast %mul3A_168 : i32 to index
      %swap3A_171 = tpu.vector_load %arg12[%swap3A_169, %swap3A_170] {strides = array<i32>} : memref<184x128xf32, #tpu.memory_space<vmem>>, vector<1x16xf32>,
      %swap3A_172 = vector.shape_cast %swap3A_171 : vector<1x16xf32> to vector<16xf32>
      %swap3A_173 = vector.shape_cast %broadcast_in_dim3A_12 : vector<16xf32> to vector<1x16xf32>
      tpu.vector_store %arg12[%swap3A_169, %swap3A_170], %swap3A_173 {strides = array<i32>} : memref<184x128xf32, #tpu.memory_space<vmem>>, vector<1x16xf32>,
      %scan3A_174 = arith.constant 0 : i32
      %scan3A_175 = arith.constant 4 : i32
      %mul3A_176 = arith.constant 16 : i32
      %mul3A_177 = arith.muli %scan3A_175, %mul3A_176 : i32
      %swap3A_178 = arith.index_cast %scan3A_137 : i32 to index
      %swap3A_179 = arith.index_cast %mul3A_177 : i32 to index
      %swap3A_180 = tpu.vector_load %arg12[%swap3A_178, %swap3A_179] {strides = array<i32>} : memref<184x128xf32, #tpu.memory_space<vmem>>, vector<1x16xf32>,
      %swap3A_181 = vector.shape_cast %swap3A_180 : vector<1x16xf32> to vector<16xf32>
      %swap3A_182 = vector.shape_cast %broadcast_in_dim3A_12 : vector<16xf32> to vector<1x16xf32>
      tpu.vector_store %arg12[%swap3A_178, %swap3A_179], %swap3A_182 {strides = array<i32>} : memref<184x128xf32, #tpu.memory_space<vmem>>, vector<1x16xf32>,
      %scan3A_183 = arith.constant 0 : i32
      %scan3A_184 = arith.constant 5 : i32
      %mul3A_185 = arith.constant 16 : i32
      %mul3A_186 = arith.muli %scan3A_184, %mul3A_185 : i32
      %swap3A_187 = arith.index_cast %scan3A_137 : i32 to index
      %swap3A_188 = arith.index_cast %mul3A_186 : i32 to index
      %swap3A_189 = tpu.vector_load %arg12[%swap3A_187, %swap3A_188] {strides = array<i32>} : memref<184x128xf32, #tpu.memory_space<vmem>>, vector<1x16xf32>,
      %swap3A_190 = vector.shape_cast %swap3A_189 : vector<1x16xf32> to vector<16xf32>
      %swap3A_191 = vector.shape_cast %broadcast_in_dim3A_12 : vector<16xf32> to vector<1x16xf32>
      tpu.vector_store %arg12[%swap3A_187, %swap3A_188], %swap3A_191 {strides = array<i32>} : memref<184x128xf32, #tpu.memory_space<vmem>>, vector<1x16xf32>,
      %scan3A_192 = arith.constant 0 : i32
      %scan3A_193 = arith.constant 6 : i32
      %mul3A_194 = arith.constant 16 : i32
      %mul3A_195 = arith.muli %scan3A_193, %mul3A_194 : i32
      %swap3A_196 = arith.index_cast %scan3A_137 : i32 to index
      %swap3A_197 = arith.index_cast %mul3A_195 : i32 to index
      %swap3A_198 = tpu.vector_load %arg12[%swap3A_196, %swap3A_197] {strides = array<i32>} : memref<184x128xf32, #tpu.memory_space<vmem>>, vector<1x16xf32>,
      %swap3A_199 = vector.shape_cast %swap3A_198 : vector<1x16xf32> to vector<16xf32>
      %swap3A_200 = vector.shape_cast %broadcast_in_dim3A_12 : vector<16xf32> to vector<1x16xf32>
      tpu.vector_store %arg12[%swap3A_196, %swap3A_197], %swap3A_200 {strides = array<i32>} : memref<184x128xf32, #tpu.memory_space<vmem>>, vector<1x16xf32>,
      %scan3A_201 = arith.constant 0 : i32
      %scan3A_202 = arith.constant 7 : i32
      %mul3A_203 = arith.constant 16 : i32
      %mul3A_204 = arith.muli %scan3A_202, %mul3A_203 : i32
      %swap3A_205 = arith.index_cast %scan3A_137 : i32 to index
      %swap3A_206 = arith.index_cast %mul3A_204 : i32 to index
      %swap3A_207 = tpu.vector_load %arg12[%swap3A_205, %swap3A_206] {strides = array<i32>} : memref<184x128xf32, #tpu.memory_space<vmem>>, vector<1x16xf32>,
      %swap3A_208 = vector.shape_cast %swap3A_207 : vector<1x16xf32> to vector<16xf32>
      %swap3A_209 = vector.shape_cast %broadcast_in_dim3A_12 : vector<16xf32> to vector<1x16xf32>
      tpu.vector_store %arg12[%swap3A_205, %swap3A_206], %swap3A_209 {strides = array<i32>} : memref<184x128xf32, #tpu.memory_space<vmem>>, vector<1x16xf32>,
      %scan3A_210 = arith.constant 0 : i32
      %scan3A_211 = arith.constant 8 : i32
      %scan3A_212 = arith.constant 0 : i32
      %scan3A_213 = arith.constant 2 : i32
      %scan3A_214 = arith.addi %scan3A_60, %scan3A_213 : i32
      %scan3A_215 = arith.constant 0 : i32
      %scan3A_216 = arith.constant 0 : i32
      %mul3A_217 = arith.constant 16 : i32
      %mul3A_218 = arith.muli %scan3A_216, %mul3A_217 : i32
      %swap3A_219 = arith.index_cast %scan3A_214 : i32 to index
      %swap3A_220 = arith.index_cast %mul3A_218 : i32 to index
      %swap3A_221 = tpu.vector_load %arg12[%swap3A_219, %swap3A_220] {strides = array<i32>} : memref<184x128xf32, #tpu.memory_space<vmem>>, vector<1x16xf32>,
      %swap3A_222 = vector.shape_cast %swap3A_221 : vector<1x16xf32> to vector<16xf32>
      %swap3A_223 = vector.shape_cast %broadcast_in_dim3A_12 : vector<16xf32> to vector<1x16xf32>
      tpu.vector_store %arg12[%swap3A_219, %swap3A_220], %swap3A_223 {strides = array<i32>} : memref<184x128xf32, #tpu.memory_space<vmem>>, vector<1x16xf32>,
      %scan3A_224 = arith.constant 0 : i32
      %scan3A_225 = arith.constant 1 : i32
      %mul3A_226 = arith.constant 16 : i32
      %mul3A_227 = arith.muli %scan3A_225, %mul3A_226 : i32
      %swap3A_228 = arith.index_cast %scan3A_214 : i32 to index
      %swap3A_229 = arith.index_cast %mul3A_227 : i32 to index
      %swap3A_230 = tpu.vector_load %arg12[%swap3A_228, %swap3A_229] {strides = array<i32>} : memref<184x128xf32, #tpu.memory_space<vmem>>, vector<1x16xf32>,
      %swap3A_231 = vector.shape_cast %swap3A_230 : vector<1x16xf32> to vector<16xf32>
      %swap3A_232 = vector.shape_cast %broadcast_in_dim3A_12 : vector<16xf32> to vector<1x16xf32>
      tpu.vector_store %arg12[%swap3A_228, %swap3A_229], %swap3A_232 {strides = array<i32>} : memref<184x128xf32, #tpu.memory_space<vmem>>, vector<1x16xf32>,
      %scan3A_233 = arith.constant 0 : i32
      %scan3A_234 = arith.constant 2 : i32
      %mul3A_235 = arith.constant 16 : i32
      %mul3A_236 = arith.muli %scan3A_234, %mul3A_235 : i32
      %swap3A_237 = arith.index_cast %scan3A_214 : i32 to index
      %swap3A_238 = arith.index_cast %mul3A_236 : i32 to index
      %swap3A_239 = tpu.vector_load %arg12[%swap3A_237, %swap3A_238] {strides = array<i32>} : memref<184x128xf32, #tpu.memory_space<vmem>>, vector<1x16xf32>,
      %swap3A_240 = vector.shape_cast %swap3A_239 : vector<1x16xf32> to vector<16xf32>
      %swap3A_241 = vector.shape_cast %broadcast_in_dim3A_12 : vector<16xf32> to vector<1x16xf32>
      tpu.vector_store %arg12[%swap3A_237, %swap3A_238], %swap3A_241 {strides = array<i32>} : memref<184x128xf32, #tpu.memory_space<vmem>>, vector<1x16xf32>,
      %scan3A_242 = arith.constant 0 : i32
      %scan3A_243 = arith.constant 3 : i32
      %mul3A_244 = arith.constant 16 : i32
      %mul3A_245 = arith.muli %scan3A_243, %mul3A_244 : i32
      %swap3A_246 = arith.index_cast %scan3A_214 : i32 to index
      %swap3A_247 = arith.index_cast %mul3A_245 : i32 to index
      %swap3A_248 = tpu.vector_load %arg12[%swap3A_246, %swap3A_247] {strides = array<i32>} : memref<184x128xf32, #tpu.memory_space<vmem>>, vector<1x16xf32>,
      %swap3A_249 = vector.shape_cast %swap3A_248 : vector<1x16xf32> to vector<16xf32>
      %swap3A_250 = vector.shape_cast %broadcast_in_dim3A_12 : vector<16xf32> to vector<1x16xf32>
      tpu.vector_store %arg12[%swap3A_246, %swap3A_247], %swap3A_250 {strides = array<i32>} : memref<184x128xf32, #tpu.memory_space<vmem>>, vector<1x16xf32>,
      %scan3A_251 = arith.constant 0 : i32
      %scan3A_252 = arith.constant 4 : i32
      %mul3A_253 = arith.constant 16 : i32
      %mul3A_254 = arith.muli %scan3A_252, %mul3A_253 : i32
      %swap3A_255 = arith.index_cast %scan3A_214 : i32 to index
      %swap3A_256 = arith.index_cast %mul3A_254 : i32 to index
      %swap3A_257 = tpu.vector_load %arg12[%swap3A_255, %swap3A_256] {strides = array<i32>} : memref<184x128xf32, #tpu.memory_space<vmem>>, vector<1x16xf32>,
      %swap3A_258 = vector.shape_cast %swap3A_257 : vector<1x16xf32> to vector<16xf32>
      %swap3A_259 = vector.shape_cast %broadcast_in_dim3A_12 : vector<16xf32> to vector<1x16xf32>
      tpu.vector_store %arg12[%swap3A_255, %swap3A_256], %swap3A_259 {strides = array<i32>} : memref<184x128xf32, #tpu.memory_space<vmem>>, vector<1x16xf32>,
      %scan3A_260 = arith.constant 0 : i32
      %scan3A_261 = arith.constant 5 : i32
      %mul3A_262 = arith.constant 16 : i32
      %mul3A_263 = arith.muli %scan3A_261, %mul3A_262 : i32
      %swap3A_264 = arith.index_cast %scan3A_214 : i32 to index
      %swap3A_265 = arith.index_cast %mul3A_263 : i32 to index
      %swap3A_266 = tpu.vector_load %arg12[%swap3A_264, %swap3A_265] {strides = array<i32>} : memref<184x128xf32, #tpu.memory_space<vmem>>, vector<1x16xf32>,
      %swap3A_267 = vector.shape_cast %swap3A_266 : vector<1x16xf32> to vector<16xf32>
      %swap3A_268 = vector.shape_cast %broadcast_in_dim3A_12 : vector<16xf32> to vector<1x16xf32>
      tpu.vector_store %arg12[%swap3A_264, %swap3A_265], %swap3A_268 {strides = array<i32>} : memref<184x128xf32, #tpu.memory_space<vmem>>, vector<1x16xf32>,
      %scan3A_269 = arith.constant 0 : i32
      %scan3A_270 = arith.constant 6 : i32
      %mul3A_271 = arith.constant 16 : i32
      %mul3A_272 = arith.muli %scan3A_270, %mul3A_271 : i32
      %swap3A_273 = arith.index_cast %scan3A_214 : i32 to index
      %swap3A_274 = arith.index_cast %mul3A_272 : i32 to index
      %swap3A_275 = tpu.vector_load %arg12[%swap3A_273, %swap3A_274] {strides = array<i32>} : memref<184x128xf32, #tpu.memory_space<vmem>>, vector<1x16xf32>,
      %swap3A_276 = vector.shape_cast %swap3A_275 : vector<1x16xf32> to vector<16xf32>
      %swap3A_277 = vector.shape_cast %broadcast_in_dim3A_12 : vector<16xf32> to vector<1x16xf32>
      tpu.vector_store %arg12[%swap3A_273, %swap3A_274], %swap3A_277 {strides = array<i32>} : memref<184x128xf32, #tpu.memory_space<vmem>>, vector<1x16xf32>,
      %scan3A_278 = arith.constant 0 : i32
      %scan3A_279 = arith.constant 7 : i32
      %mul3A_280 = arith.constant 16 : i32
      %mul3A_281 = arith.muli %scan3A_279, %mul3A_280 : i32
      %swap3A_282 = arith.index_cast %scan3A_214 : i32 to index
      %swap3A_283 = arith.index_cast %mul3A_281 : i32 to index
      %swap3A_284 = tpu.vector_load %arg12[%swap3A_282, %swap3A_283] {strides = array<i32>} : memref<184x128xf32, #tpu.memory_space<vmem>>, vector<1x16xf32>,
      %swap3A_285 = vector.shape_cast %swap3A_284 : vector<1x16xf32> to vector<16xf32>
      %swap3A_286 = vector.shape_cast %broadcast_in_dim3A_12 : vector<16xf32> to vector<1x16xf32>
      tpu.vector_store %arg12[%swap3A_282, %swap3A_283], %swap3A_286 {strides = array<i32>} : memref<184x128xf32, #tpu.memory_space<vmem>>, vector<1x16xf32>,
      %scan3A_287 = arith.constant 0 : i32
      %scan3A_288 = arith.constant 8 : i32
      %scan3A_289 = arith.constant 0 : i32
      %scan3A_290 = arith.constant 3 : i32
      %scan3A_291 = arith.addi %scan3A_60, %scan3A_290 : i32
      %scan3A_292 = arith.constant 0 : i32
      %scan3A_293 = arith.constant 0 : i32
      %mul3A_294 = arith.constant 16 : i32
      %mul3A_295 = arith.muli %scan3A_293, %mul3A_294 : i32
      %swap3A_296 = arith.index_cast %scan3A_291 : i32 to index
      %swap3A_297 = arith.index_cast %mul3A_295 : i32 to index
      %swap3A_298 = tpu.vector_load %arg12[%swap3A_296, %swap3A_297] {strides = array<i32>} : memref<184x128xf32, #tpu.memory_space<vmem>>, vector<1x16xf32>,
      %swap3A_299 = vector.shape_cast %swap3A_298 : vector<1x16xf32> to vector<16xf32>
      %swap3A_300 = vector.shape_cast %broadcast_in_dim3A_12 : vector<16xf32> to vector<1x16xf32>
      tpu.vector_store %arg12[%swap3A_296, %swap3A_297], %swap3A_300 {strides = array<i32>} : memref<184x128xf32, #tpu.memory_space<vmem>>, vector<1x16xf32>,
      %scan3A_301 = arith.constant 0 : i32
      %scan3A_302 = arith.constant 1 : i32
      %mul3A_303 = arith.constant 16 : i32
      %mul3A_304 = arith.muli %scan3A_302, %mul3A_303 : i32
      %swap3A_305 = arith.index_cast %scan3A_291 : i32 to index
      %swap3A_306 = arith.index_cast %mul3A_304 : i32 to index
      %swap3A_307 = tpu.vector_load %arg12[%swap3A_305, %swap3A_306] {strides = array<i32>} : memref<184x128xf32, #tpu.memory_space<vmem>>, vector<1x16xf32>,
      %swap3A_308 = vector.shape_cast %swap3A_307 : vector<1x16xf32> to vector<16xf32>
      %swap3A_309 = vector.shape_cast %broadcast_in_dim3A_12 : vector<16xf32> to vector<1x16xf32>
      tpu.vector_store %arg12[%swap3A_305, %swap3A_306], %swap3A_309 {strides = array<i32>} : memref<184x128xf32, #tpu.memory_space<vmem>>, vector<1x16xf32>,
      %scan3A_310 = arith.constant 0 : i32
      %scan3A_311 = arith.constant 2 : i32
      %mul3A_312 = arith.constant 16 : i32
      %mul3A_313 = arith.muli %scan3A_311, %mul3A_312 : i32
      %swap3A_314 = arith.index_cast %scan3A_291 : i32 to index
      %swap3A_315 = arith.index_cast %mul3A_313 : i32 to index
      %swap3A_316 = tpu.vector_load %arg12[%swap3A_314, %swap3A_315] {strides = array<i32>} : memref<184x128xf32, #tpu.memory_space<vmem>>, vector<1x16xf32>,
      %swap3A_317 = vector.shape_cast %swap3A_316 : vector<1x16xf32> to vector<16xf32>
      %swap3A_318 = vector.shape_cast %broadcast_in_dim3A_12 : vector<16xf32> to vector<1x16xf32>
      tpu.vector_store %arg12[%swap3A_314, %swap3A_315], %swap3A_318 {strides = array<i32>} : memref<184x128xf32, #tpu.memory_space<vmem>>, vector<1x16xf32>,
      %scan3A_319 = arith.constant 0 : i32
      %scan3A_320 = arith.constant 3 : i32
      %mul3A_321 = arith.constant 16 : i32
      %mul3A_322 = arith.muli %scan3A_320, %mul3A_321 : i32
      %swap3A_323 = arith.index_cast %scan3A_291 : i32 to index
      %swap3A_324 = arith.index_cast %mul3A_322 : i32 to index
      %swap3A_325 = tpu.vector_load %arg12[%swap3A_323, %swap3A_324] {strides = array<i32>} : memref<184x128xf32, #tpu.memory_space<vmem>>, vector<1x16xf32>,
      %swap3A_326 = vector.shape_cast %swap3A_325 : vector<1x16xf32> to vector<16xf32>
      %swap3A_327 = vector.shape_cast %broadcast_in_dim3A_12 : vector<16xf32> to vector<1x16xf32>
      tpu.vector_store %arg12[%swap3A_323, %swap3A_324], %swap3A_327 {strides = array<i32>} : memref<184x128xf32, #tpu.memory_space<vmem>>, vector<1x16xf32>,
      %scan3A_328 = arith.constant 0 : i32
      %scan3A_329 = arith.constant 4 : i32
      %mul3A_330 = arith.constant 16 : i32
      %mul3A_331 = arith.muli %scan3A_329, %mul3A_330 : i32
      %swap3A_332 = arith.index_cast %scan3A_291 : i32 to index
      %swap3A_333 = arith.index_cast %mul3A_331 : i32 to index
      %swap3A_334 = tpu.vector_load %arg12[%swap3A_332, %swap3A_333] {strides = array<i32>} : memref<184x128xf32, #tpu.memory_space<vmem>>, vector<1x16xf32>,
      %swap3A_335 = vector.shape_cast %swap3A_334 : vector<1x16xf32> to vector<16xf32>
      %swap3A_336 = vector.shape_cast %broadcast_in_dim3A_12 : vector<16xf32> to vector<1x16xf32>
      tpu.vector_store %arg12[%swap3A_332, %swap3A_333], %swap3A_336 {strides = array<i32>} : memref<184x128xf32, #tpu.memory_space<vmem>>, vector<1x16xf32>,
      %scan3A_337 = arith.constant 0 : i32
      %scan3A_338 = arith.constant 5 : i32
      %mul3A_339 = arith.constant 16 : i32
      %mul3A_340 = arith.muli %scan3A_338, %mul3A_339 : i32
      %swap3A_341 = arith.index_cast %scan3A_291 : i32 to index
      %swap3A_342 = arith.index_cast %mul3A_340 : i32 to index
      %swap3A_343 = tpu.vector_load %arg12[%swap3A_341, %swap3A_342] {strides = array<i32>} : memref<184x128xf32, #tpu.memory_space<vmem>>, vector<1x16xf32>,
      %swap3A_344 = vector.shape_cast %swap3A_343 : vector<1x16xf32> to vector<16xf32>
      %swap3A_345 = vector.shape_cast %broadcast_in_dim3A_12 : vector<16xf32> to vector<1x16xf32>
      tpu.vector_store %arg12[%swap3A_341, %swap3A_342], %swap3A_345 {strides = array<i32>} : memref<184x128xf32, #tpu.memory_space<vmem>>, vector<1x16xf32>,
      %scan3A_346 = arith.constant 0 : i32
      %scan3A_347 = arith.constant 6 : i32
      %mul3A_348 = arith.constant 16 : i32
      %mul3A_349 = arith.muli %scan3A_347, %mul3A_348 : i32
      %swap3A_350 = arith.index_cast %scan3A_291 : i32 to index
      %swap3A_351 = arith.index_cast %mul3A_349 : i32 to index
      %swap3A_352 = tpu.vector_load %arg12[%swap3A_350, %swap3A_351] {strides = array<i32>} : memref<184x128xf32, #tpu.memory_space<vmem>>, vector<1x16xf32>,
      %swap3A_353 = vector.shape_cast %swap3A_352 : vector<1x16xf32> to vector<16xf32>
      %swap3A_354 = vector.shape_cast %broadcast_in_dim3A_12 : vector<16xf32> to vector<1x16xf32>
      tpu.vector_store %arg12[%swap3A_350, %swap3A_351], %swap3A_354 {strides = array<i32>} : memref<184x128xf32, #tpu.memory_space<vmem>>, vector<1x16xf32>,
      %scan3A_355 = arith.constant 0 : i32
      %scan3A_356 = arith.constant 7 : i32
      %mul3A_357 = arith.constant 16 : i32
      %mul3A_358 = arith.muli %scan3A_356, %mul3A_357 : i32
      %swap3A_359 = arith.index_cast %scan3A_291 : i32 to index
      %swap3A_360 = arith.index_cast %mul3A_358 : i32 to index
      %swap3A_361 = tpu.vector_load %arg12[%swap3A_359, %swap3A_360] {strides = array<i32>} : memref<184x128xf32, #tpu.memory_space<vmem>>, vector<1x16xf32>,
      %swap3A_362 = vector.shape_cast %swap3A_361 : vector<1x16xf32> to vector<16xf32>
      %swap3A_363 = vector.shape_cast %broadcast_in_dim3A_12 : vector<16xf32> to vector<1x16xf32>
      tpu.vector_store %arg12[%swap3A_359, %swap3A_360], %swap3A_363 {strides = array<i32>} : memref<184x128xf32, #tpu.memory_space<vmem>>, vector<1x16xf32>,
      %scan3A_364 = arith.constant 0 : i32
      %scan3A_365 = arith.constant 8 : i32
      %scan3A_366 = arith.constant 0 : i32
      scf.yield %scan3A_366 : i32
    }
    %scan3A_18 = arith.constant 184 : i32
    %mul3A_19 = arith.constant 640 : i32
    %mul3A_20 = arith.muli %arg1, %mul3A_19 : i32
    %add3A_21 = arith.constant 0 : i32
    %add3A_22 = arith.addi %mul3A_20, %add3A_21 : i32
    "tpu.region"() ({
      %run_scoped3A = tpu.sem_alloc : memref<!tpu.dma_semaphore, #tpu.memory_space<semaphore_mem>>
      %dma_start3A_60 = arith.constant 0 : i32
      %dma_start3A_61 = tpu.memref_slice %arg13[%add3A_22, %dma_start3A_60] : memref<10240x128xf32, #tpu.memory_space<vmem_shared>> -> memref<184x128xf32, #tpu.memory_space<vmem_shared>>
      %dma_start3A_62 = arith.constant 0 : i32
      %dma_start3A_63 = tpu.memref_slice %arg13[%add3A_22, %dma_start3A_62] : memref<10240x128xf32, #tpu.memory_space<vmem_shared>> -> memref<184x128xf32, #tpu.memory_space<vmem_shared>>
      tpu.enqueue_dma source(%arg12 : memref<184x128xf32, #tpu.memory_space<vmem>>) target(%dma_start3A_63 : memref<184x128xf32, #tpu.memory_space<vmem_shared>>) target_semaphore(%run_scoped3A : memref<!tpu.dma_semaphore, #tpu.memory_space<semaphore_mem>>)
      %dma_wait3A_64 = arith.constant 0 : i32
      %dma_wait3A_65 = tpu.memref_slice %arg13[%add3A_22, %dma_wait3A_64] : memref<10240x128xf32, #tpu.memory_space<vmem_shared>> -> memref<184x128xf32, #tpu.memory_space<vmem_shared>>
      %dma_wait3A_66 = arith.constant 0 : i32
      %dma_wait3A_67 = tpu.memref_slice %arg13[%add3A_22, %dma_wait3A_66] : memref<10240x128xf32, #tpu.memory_space<vmem_shared>> -> memref<184x128xf32, #tpu.memory_space<vmem_shared>>
      tpu.wait_dma2 semaphore(%run_scoped3A : memref<!tpu.dma_semaphore, #tpu.memory_space<semaphore_mem>>) src(%arg12 : memref<184x128xf32, #tpu.memory_space<vmem>>) dst(%dma_wait3A_67 : memref<184x128xf32, #tpu.memory_space<vmem_shared>>)
      tpu.yield
    }) : () -> ()
    %mul3A_23 = arith.constant 640 : i32
    %mul3A_24 = arith.muli %arg1, %mul3A_23 : i32
    %add3A_25 = arith.constant 184 : i32
    %add3A_26 = arith.addi %mul3A_24, %add3A_25 : i32
    "tpu.region"() ({
      %run_scoped3A = tpu.sem_alloc : memref<!tpu.dma_semaphore, #tpu.memory_space<semaphore_mem>>
      %dma_start3A_60 = arith.constant 0 : i32
      %dma_start3A_61 = tpu.memref_slice %arg13[%add3A_26, %dma_start3A_60] : memref<10240x128xf32, #tpu.memory_space<vmem_shared>> -> memref<184x128xf32, #tpu.memory_space<vmem_shared>>
      %dma_start3A_62 = arith.constant 0 : i32
      %dma_start3A_63 = tpu.memref_slice %arg13[%add3A_26, %dma_start3A_62] : memref<10240x128xf32, #tpu.memory_space<vmem_shared>> -> memref<184x128xf32, #tpu.memory_space<vmem_shared>>
      tpu.enqueue_dma source(%arg12 : memref<184x128xf32, #tpu.memory_space<vmem>>) target(%dma_start3A_63 : memref<184x128xf32, #tpu.memory_space<vmem_shared>>) target_semaphore(%run_scoped3A : memref<!tpu.dma_semaphore, #tpu.memory_space<semaphore_mem>>)
      %dma_wait3A_64 = arith.constant 0 : i32
      %dma_wait3A_65 = tpu.memref_slice %arg13[%add3A_26, %dma_wait3A_64] : memref<10240x128xf32, #tpu.memory_space<vmem_shared>> -> memref<184x128xf32, #tpu.memory_space<vmem_shared>>
      %dma_wait3A_66 = arith.constant 0 : i32
      %dma_wait3A_67 = tpu.memref_slice %arg13[%add3A_26, %dma_wait3A_66] : memref<10240x128xf32, #tpu.memory_space<vmem_shared>> -> memref<184x128xf32, #tpu.memory_space<vmem_shared>>
      tpu.wait_dma2 semaphore(%run_scoped3A : memref<!tpu.dma_semaphore, #tpu.memory_space<semaphore_mem>>) src(%arg12 : memref<184x128xf32, #tpu.memory_space<vmem>>) dst(%dma_wait3A_67 : memref<184x128xf32, #tpu.memory_space<vmem_shared>>)
      tpu.yield
    }) : () -> ()
    %mul3A_27 = arith.constant 640 : i32
    %mul3A_28 = arith.muli %arg1, %mul3A_27 : i32
    %add3A_29 = arith.constant 368 : i32
    %add3A_30 = arith.addi %mul3A_28, %add3A_29 : i32
    "tpu.region"() ({
      %run_scoped3A = tpu.sem_alloc : memref<!tpu.dma_semaphore, #tpu.memory_space<semaphore_mem>>
      %dma_start3A_60 = arith.constant 0 : i32
      %dma_start3A_61 = tpu.memref_slice %arg13[%add3A_30, %dma_start3A_60] : memref<10240x128xf32, #tpu.memory_space<vmem_shared>> -> memref<184x128xf32, #tpu.memory_space<vmem_shared>>
      %dma_start3A_62 = arith.constant 0 : i32
      %dma_start3A_63 = tpu.memref_slice %arg13[%add3A_30, %dma_start3A_62] : memref<10240x128xf32, #tpu.memory_space<vmem_shared>> -> memref<184x128xf32, #tpu.memory_space<vmem_shared>>
      tpu.enqueue_dma source(%arg12 : memref<184x128xf32, #tpu.memory_space<vmem>>) target(%dma_start3A_63 : memref<184x128xf32, #tpu.memory_space<vmem_shared>>) target_semaphore(%run_scoped3A : memref<!tpu.dma_semaphore, #tpu.memory_space<semaphore_mem>>)
      %dma_wait3A_64 = arith.constant 0 : i32
      %dma_wait3A_65 = tpu.memref_slice %arg13[%add3A_30, %dma_wait3A_64] : memref<10240x128xf32, #tpu.memory_space<vmem_shared>> -> memref<184x128xf32, #tpu.memory_space<vmem_shared>>
      %dma_wait3A_66 = arith.constant 0 : i32
      %dma_wait3A_67 = tpu.memref_slice %arg13[%add3A_30, %dma_wait3A_66] : memref<10240x128xf32, #tpu.memory_space<vmem_shared>> -> memref<184x128xf32, #tpu.memory_space<vmem_shared>>
      tpu.wait_dma2 semaphore(%run_scoped3A : memref<!tpu.dma_semaphore, #tpu.memory_space<semaphore_mem>>) src(%arg12 : memref<184x128xf32, #tpu.memory_space<vmem>>) dst(%dma_wait3A_67 : memref<184x128xf32, #tpu.memory_space<vmem_shared>>)
      tpu.yield
    }) : () -> ()
    %mul3A_31 = arith.constant 640 : i32
    %mul3A_32 = arith.muli %arg1, %mul3A_31 : i32
    %add3A_33 = arith.constant 552 : i32
    %add3A_34 = arith.addi %mul3A_32, %add3A_33 : i32
    "tpu.region"() ({
      %run_scoped3A = tpu.sem_alloc : memref<!tpu.dma_semaphore, #tpu.memory_space<semaphore_mem>>
      %dma_start3A_60 = arith.constant 0 : i32
      %dma_start3A_61 = arith.constant 0 : i32
      %dma_start3A_62 = tpu.memref_slice %arg12[%dma_start3A_60, %dma_start3A_61] : memref<184x128xf32, #tpu.memory_space<vmem>> -> memref<88x128xf32, #tpu.memory_space<vmem>>
      %dma_start3A_63 = arith.constant 0 : i32
      %dma_start3A_64 = tpu.memref_slice %arg13[%add3A_34, %dma_start3A_63] : memref<10240x128xf32, #tpu.memory_space<vmem_shared>> -> memref<88x128xf32, #tpu.memory_space<vmem_shared>>
      %dma_start3A_65 = arith.constant 0 : i32
      %dma_start3A_66 = tpu.memref_slice %arg13[%add3A_34, %dma_start3A_65] : memref<10240x128xf32, #tpu.memory_space<vmem_shared>> -> memref<88x128xf32, #tpu.memory_space<vmem_shared>>
      %dma_start3A_67 = arith.constant 0 : i32
      %dma_start3A_68 = arith.constant 0 : i32
      %dma_start3A_69 = tpu.memref_slice %arg12[%dma_start3A_67, %dma_start3A_68] : memref<184x128xf32, #tpu.memory_space<vmem>> -> memref<88x128xf32, #tpu.memory_space<vmem>>
      tpu.enqueue_dma source(%dma_start3A_69 : memref<88x128xf32, #tpu.memory_space<vmem>>) target(%dma_start3A_66 : memref<88x128xf32, #tpu.memory_space<vmem_shared>>) target_semaphore(%run_scoped3A : memref<!tpu.dma_semaphore, #tpu.memory_space<semaphore_mem>>)
      %dma_wait3A_70 = arith.constant 0 : i32
      %dma_wait3A_71 = arith.constant 0 : i32
      %dma_wait3A_72 = tpu.memref_slice %arg12[%dma_wait3A_70, %dma_wait3A_71] : memref<184x128xf32, #tpu.memory_space<vmem>> -> memref<88x128xf32, #tpu.memory_space<vmem>>
      %dma_wait3A_73 = arith.constant 0 : i32
      %dma_wait3A_74 = tpu.memref_slice %arg13[%add3A_34, %dma_wait3A_73] : memref<10240x128xf32, #tpu.memory_space<vmem_shared>> -> memref<88x128xf32, #tpu.memory_space<vmem_shared>>
      %dma_wait3A_75 = arith.constant 0 : i32
      %dma_wait3A_76 = tpu.memref_slice %arg13[%add3A_34, %dma_wait3A_75] : memref<10240x128xf32, #tpu.memory_space<vmem_shared>> -> memref<88x128xf32, #tpu.memory_space<vmem_shared>>
      %dma_wait3A_77 = arith.constant 0 : i32
      %dma_wait3A_78 = arith.constant 0 : i32
      %dma_wait3A_79 = tpu.memref_slice %arg12[%dma_wait3A_77, %dma_wait3A_78] : memref<184x128xf32, #tpu.memory_space<vmem>> -> memref<88x128xf32, #tpu.memory_space<vmem>>
      tpu.wait_dma2 semaphore(%run_scoped3A : memref<!tpu.dma_semaphore, #tpu.memory_space<semaphore_mem>>) src(%dma_wait3A_79 : memref<88x128xf32, #tpu.memory_space<vmem>>) dst(%dma_wait3A_76 : memref<88x128xf32, #tpu.memory_space<vmem_shared>>)
      tpu.yield
    }) : () -> ()
    %barrier3A = arith.constant 0 : index
    tpu.barrier barrier_id(%barrier3A)
    %scan3A_35 = arith.constant 0 : i32
    %scan3A_36 = arith.constant 0 : i32
    %scan3A_37 = arith.constant 27 : i32
    %scan3A_38 = arith.addi %scan3A_36, %scan3A_37 : i32
    %scan3A_39 = arith.constant 1 : i32
    %scan3A_40 = scf.for %scan3A_60 = %scan3A_36 to %scan3A_38 step %scan3A_39 iter_args(%scan3A_61 = %scan3A_35) -> (i32)  : i32 {
      %mul3A_62 = arith.constant 2 : i32
      %mul3A_63 = arith.muli %mul3A_62, %scan3A_60 : i32
      %add3A_64 = arith.constant 1 : i32
      %add3A_65 = arith.addi %mul3A_63, %add3A_64 : i32
      %mul3A_66 = arith.constant 184 : i32
      %mul3A_67 = arith.muli %add3A_65, %mul3A_66 : i32
      %add3A_68 = arith.addi %mul3A_2, %mul3A_67 : i32
      %mul3A_69 = arith.constant 2 : i32
      %mul3A_70 = arith.muli %mul3A_69, %scan3A_60 : i32
      %add3A_71 = arith.constant 2 : i32
      %add3A_72 = arith.addi %mul3A_70, %add3A_71 : i32
      %mul3A_73 = arith.constant 184 : i32
      %mul3A_74 = arith.muli %add3A_72, %mul3A_73 : i32
      %add3A_75 = arith.addi %mul3A_2, %mul3A_74 : i32
      %dma_start3A_76 = tpu.memref_slice %arg3[%add3A_68] : memref<320000xi32, #tpu.memory_space<hbm>> -> memref<184xi32, #tpu.memory_space<hbm>>
      %dma_start3A_77 = tpu.memref_slice %arg3[%add3A_68] : memref<320000xi32, #tpu.memory_space<hbm>> -> memref<184xi32, #tpu.memory_space<hbm>>
      tpu.enqueue_dma source(%dma_start3A_77 : memref<184xi32, #tpu.memory_space<hbm>>) target(%arg7 : memref<184xi32, #tpu.memory_space<vmem>>) target_semaphore(%arg15 : memref<!tpu.dma_semaphore, #tpu.memory_space<semaphore_mem>>)
      %dma_start3A_78 = tpu.memref_slice %arg4[%add3A_68] : memref<320000xi32, #tpu.memory_space<hbm>> -> memref<184xi32, #tpu.memory_space<hbm>>
      %dma_start3A_79 = tpu.memref_slice %arg4[%add3A_68] : memref<320000xi32, #tpu.memory_space<hbm>> -> memref<184xi32, #tpu.memory_space<hbm>>
      tpu.enqueue_dma source(%dma_start3A_79 : memref<184xi32, #tpu.memory_space<hbm>>) target(%arg9 : memref<184xi32, #tpu.memory_space<vmem>>) target_semaphore(%arg15 : memref<!tpu.dma_semaphore, #tpu.memory_space<semaphore_mem>>)
      %dma_wait3A_80 = arith.constant 0 : i32
      %dma_wait3A_81 = arith.constant 0 : i32
      %dma_wait3A_82 = tpu.memref_slice %arg2[%dma_wait3A_80, %dma_wait3A_81] : memref<10000x128xf32, #tpu.memory_space<hbm>> -> memref<10000x128xf32, #tpu.memory_space<hbm>>
      tpu.wait_indirect_dma semaphore(%arg16 : memref<!tpu.dma_semaphore, #tpu.memory_space<semaphore_mem>>) src(%dma_wait3A_82 : memref<10000x128xf32, #tpu.memory_space<hbm>>) dst(%arg11 : memref<184x128xf32, #tpu.memory_space<vmem>>)
      %dma_start3A_83 = arith.constant 0 : i32
      %dma_start3A_84 = arith.constant 0 : i32
      %dma_start3A_85 = tpu.memref_slice %arg13[%dma_start3A_83, %dma_start3A_84] : memref<10240x128xf32, #tpu.memory_space<vmem_shared>> -> memref<10240x128xf32, #tpu.memory_space<vmem_shared>>
      tpu.enqueue_indirect_dma source(%arg11 : memref<184x128xf32, #tpu.memory_space<vmem>>) target(%dma_start3A_85 : memref<10240x128xf32, #tpu.memory_space<vmem_shared>>) offsets(%arg8 : memref<184xi32, #tpu.memory_space<vmem>>) semaphore(%arg18 : memref<!tpu.dma_semaphore, #tpu.memory_space<semaphore_mem>>) {add = true}
      %dma_wait3A_86 = tpu.memref_slice %arg3[%add3A_68] : memref<320000xi32, #tpu.memory_space<hbm>> -> memref<184xi32, #tpu.memory_space<hbm>>
      %dma_wait3A_87 = tpu.memref_slice %arg3[%add3A_68] : memref<320000xi32, #tpu.memory_space<hbm>> -> memref<184xi32, #tpu.memory_space<hbm>>
      tpu.wait_dma2 semaphore(%arg15 : memref<!tpu.dma_semaphore, #tpu.memory_space<semaphore_mem>>) src(%dma_wait3A_87 : memref<184xi32, #tpu.memory_space<hbm>>) dst(%arg7 : memref<184xi32, #tpu.memory_space<vmem>>)
      %dma_wait3A_88 = tpu.memref_slice %arg4[%add3A_68] : memref<320000xi32, #tpu.memory_space<hbm>> -> memref<184xi32, #tpu.memory_space<hbm>>
      %dma_wait3A_89 = tpu.memref_slice %arg4[%add3A_68] : memref<320000xi32, #tpu.memory_space<hbm>> -> memref<184xi32, #tpu.memory_space<hbm>>
      tpu.wait_dma2 semaphore(%arg15 : memref<!tpu.dma_semaphore, #tpu.memory_space<semaphore_mem>>) src(%dma_wait3A_89 : memref<184xi32, #tpu.memory_space<hbm>>) dst(%arg9 : memref<184xi32, #tpu.memory_space<vmem>>)
      %dma_start3A_90 = arith.constant 0 : i32
      %dma_start3A_91 = arith.constant 0 : i32
      %dma_start3A_92 = tpu.memref_slice %arg2[%dma_start3A_90, %dma_start3A_91] : memref<10000x128xf32, #tpu.memory_space<hbm>> -> memref<10000x128xf32, #tpu.memory_space<hbm>>
      tpu.enqueue_indirect_dma source(%dma_start3A_92 : memref<10000x128xf32, #tpu.memory_space<hbm>>) target(%arg12 : memref<184x128xf32, #tpu.memory_space<vmem>>) offsets(%arg7 : memref<184xi32, #tpu.memory_space<vmem>>) semaphore(%arg17 : memref<!tpu.dma_semaphore, #tpu.memory_space<semaphore_mem>>)
      %dma_wait3A_93 = arith.constant 0 : i32
      %dma_wait3A_94 = arith.constant 0 : i32
      %dma_wait3A_95 = tpu.memref_slice %arg13[%dma_wait3A_93, %dma_wait3A_94] : memref<10240x128xf32, #tpu.memory_space<vmem_shared>> -> memref<10240x128xf32, #tpu.memory_space<vmem_shared>>
      tpu.wait_indirect_dma semaphore(%arg18 : memref<!tpu.dma_semaphore, #tpu.memory_space<semaphore_mem>>) src(%arg11 : memref<184x128xf32, #tpu.memory_space<vmem>>) dst(%dma_wait3A_95 : memref<10240x128xf32, #tpu.memory_space<vmem_shared>>)
      %lt3A = arith.constant 26 : i32
      %lt3A_96 = arith.cmpi slt, %scan3A_60, %lt3A : i32
      %convert_element_type3A = arith.extui %lt3A_96 : i1 to i32
      %cond3A = arith.constant 0 : i32
      %cond3A_97 = arith.cmpi ne, %convert_element_type3A, %cond3A : i32
      scf.if %cond3A_97 {
        %dma_start3A_113 = tpu.memref_slice %arg3[%add3A_75] : memref<320000xi32, #tpu.memory_space<hbm>> -> memref<184xi32, #tpu.memory_space<hbm>>
        %dma_start3A_114 = tpu.memref_slice %arg3[%add3A_75] : memref<320000xi32, #tpu.memory_space<hbm>> -> memref<184xi32, #tpu.memory_space<hbm>>
        tpu.enqueue_dma source(%dma_start3A_114 : memref<184xi32, #tpu.memory_space<hbm>>) target(%arg6 : memref<184xi32, #tpu.memory_space<vmem>>) target_semaphore(%arg14 : memref<!tpu.dma_semaphore, #tpu.memory_space<semaphore_mem>>)
        %dma_start3A_115 = tpu.memref_slice %arg4[%add3A_75] : memref<320000xi32, #tpu.memory_space<hbm>> -> memref<184xi32, #tpu.memory_space<hbm>>
        %dma_start3A_116 = tpu.memref_slice %arg4[%add3A_75] : memref<320000xi32, #tpu.memory_space<hbm>> -> memref<184xi32, #tpu.memory_space<hbm>>
        tpu.enqueue_dma source(%dma_start3A_116 : memref<184xi32, #tpu.memory_space<hbm>>) target(%arg8 : memref<184xi32, #tpu.memory_space<vmem>>) target_semaphore(%arg14 : memref<!tpu.dma_semaphore, #tpu.memory_space<semaphore_mem>>)
      } else {
      }
      %dma_wait3A_98 = arith.constant 0 : i32
      %dma_wait3A_99 = arith.constant 0 : i32
      %dma_wait3A_100 = tpu.memref_slice %arg2[%dma_wait3A_98, %dma_wait3A_99] : memref<10000x128xf32, #tpu.memory_space<hbm>> -> memref<10000x128xf32, #tpu.memory_space<hbm>>
      tpu.wait_indirect_dma semaphore(%arg17 : memref<!tpu.dma_semaphore, #tpu.memory_space<semaphore_mem>>) src(%dma_wait3A_100 : memref<10000x128xf32, #tpu.memory_space<hbm>>) dst(%arg12 : memref<184x128xf32, #tpu.memory_space<vmem>>)
      %dma_start3A_101 = arith.constant 0 : i32
      %dma_start3A_102 = arith.constant 0 : i32
      %dma_start3A_103 = tpu.memref_slice %arg13[%dma_start3A_101, %dma_start3A_102] : memref<10240x128xf32, #tpu.memory_space<vmem_shared>> -> memref<10240x128xf32, #tpu.memory_space<vmem_shared>>
      tpu.enqueue_indirect_dma source(%arg12 : memref<184x128xf32, #tpu.memory_space<vmem>>) target(%dma_start3A_103 : memref<10240x128xf32, #tpu.memory_space<vmem_shared>>) offsets(%arg9 : memref<184xi32, #tpu.memory_space<vmem>>) semaphore(%arg19 : memref<!tpu.dma_semaphore, #tpu.memory_space<semaphore_mem>>) {add = true}
      %lt3A_104 = arith.constant 26 : i32
      %lt3A_105 = arith.cmpi slt, %scan3A_60, %lt3A_104 : i32
      %convert_element_type3A_106 = arith.extui %lt3A_105 : i1 to i32
      %cond3A_107 = arith.constant 0 : i32
      %cond3A_108 = arith.cmpi ne, %convert_element_type3A_106, %cond3A_107 : i32
      scf.if %cond3A_108 {
        %dma_wait3A_113 = tpu.memref_slice %arg3[%add3A_75] : memref<320000xi32, #tpu.memory_space<hbm>> -> memref<184xi32, #tpu.memory_space<hbm>>
        %dma_wait3A_114 = tpu.memref_slice %arg3[%add3A_75] : memref<320000xi32, #tpu.memory_space<hbm>> -> memref<184xi32, #tpu.memory_space<hbm>>
        tpu.wait_dma2 semaphore(%arg14 : memref<!tpu.dma_semaphore, #tpu.memory_space<semaphore_mem>>) src(%dma_wait3A_114 : memref<184xi32, #tpu.memory_space<hbm>>) dst(%arg6 : memref<184xi32, #tpu.memory_space<vmem>>)
        %dma_wait3A_115 = tpu.memref_slice %arg4[%add3A_75] : memref<320000xi32, #tpu.memory_space<hbm>> -> memref<184xi32, #tpu.memory_space<hbm>>
        %dma_wait3A_116 = tpu.memref_slice %arg4[%add3A_75] : memref<320000xi32, #tpu.memory_space<hbm>> -> memref<184xi32, #tpu.memory_space<hbm>>
        tpu.wait_dma2 semaphore(%arg14 : memref<!tpu.dma_semaphore, #tpu.memory_space<semaphore_mem>>) src(%dma_wait3A_116 : memref<184xi32, #tpu.memory_space<hbm>>) dst(%arg8 : memref<184xi32, #tpu.memory_space<vmem>>)
        %dma_start3A_117 = arith.constant 0 : i32
        %dma_start3A_118 = arith.constant 0 : i32
        %dma_start3A_119 = tpu.memref_slice %arg2[%dma_start3A_117, %dma_start3A_118] : memref<10000x128xf32, #tpu.memory_space<hbm>> -> memref<10000x128xf32, #tpu.memory_space<hbm>>
        tpu.enqueue_indirect_dma source(%dma_start3A_119 : memref<10000x128xf32, #tpu.memory_space<hbm>>) target(%arg11 : memref<184x128xf32, #tpu.memory_space<vmem>>) offsets(%arg6 : memref<184xi32, #tpu.memory_space<vmem>>) semaphore(%arg16 : memref<!tpu.dma_semaphore, #tpu.memory_space<semaphore_mem>>)
      } else {
      }
      %dma_wait3A_109 = arith.constant 0 : i32
      %dma_wait3A_110 = arith.constant 0 : i32
      %dma_wait3A_111 = tpu.memref_slice %arg13[%dma_wait3A_109, %dma_wait3A_110] : memref<10240x128xf32, #tpu.memory_space<vmem_shared>> -> memref<10240x128xf32, #tpu.memory_space<vmem_shared>>
      tpu.wait_indirect_dma semaphore(%arg19 : memref<!tpu.dma_semaphore, #tpu.memory_space<semaphore_mem>>) src(%arg12 : memref<184x128xf32, #tpu.memory_space<vmem>>) dst(%dma_wait3A_111 : memref<10240x128xf32, #tpu.memory_space<vmem_shared>>)
      %scan3A_112 = arith.constant 0 : i32
      scf.yield %scan3A_112 : i32
    }
    %scan3A_41 = arith.constant 27 : i32
    %add3A_42 = arith.constant 10000 : i32
    %add3A_43 = arith.addi %mul3A_2, %add3A_42 : i32
    %sub3A = arith.constant 184 : i32
    %sub3A_44 = arith.subi %add3A_43, %sub3A : i32
    "tpu.region"() ({
      %run_scoped3A = tpu.sem_alloc : memref<!tpu.dma_semaphore, #tpu.memory_space<semaphore_mem>>
      %dma_start3A_60 = tpu.memref_slice %arg3[%sub3A_44] : memref<320000xi32, #tpu.memory_space<hbm>> -> memref<184xi32, #tpu.memory_space<hbm>>
      %dma_start3A_61 = tpu.memref_slice %arg3[%sub3A_44] : memref<320000xi32, #tpu.memory_space<hbm>> -> memref<184xi32, #tpu.memory_space<hbm>>
      tpu.enqueue_dma source(%dma_start3A_61 : memref<184xi32, #tpu.memory_space<hbm>>) target(%arg6 : memref<184xi32, #tpu.memory_space<vmem>>) target_semaphore(%run_scoped3A : memref<!tpu.dma_semaphore, #tpu.memory_space<semaphore_mem>>)
      %dma_wait3A_62 = tpu.memref_slice %arg3[%sub3A_44] : memref<320000xi32, #tpu.memory_space<hbm>> -> memref<184xi32, #tpu.memory_space<hbm>>
      %dma_wait3A_63 = tpu.memref_slice %arg3[%sub3A_44] : memref<320000xi32, #tpu.memory_space<hbm>> -> memref<184xi32, #tpu.memory_space<hbm>>
      tpu.wait_dma2 semaphore(%run_scoped3A : memref<!tpu.dma_semaphore, #tpu.memory_space<semaphore_mem>>) src(%dma_wait3A_63 : memref<184xi32, #tpu.memory_space<hbm>>) dst(%arg6 : memref<184xi32, #tpu.memory_space<vmem>>)
      tpu.yield
    }) : () -> ()
    %add3A_45 = arith.constant 10000 : i32
    %add3A_46 = arith.addi %mul3A_2, %add3A_45 : i32
    %sub3A_47 = arith.constant 64 : i32
    %sub3A_48 = arith.subi %add3A_46, %sub3A_47 : i32
    "tpu.region"() ({
      %run_scoped3A = tpu.sem_alloc : memref<!tpu.dma_semaphore, #tpu.memory_space<semaphore_mem>>
      %dma_start3A_60 = tpu.memref_slice %arg4[%sub3A_48] : memref<320000xi32, #tpu.memory_space<hbm>> -> memref<64xi32, #tpu.memory_space<hbm>>
      %dma_start3A_61 = tpu.memref_slice %arg4[%sub3A_48] : memref<320000xi32, #tpu.memory_space<hbm>> -> memref<64xi32, #tpu.memory_space<hbm>>
      tpu.enqueue_dma source(%dma_start3A_61 : memref<64xi32, #tpu.memory_space<hbm>>) target(%arg10 : memref<64xi32, #tpu.memory_space<vmem>>) target_semaphore(%run_scoped3A : memref<!tpu.dma_semaphore, #tpu.memory_space<semaphore_mem>>)
      %dma_wait3A_62 = tpu.memref_slice %arg4[%sub3A_48] : memref<320000xi32, #tpu.memory_space<hbm>> -> memref<64xi32, #tpu.memory_space<hbm>>
      %dma_wait3A_63 = tpu.memref_slice %arg4[%sub3A_48] : memref<320000xi32, #tpu.memory_space<hbm>> -> memref<64xi32, #tpu.memory_space<hbm>>
      tpu.wait_dma2 semaphore(%run_scoped3A : memref<!tpu.dma_semaphore, #tpu.memory_space<semaphore_mem>>) src(%dma_wait3A_63 : memref<64xi32, #tpu.memory_space<hbm>>) dst(%arg10 : memref<64xi32, #tpu.memory_space<vmem>>)
      tpu.yield
    }) : () -> ()
    %dma_start3A_49 = arith.constant 0 : i32
    %dma_start3A_50 = arith.constant 0 : i32
    %dma_start3A_51 = tpu.memref_slice %arg2[%dma_start3A_49, %dma_start3A_50] : memref<10000x128xf32, #tpu.memory_space<hbm>> -> memref<10000x128xf32, #tpu.memory_space<hbm>>
    tpu.enqueue_indirect_dma source(%dma_start3A_51 : memref<10000x128xf32, #tpu.memory_space<hbm>>) target(%arg11 : memref<184x128xf32, #tpu.memory_space<vmem>>) offsets(%arg6 : memref<184xi32, #tpu.memory_space<vmem>>) semaphore(%arg16 : memref<!tpu.dma_semaphore, #tpu.memory_space<semaphore_mem>>)
    %dma_wait3A_52 = arith.constant 0 : i32
    %dma_wait3A_53 = arith.constant 0 : i32
    %dma_wait3A_54 = tpu.memref_slice %arg2[%dma_wait3A_52, %dma_wait3A_53] : memref<10000x128xf32, #tpu.memory_space<hbm>> -> memref<10000x128xf32, #tpu.memory_space<hbm>>
    tpu.wait_indirect_dma semaphore(%arg16 : memref<!tpu.dma_semaphore, #tpu.memory_space<semaphore_mem>>) src(%dma_wait3A_54 : memref<10000x128xf32, #tpu.memory_space<hbm>>) dst(%arg11 : memref<184x128xf32, #tpu.memory_space<vmem>>)
    "tpu.region"() ({
      %run_scoped3A = tpu.sem_alloc : memref<!tpu.dma_semaphore, #tpu.memory_space<semaphore_mem>>
      %dma_start3A_60 = arith.constant 120 : i32
      %dma_start3A_61 = arith.constant 0 : i32
      %dma_start3A_62 = tpu.memref_slice %arg11[%dma_start3A_60, %dma_start3A_61] : memref<184x128xf32, #tpu.memory_space<vmem>> -> memref<64x128xf32, #tpu.memory_space<vmem>>
      %dma_start3A_63 = arith.constant 0 : i32
      %dma_start3A_64 = arith.constant 0 : i32
      %dma_start3A_65 = tpu.memref_slice %arg13[%dma_start3A_63, %dma_start3A_64] : memref<10240x128xf32, #tpu.memory_space<vmem_shared>> -> memref<10240x128xf32, #tpu.memory_space<vmem_shared>>
      tpu.enqueue_indirect_dma source(%dma_start3A_62 : memref<64x128xf32, #tpu.memory_space<vmem>>) target(%dma_start3A_65 : memref<10240x128xf32, #tpu.memory_space<vmem_shared>>) offsets(%arg10 : memref<64xi32, #tpu.memory_space<vmem>>) semaphore(%run_scoped3A : memref<!tpu.dma_semaphore, #tpu.memory_space<semaphore_mem>>) {add = true}
      %dma_wait3A_66 = arith.constant 120 : i32
      %dma_wait3A_67 = arith.constant 0 : i32
      %dma_wait3A_68 = tpu.memref_slice %arg11[%dma_wait3A_66, %dma_wait3A_67] : memref<184x128xf32, #tpu.memory_space<vmem>> -> memref<64x128xf32, #tpu.memory_space<vmem>>
      %dma_wait3A_69 = arith.constant 0 : i32
      %dma_wait3A_70 = arith.constant 0 : i32
      %dma_wait3A_71 = tpu.memref_slice %arg13[%dma_wait3A_69, %dma_wait3A_70] : memref<10240x128xf32, #tpu.memory_space<vmem_shared>> -> memref<10240x128xf32, #tpu.memory_space<vmem_shared>>
      tpu.wait_indirect_dma semaphore(%run_scoped3A : memref<!tpu.dma_semaphore, #tpu.memory_space<semaphore_mem>>) src(%dma_wait3A_68 : memref<64x128xf32, #tpu.memory_space<vmem>>) dst(%dma_wait3A_71 : memref<10240x128xf32, #tpu.memory_space<vmem_shared>>)
      tpu.yield
    }) : () -> ()
    %barrier3A_55 = arith.constant 0 : index
    tpu.barrier barrier_id(%barrier3A_55)
    %mul3A_56 = arith.constant 640 : i32
    %mul3A_57 = arith.muli %arg1, %mul3A_56 : i32
    %mul3A_58 = arith.constant 640 : i32
    %mul3A_59 = arith.muli %arg1, %mul3A_58 : i32
    "tpu.region"() ({
      %run_scoped3A = tpu.sem_alloc : memref<!tpu.dma_semaphore, #tpu.memory_space<semaphore_mem>>
      %dma_start3A_60 = arith.constant 0 : i32
      %dma_start3A_61 = tpu.memref_slice %arg5[%arg0, %mul3A_59, %dma_start3A_60] : memref<2x10240x128xf32, #tpu.memory_space<hbm>> -> memref<1x640x128xf32, #tpu.memory_space<hbm>>
      %dma_start3A_62 = tpu.memref_squeeze %dma_start3A_61 : memref<1x640x128xf32, #tpu.memory_space<hbm>> -> memref<640x128xf32, #tpu.memory_space<hbm>>
      %dma_start3A_63 = arith.constant 0 : i32
      %dma_start3A_64 = tpu.memref_slice %arg13[%mul3A_57, %dma_start3A_63] : memref<10240x128xf32, #tpu.memory_space<vmem_shared>> -> memref<640x128xf32, #tpu.memory_space<vmem_shared>>
      tpu.enqueue_dma source(%dma_start3A_64 : memref<640x128xf32, #tpu.memory_space<vmem_shared>>) target(%dma_start3A_62 : memref<640x128xf32, #tpu.memory_space<hbm>>) target_semaphore(%run_scoped3A : memref<!tpu.dma_semaphore, #tpu.memory_space<semaphore_mem>>)
      %dma_wait3A_65 = arith.constant 0 : i32
      %dma_wait3A_66 = tpu.memref_slice %arg5[%arg0, %mul3A_59, %dma_wait3A_65] : memref<2x10240x128xf32, #tpu.memory_space<hbm>> -> memref<1x640x128xf32, #tpu.memory_space<hbm>>
      %dma_wait3A_67 = tpu.memref_squeeze %dma_wait3A_66 : memref<1x640x128xf32, #tpu.memory_space<hbm>> -> memref<640x128xf32, #tpu.memory_space<hbm>>
      %dma_wait3A_68 = arith.constant 0 : i32
      %dma_wait3A_69 = tpu.memref_slice %arg13[%mul3A_57, %dma_wait3A_68] : memref<10240x128xf32, #tpu.memory_space<vmem_shared>> -> memref<640x128xf32, #tpu.memory_space<vmem_shared>>
      tpu.wait_dma2 semaphore(%run_scoped3A : memref<!tpu.dma_semaphore, #tpu.memory_space<semaphore_mem>>) src(%dma_wait3A_69 : memref<640x128xf32, #tpu.memory_space<vmem_shared>>) dst(%dma_wait3A_67 : memref<640x128xf32, #tpu.memory_space<hbm>>)
      tpu.yield
    }) : () -> ()
    return
  }
}

module attributes {stable_mosaic.version = 14 : i64} {
  func.func @body(%arg0: i32, %arg1: memref<2x1000x128xf32, #tpu.memory_space<vmem>>, %arg2: memref<1x128xf32, #tpu.memory_space<vmem>>, %arg3: memref<128x128xf32, #tpu.memory_space<vmem>>, %arg4: memref<1000x128xf32, #tpu.memory_space<vmem>>) attributes {dimension_semantics = [#tpu.dimension_semantics<arbitrary>], iteration_bounds = array<i64: 10>, scalar_prefetch = 0 : i64, scratch_operands = 0 : i64, tpu.core_type = #tpu.core_type<tc>, window_params = [{transform_indices = @transform_0, window_bounds = array<i64: 2, 1000, 128>}, {pipeline_mode = #tpu.pipeline_mode<synchronous>, transform_indices = @transform_1, window_bounds = array<i64: 1, 128>}, {pipeline_mode = #tpu.pipeline_mode<synchronous>, transform_indices = @transform_2, window_bounds = array<i64: 128, 128>}, {transform_indices = @transform_3, window_bounds = array<i64: 1000, 128>}]} {
    %get3A = arith.constant 0 : index
    %get3A_0 = arith.constant 0 : index
    %get3A_1 = arith.constant 0 : index
    %get3A_2 = vector.load %arg1[%get3A, %get3A_0, %get3A_1] : memref<2x1000x128xf32, #tpu.memory_space<vmem>>, vector<1x1000x128xf32>
    %get3A_3 = vector.shape_cast %get3A_2 : vector<1x1000x128xf32> to vector<1000x128xf32>
    %get3A_4 = arith.constant 1 : index
    %get3A_5 = arith.constant 0 : index
    %get3A_6 = arith.constant 0 : index
    %get3A_7 = vector.load %arg1[%get3A_4, %get3A_5, %get3A_6] : memref<2x1000x128xf32, #tpu.memory_space<vmem>>, vector<1x1000x128xf32>
    %get3A_8 = vector.shape_cast %get3A_7 : vector<1x1000x128xf32> to vector<1000x128xf32>
    %add3A = arith.addf %get3A_3, %get3A_8 : vector<1000x128xf32>
    %get3A_9 = arith.constant 0 : index
    %get3A_10 = arith.constant 0 : index
    %get3A_11 = vector.load %arg2[%get3A_9, %get3A_10] : memref<1x128xf32, #tpu.memory_space<vmem>>, vector<1x128xf32>
    %add3A_12 = vector.broadcast %get3A_11 : vector<1x128xf32> to vector<1000x128xf32>
    %add3A_13 = arith.addf %add3A, %add3A_12 : vector<1000x128xf32>
    %max3A = arith.constant 0.000000e+00 : f32
    %max3A_14 = vector.broadcast %max3A : f32 to vector<1000x128xf32>
    %max3A_15 = arith.maximumf %add3A_13, %max3A_14 : vector<1000x128xf32>
    %get3A_16 = arith.constant 0 : index
    %get3A_17 = arith.constant 0 : index
    %get3A_18 = vector.load %arg3[%get3A_16, %get3A_17] : memref<128x128xf32, #tpu.memory_space<vmem>>, vector<128x128xf32>
    %dot_general3A = arith.constant dense<0.000000e+00> : vector<1000x128xf32>
    %dot_general3A_19 = tpu.matmul %max3A_15, %get3A_18, %dot_general3A {dimension_numbers = #tpu.dot_dimension_numbers<[1], [0], [0], [1], [0, 0, 1, 1], [], []>, transpose_lhs_hint = false} : vector<1000x128xf32>, vector<128x128xf32>, vector<1000x128xf32> -> vector<1000x128xf32>
    %swap3A = arith.constant 0 : index
    %swap3A_20 = arith.constant 0 : index
    %swap3A_21 = vector.load %arg4[%swap3A, %swap3A_20] : memref<1000x128xf32, #tpu.memory_space<vmem>>, vector<1000x128xf32>
    tpu.vector_store %arg4[%swap3A, %swap3A_20], %dot_general3A_19 {strides = array<i32>} : memref<1000x128xf32, #tpu.memory_space<vmem>>, vector<1000x128xf32>,
    return
  }
  func.func @transform_0(%arg0: i32) -> (i32, i32, i32) {
    %c0_i32 = arith.constant 0 : i32
    %c0_i32_0 = arith.constant 0 : i32
    %c0_i32_1 = arith.constant 0 : i32
    return %c0_i32, %arg0, %c0_i32_0 : i32, i32, i32
  }
  func.func @transform_1(%arg0: i32) -> (i32, i32) {
    %c0_i32 = arith.constant 0 : i32
    %c0_i32_0 = arith.constant 0 : i32
    %c0_i32_1 = arith.constant 0 : i32
    return %c0_i32, %c0_i32_0 : i32, i32
  }
  func.func @transform_2(%arg0: i32) -> (i32, i32) {
    %c0_i32 = arith.constant 0 : i32
    %c0_i32_0 = arith.constant 0 : i32
    %c0_i32_1 = arith.constant 0 : i32
    return %c0_i32, %c0_i32_0 : i32, i32
  }
  func.func @transform_3(%arg0: i32) -> (i32, i32) {
    %c0_i32 = arith.constant 0 : i32
    %c0_i32_0 = arith.constant 0 : i32
    return %arg0, %c0_i32 : i32, i32
  }
}

module attributes {stable_mosaic.version = 14 : i64} {
  func.func @body(%arg0: i32, %arg1: memref<1000x128xf32, #tpu.memory_space<vmem>>, %arg2: memref<128x128xf32, #tpu.memory_space<vmem>>, %arg3: memref<1000x128xf32, #tpu.memory_space<vmem>>) attributes {dimension_semantics = [#tpu.dimension_semantics<arbitrary>], iteration_bounds = array<i64: 10>, scalar_prefetch = 0 : i64, scratch_operands = 0 : i64, tpu.core_type = #tpu.core_type<tc>, window_params = [{transform_indices = @transform_0, window_bounds = array<i64: 1000, 128>}, {pipeline_mode = #tpu.pipeline_mode<synchronous>, transform_indices = @transform_1, window_bounds = array<i64: 128, 128>}, {transform_indices = @transform_2, window_bounds = array<i64: 1000, 128>}]} {
    %get3A = arith.constant 0 : index
    %get3A_0 = arith.constant 0 : index
    %get3A_1 = vector.load %arg1[%get3A, %get3A_0] : memref<1000x128xf32, #tpu.memory_space<vmem>>, vector<1000x128xf32>
    %get3A_2 = arith.constant 0 : index
    %get3A_3 = arith.constant 0 : index
    %get3A_4 = vector.load %arg2[%get3A_2, %get3A_3] : memref<128x128xf32, #tpu.memory_space<vmem>>, vector<128x128xf32>
    %dot_general3A = arith.constant dense<0.000000e+00> : vector<1000x128xf32>
    %dot_general3A_5 = tpu.matmul %get3A_1, %get3A_4, %dot_general3A {dimension_numbers = #tpu.dot_dimension_numbers<[1], [0], [0], [1], [0, 0, 1, 1], [], []>, transpose_lhs_hint = false} : vector<1000x128xf32>, vector<128x128xf32>, vector<1000x128xf32> -> vector<1000x128xf32>
    %swap3A = arith.constant 0 : index
    %swap3A_6 = arith.constant 0 : index
    %swap3A_7 = vector.load %arg3[%swap3A, %swap3A_6] : memref<1000x128xf32, #tpu.memory_space<vmem>>, vector<1000x128xf32>
    tpu.vector_store %arg3[%swap3A, %swap3A_6], %dot_general3A_5 {strides = array<i32>} : memref<1000x128xf32, #tpu.memory_space<vmem>>, vector<1000x128xf32>,
    return
  }
  func.func @transform_0(%arg0: i32) -> (i32, i32) {
    %c0_i32 = arith.constant 0 : i32
    %c0_i32_0 = arith.constant 0 : i32
    return %arg0, %c0_i32 : i32, i32
  }
  func.func @transform_1(%arg0: i32) -> (i32, i32) {
    %c0_i32 = arith.constant 0 : i32
    %c0_i32_0 = arith.constant 0 : i32
    %c0_i32_1 = arith.constant 0 : i32
    return %c0_i32, %c0_i32_0 : i32, i32
  }
  func.func @transform_2(%arg0: i32) -> (i32, i32) {
    %c0_i32 = arith.constant 0 : i32
    %c0_i32_0 = arith.constant 0 : i32
    return %arg0, %c0_i32 : i32, i32
  }
}

module attributes {stable_mosaic.version = 14 : i64} {
  func.func @body(%arg0: i32, %arg1: memref<2x1000x128xf32, #tpu.memory_space<vmem>>, %arg2: memref<1x64xf32, #tpu.memory_space<vmem>>, %arg3: memref<1000x64xf32, #tpu.memory_space<vmem>>) attributes {dimension_semantics = [#tpu.dimension_semantics<arbitrary>], iteration_bounds = array<i64: 10>, scalar_prefetch = 0 : i64, scratch_operands = 0 : i64, tpu.core_type = #tpu.core_type<tc>, window_params = [{transform_indices = @transform_0, window_bounds = array<i64: 2, 1000, 128>}, {pipeline_mode = #tpu.pipeline_mode<synchronous>, transform_indices = @transform_1, window_bounds = array<i64: 1, 64>}, {transform_indices = @transform_2, window_bounds = array<i64: 1000, 64>}]} {
    %get3A = arith.constant 0 : index
    %get3A_0 = arith.constant 0 : index
    %get3A_1 = arith.constant 0 : index
    %get3A_2 = vector.load %arg1[%get3A, %get3A_0, %get3A_1] : memref<2x1000x128xf32, #tpu.memory_space<vmem>>, vector<1x1000x64xf32>
    %get3A_3 = vector.shape_cast %get3A_2 : vector<1x1000x64xf32> to vector<1000x64xf32>
    %get3A_4 = arith.constant 1 : index
    %get3A_5 = arith.constant 0 : index
    %get3A_6 = arith.constant 0 : index
    %get3A_7 = vector.load %arg1[%get3A_4, %get3A_5, %get3A_6] : memref<2x1000x128xf32, #tpu.memory_space<vmem>>, vector<1x1000x64xf32>
    %get3A_8 = vector.shape_cast %get3A_7 : vector<1x1000x64xf32> to vector<1000x64xf32>
    %add3A = arith.addf %get3A_3, %get3A_8 : vector<1000x64xf32>
    %get3A_9 = arith.constant 0 : index
    %get3A_10 = arith.constant 0 : index
    %get3A_11 = vector.load %arg2[%get3A_9, %get3A_10] : memref<1x64xf32, #tpu.memory_space<vmem>>, vector<1x64xf32>
    %add3A_12 = vector.broadcast %get3A_11 : vector<1x64xf32> to vector<1000x64xf32>
    %add3A_13 = arith.addf %add3A, %add3A_12 : vector<1000x64xf32>
    %reduce_max3A = arith.constant dense<0xFF800000> : vector<1000xf32>
    %reduce_max3A_14 = vector.multi_reduction <maximumf>, %add3A_13, %reduce_max3A [1] : vector<1000x64xf32> to vector<1000xf32>
    %broadcast_in_dim3A = vector.shape_cast %reduce_max3A_14 : vector<1000xf32> to vector<1000x1xf32>
    %sub3A = vector.broadcast %broadcast_in_dim3A : vector<1000x1xf32> to vector<1000x64xf32>
    %sub3A_15 = arith.subf %add3A_13, %sub3A : vector<1000x64xf32>
    %exp3A = math.exp %sub3A_15 : vector<1000x64xf32>
    %reduce_sum3A = arith.constant dense<0.000000e+00> : vector<1000xf32>
    %reduce_sum3A_16 = vector.multi_reduction <add>, %exp3A, %reduce_sum3A [1] : vector<1000x64xf32> to vector<1000xf32>
    %broadcast_in_dim3A_17 = vector.shape_cast %reduce_sum3A_16 : vector<1000xf32> to vector<1000x1xf32>
    %log3A = math.log %broadcast_in_dim3A_17 : vector<1000x1xf32>
    %sub3A_18 = vector.broadcast %log3A : vector<1000x1xf32> to vector<1000x64xf32>
    %sub3A_19 = arith.subf %sub3A_15, %sub3A_18 : vector<1000x64xf32>
    %swap3A = arith.constant 0 : index
    %swap3A_20 = arith.constant 0 : index
    %swap3A_21 = vector.load %arg3[%swap3A, %swap3A_20] : memref<1000x64xf32, #tpu.memory_space<vmem>>, vector<1000x64xf32>
    tpu.vector_store %arg3[%swap3A, %swap3A_20], %sub3A_19 {strides = array<i32>} : memref<1000x64xf32, #tpu.memory_space<vmem>>, vector<1000x64xf32>,
    return
  }
  func.func @transform_0(%arg0: i32) -> (i32, i32, i32) {
    %c0_i32 = arith.constant 0 : i32
    %c0_i32_0 = arith.constant 0 : i32
    %c0_i32_1 = arith.constant 0 : i32
    return %c0_i32, %arg0, %c0_i32_0 : i32, i32, i32
  }
  func.func @transform_1(%arg0: i32) -> (i32, i32) {
    %c0_i32 = arith.constant 0 : i32
    %c0_i32_0 = arith.constant 0 : i32
    %c0_i32_1 = arith.constant 0 : i32
    return %c0_i32, %c0_i32_0 : i32, i32
  }
  func.func @transform_2(%arg0: i32) -> (i32, i32) {
    %c0_i32 = arith.constant 0 : i32
    %c0_i32_0 = arith.constant 0 : i32
    return %arg0, %c0_i32 : i32, i32
  }
}

</mosaic_0001>

<sc_bundles>
// kernel: kernel.12.cloned.1.call-start
scs
__scs_entry_jumppad:
0x0: {  	(pc) =	sbr.rel $0x88, $3  }
0x1: {  	(tag) =	ssettag $0x0;
	lr =	simm.s32 $0x1  }
0x2: {  	[smem:$0x3F99] =	sst lr;
	_ =	strace $0xD0000000  }
0x3: {  	_ = 	snop  }
0x4: {  	_ = 	snop  }
0x5: {  	_ = 	snop  }
0x6: {  	_ = 	snop  }
0x7: {  	_ = 	snop  }
__scs_overlays_trampoline_lowered:
0x8: {  	[smem:$0x3FA8] =	sst s0  }
0x9: {  	[smem:$0x3FA9] =	sst s1  }
0xa: {  	[smem:$0x3FAA] =	sst s2  }
0xb: {  	[smem:$0x3FAB] =	sst s3  }
0xc: {  	[smem:$0x3FAC] =	sst s4  }
0xd: {  	[smem:$0x3FAD] =	sst s5  }
0xe: {  	[smem:$0x3FAE] =	sst s6  }
0xf: {  	[smem:$0x3FAF] =	sst s7  }
0x10: {  	[smem:$0x3FB0] =	sst s8  }
0x11: {  	[smem:$0x3FB1] =	sst s9;
	s0 =	simm.s32 @!p0 $0x0  }
0x12: {  	s1 =	sld [smem:$0x3F97];
	s0 =	simm.s32 @p0 $0x1  }
0x13: {  	[smem:$0x3FB2] =	sst s0;
	s0 =	simm.s32 @!p1 $0x0  }
0x14: {  	s2 =	sld [smem:$0x3F96];
	s0 =	simm.s32 @p1 $0x1  }
0x15: {  	[smem:$0x3FB3] =	sst s0;
	s0 =	simm.s32 @!p2 $0x0  }
0x16: {  	s3 =	sld [smem:$0x3FDB];
	s0 =	simm.s32 @p2 $0x1  }
0x17: {  	s4 =	simm.s32 $0x1BF5;
	[smem:$0x3FB5] =	sst s0  }
0x18: {  	s0 =	sld [smem:$0x3F98];
	_ =	swait.ge [sflag:s4], $0x0  }
0x19: {  	s7 =	sld [smem:$0x3F99]  }
0x1a: {  	s8 =	sadd.s32 $0xFFFFE003, lr  }
0x1b: {  	s9 =	sadd.s32 $0xFFFFFEF7, lr;
	s5 =	simm.s32 $0xFFFFFFFF;
	p2 =	slt.u32 s8, $0xFFFFF086  }
0x1c: {  	p1 =	slt.u32 s9, $0xF7A;
	s5 =	simm.s32 @!p2 $0x0  }
0x1d: {  	s5 =	simm.s32 @p1 $0x1;
	p0 =	seq.s32 s7, s2  }
0x1e: {  	s7 =	smul.u32 @!p0 $0xF7A, s2;
	p2 =	seq.s32 @!p0 s5, $0x0  }
0x1f: {  	s9 =	smul.u32 $0xF7A, s1;
	s8 =	simm.s32 @!p0 $0x1BF5;
	p2 =	por !p2, p0  }
0x20: {  	[sflag:s8] =	ssyncset.s32 @!p0 $0xFFFFF086;
	s6 =	sadd.s32 @!p0 s3, s7;
	s7 =	simm.s32 @!p0 $0x108  }
0x21: {  	s3 =	sadd.s32 s3, s9;
	s6 =	sadd.s32 @!p0 $0x88, s6;
	s7 =	simm.s32 @p2 $0x1082  }
0x22: {  	[simem:s7], [sflag:s8] =	dma.local @!p0 [hbm:s6], $0xF7A  }
0x23: {  	s9 =	sor.u32 $0xD0000000, s2;
	s6 =	simm.s32 $0x108;
	_ =	swait.ge @!p0 [sflag:s8], $0x0  }
0x24: {  	s3 =	sadd.s32 $0x88, s3;
	s6 =	simm.s32 @!p1 $0x1082;
	[sflag:s4] =	ssyncset.s32 $0xFFFFF086  }
0x25: {  	[simem:s6], [sflag:s4] =	dma.local [hbm:s3], $0xF7A  }
0x26: {  	[smem:$0x3F99] =	sst s1;
	(tag) =	ssettag s2;
	_ =	strace s9  }
0x27: {  	s1 =	sld [smem:$0x3FA9]  }
0x28: {  	s2 =	sld [smem:$0x3FAA]  }
0x29: {  	s4 =	sld [smem:$0x3FAC]  }
0x2a: {  	p0 =	seq.s32 s5, $0x0;
	s5 =	sld [smem:$0x3FAD]  }
0x2b: {  	s6 =	sld [smem:$0x3FAE]  }
0x2c: {  	s7 =	sld [smem:$0x3FAF]  }
0x2d: {  	s3 =	simm.s32 $0x108;
	s8 =	sld [smem:$0x3FB0]  }
0x2e: {  	s3 =	simm.s32 @!p0 $0x1082;
	s9 =	sld [smem:$0x3FB1]  }
0x2f: {  	lr =	sadd.s32 s0, s3;
	s0 =	sld [smem:$0x3FA8]  }
0x30: {  	s3 =	sld [smem:$0x3FAB]  }
0x31: {  	[smem:$0x3FB4] =	sst s10  }
0x32: {  	s10 =	sld [smem:$0x3FB2];
	_ =	sdelay $0x3  }
0x33: {  	p0 =	seq.s32 s10, $0x1;
	s10 =	sld [smem:$0x3FB4];
	_ =	sdelay $0x3  }
0x34: {  	[smem:$0x3FB4] =	sst s10  }
0x35: {  	s10 =	sld [smem:$0x3FB3];
	_ =	sdelay $0x3  }
0x36: {  	p1 =	seq.s32 s10, $0x1;
	s10 =	sld [smem:$0x3FB4];
	_ =	sdelay $0x3  }
0x37: {  	[smem:$0x3FB4] =	sst s10  }
0x38: {  	s10 =	sld [smem:$0x3FB5]  }
0x39: {  	_ = 	snop;
	(pc) =	sbr.ind lr, $3  }
0x3a: {  	_ = 	snop  }
0x3b: {  	_ = 	snop  }
0x3c: {  	p2 =	seq.s32 s10, $0x1;
	s10 =	sld [smem:$0x3FB4]  }
0x3d: {  	_ =	shalt  }
0x3e: {  	_ =	shalt  }
0x3f: {  	_ =	shalt  }
0x40: {  	_ =	shalt  }
0x41: {  	_ =	shalt  }
0x42: {  	_ =	shalt  }
0x43: {  	_ =	shalt  }
0x44: {  	_ =	shalt  }
0x45: {  	_ =	shalt  }
0x46: {  	_ =	shalt  }
0x47: {  	_ =	shalt  }
0x48: {  	_ =	shalt  }
0x49: {  	_ =	shalt  }
0x4a: {  	_ =	shalt  }
0x4b: {  	_ =	shalt  }
0x4c: {  	_ =	shalt  }
0x4d: {  	_ =	shalt  }
0x4e: {  	_ =	shalt  }
0x4f: {  	_ =	shalt  }
0x50: {  	_ =	shalt  }
0x51: {  	_ =	shalt  }
0x52: {  	_ =	shalt  }
0x53: {  	_ =	shalt  }
0x54: {  	_ =	shalt  }
0x55: {  	_ =	shalt  }
0x56: {  	_ =	shalt  }
0x57: {  	_ =	shalt  }
0x58: {  	_ =	shalt  }
0x59: {  	_ =	shalt  }
0x5a: {  	_ =	shalt  }
0x5b: {  	_ =	shalt  }
0x5c: {  	_ =	shalt  }
0x5d: {  	_ =	shalt  }
0x5e: {  	_ =	shalt  }
0x5f: {  	_ =	shalt  }
0x60: {  	_ =	shalt  }
0x61: {  	_ =	shalt  }
0x62: {  	_ =	shalt  }
0x63: {  	_ =	shalt  }
0x64: {  	_ =	shalt  }
0x65: {  	_ =	shalt  }
0x66: {  	_ =	shalt  }
0x67: {  	_ =	shalt  }
0x68: {  	_ =	shalt  }
0x69: {  	_ =	shalt  }
0x6a: {  	_ =	shalt  }
0x6b: {  	_ =	shalt  }
0x6c: {  	_ =	shalt  }
0x6d: {  	_ =	shalt  }
0x6e: {  	_ =	shalt  }
0x6f: {  	_ =	shalt  }
0x70: {  	_ =	shalt  }
0x71: {  	_ =	shalt  }
0x72: {  	_ =	shalt  }
0x73: {  	_ =	shalt  }
0x74: {  	_ =	shalt  }
0x75: {  	_ =	shalt  }
0x76: {  	_ =	shalt  }
0x77: {  	_ =	shalt  }
0x78: {  	_ =	shalt  }
0x79: {  	_ =	shalt  }
0x7a: {  	_ =	shalt  }
0x7b: {  	_ =	shalt  }
0x7c: {  	_ =	shalt  }
0x7d: {  	_ =	shalt  }
0x7e: {  	_ =	shalt  }
0x7f: {  	_ =	shalt  }
0x80: {  	_ =	shalt  }
0x81: {  	_ =	shalt  }
0x82: {  	_ =	shalt  }
0x83: {  	_ =	shalt  }
0x84: {  	_ =	shalt  }
0x85: {  	_ =	shalt  }
0x86: {  	_ =	shalt  }
0x87: {  	_ =	shalt  }
.Lfunc_end0:
.L_simem_size_0:
called_computation.1_lowered:
.L_overlay_start_0:
0x88: {  	s2 =	sld [smem:$0x3FD9]  }
0x89: {  	s3 =	sld [smem:$0x3FFE];
	_ =	sdelay $0x1  }
0x8a: {  	s1 =	srdreg.scid  }
0x8b: {  	s0 =	sand.u32 $0x1, s1  }
0x8c: {  	s17 =	sshll.u32 s0, $0xA;
	s2 =	sadd.s32 s3, s2  }
0x8d: {  	s2 =	sadd.s32 s2, s17  }
0x8e: {  	[smem:$0x3FC0] =	sst s2  }
0x8f: {  	_ = 	snop  }
0x90: {  	s2 =	sld [smem:$0x3FD0];
	(tm) =	ssettm $0x1  }
0x91: {  	s18 =	sld [smem:$0x3FFB];
	_ =	sdelay $0x3  }
0x92: {  	_ =	strace s18  }
0x93: {  	s3 =	sld [smem:$0x3FFC];
	_ =	sdelay $0x3  }
0x94: {  	_ =	strace s3  }
0x95: {  	s3 =	sld [smem:$0x3FFD];
	_ =	sdelay $0x3  }
0x96: {  	_ =	strace s3  }
0x97: {  	_ =	strace $0x8FFFFFFF  }
0x98: {  	s19 =	sld [smem:$0x3FDB];
	_ =	sdelay $0x1  }
0x99: {  	s4 =	simm.s32 $_scs_section_size  }
0x9a: {  	s5 =	simm.s32 $_size__tile_overlayer_lowered;
	s6 =	simm.s32 $_tile_overlayer_lowered  }
0x9b: {  	s22 =	simm.s32 $0x1BFF;
	s21 =	sshll.u32 s6, $0x1;
	s3 =	sadd.s32 s4, s19  }
0x9c: {  	s7 =	simm.s32 $0x0;
	s20 =	sshll.u32 s5, $0x1;
	s5 =	sadd.s32 s21, s3  }
0x9d: {  	[timem:s7], [sflag:s22] =	dma.local [hbm:s5], s20  }
0x9e: {  	_ =	swait.ge [sflag:s22], s20  }
0x9f: {  	s4 =	ssub.s32 $0x0, s20;
	[sflag:s22] =	ssyncset.done $0x0  }
0xa0: {  	[sflag:s22] =	ssyncadd.s32 s4;
	_ =	sdelay $0x1  }
0xa1: {  	s23 =	simm.s32 $0x1B8B  }
0xa2: {  	_ =	swait.ge [sflag:s23], $0x1  }
0xa3: {  	[sflag:s23] =	ssyncset.done $0x0  }
0xa4: {  	s25 =	simm.s32 $0x1B8E;
	s24 =	sld [smem:$0x3FFE];
	[sflag:s23] =	ssyncadd.s32 $0xFFFFFFFF  }
0xa5: {  	s26 =	simm.s32 $execute0_lowered;
	[smem:$0x3FD2] =	sst s25  }
0xa6: {  	s5 =	sshll.u32 s26, $0x1;
	_ =	strace $0x80000049;
	[dreg:$0x1] =	wrdreg $0xFFFFFFFF  }
0xa7: {  	s28 =	simm.s32 $_size_execute0_lowered;
	s3 =	sadd.s32 s3, s5;
	[dreg:$0x0] =	wrdreg $0x0  }
0xa8: {  	s5 =	sshll.u32 s28, $0x1;
	[dreg:$0x2] =	wrdreg s3  }
0xa9: {  	[dreg:$0x3] =	wrdreg s5  }
0xaa: {  	[dreg:$0x4] =	wrdreg $0xC0  }
0xab: {  	_ =	task [dreg:s7], $0x5FFFF  }
0xac: {  	[dreg:$0x1] =	wrdreg $0xFFFFFFFF  }
0xad: {  	[dreg:$0x0] =	wrdreg $0x60  }
0xae: {  	[dreg:$0x2] =	wrdreg s24  }
0xaf: {  	[dreg:$0x3] =	wrdreg s2  }
0xb0: {  	[dreg:$0x4] =	wrdreg $0xBC800  }
0xb1: {  	[dreg:$0x5] =	wrdreg $0x9  }
0xb2: {  	_ =	task.clear_ibuf [dreg:s7], $0x6FFFF;
	_ =	strace $0x90000049  }
0xb3: {  	s29 =	simm.s32 $0x9;
	_ =	strace $0x8000004B  }
0xb4: {  	_ =	swait.ge [sflag:s29], $0x1  }
0xb5: {  	[sflag:s29] =	ssyncadd.s32 $0xFFFFFFFF  }
0xb6: {  	_ =	strace $0x9000004B  }
0xb7: {  	_ =	sfence  }
0xb8: {  	s30 =	sld [smem:$0x0];
	_ =	sdelay $0x2  }
0xb9: {  	s31 =	sshll.u32 s1, $0xD;
	s1 =	sshrl.u32 s1, $0x2  }
0xba: {  	s3 =	sand.u32 $0x4000, s31;
	s1 =	sadd.s32 s1, s30  }
0xbb: {  	s0 =	sor.u32 s3, s0;
	s1 =	sshll.u32 s1, $0x11  }
0xbc: {  	s0 =	sor.u32 s1, s0  }
0xbd: {  	s0 =	sadd.s32 $0x8F2B, s0  }
0xbe: {  	[sflag:s0] =	ssyncadd.remote.s32 $0x1  }
0xbf: {  	_ =	sfence.sel $0xFFFF  }
0xc0: {  	[dreg:$0x0] =	wrdreg $0xFFFFFFFF;
	(pc) =	sbr.abs _section_cstart, $3  }
0xc1: {  	[dreg:$0x1] =	wrdreg $0xFFFFFFFF  }
0xc2: {  	_ =	task.clear_ibuf [dreg:s7], $0x2FFFF;
	_ =	strace $0x9FFFFFFF  }
0xc3: {  	(tm) =	ssettm $0x7FFFFFFF  }
tec
execute0_lowered:
.L_overlay_start_1:
0x0: {  	(tag) =	ssettag $0x1  }
0x1: {  	s0 =	rddreg [dreg:$0x0]  }
0x2: {  	s1 =	rddreg [dreg:$0x1]  }
0x3: {  	s2 =	rddreg [dreg:$0x2];
	s4 =	simm.s32 $0x0;
	s3 =	srdreg.scid  }
0x4: {  	s12 =	stileid.u32;
	s28 =	simm.s32 $0x7;
	s29 =	simm.s32 $0x100  }
0x5: {  	s30 =	simm.s32 $0x300;
	s31 =	simm.s32 $0x3;
	s8 =	smul.u32 $0x14000, s12  }
0x6: {  	[smem:$0x7FF] =	sst s4;
	s3 =	sand.u32 $0x1, s3;
	s11 =	smul.u32 $0x50000, s12  }
0x7: {  	s5 =	sadd.s32 $0xBC00, s0;
	s6 =	sadd.s32 $0x1E00, s0;
	s18 =	smul.u32 $0x2710, s12  }
0x8: {  	s7 =	smul.u32 $0x140000, s3;
	_ =	strace $0x8000004A;
	s9 =	sshll.u32 s3, $0x4  }
0x9: {  	s24 =	ssub.s32 $0x2, s3;
	s3 =	smul.u32 $0x27100, s3;
	s9 =	sor.u32 s12, s9  }
0xa: {  	s25 =	sshrl.u32 s24, $0x1;
	s15 =	sshrl.u32 s11, $0x2;
	s11 =	simm.s32 $0x400  }
0xb: {  	s12 =	simm.s32 $0x0;
	s7 =	sadd.s32 s8, s7;
	s10 =	smul.u32 $0x2710, s9  }
0xc: {  	s26 =	ssub.s32 s24, s25;
	s9 =	sadd.s32 s15, s2;
	s3 =	sadd.s32 s18, s3  }
0xd: {  	s7 =	sshrl.u32 s7, $0x3;
	s17 =	sadd.s32 $0x5C00, s9;
	s19 =	sadd.s32 $0xB800, s9  }
0xe: {  	s20 =	sadd.s32 $0x11400, s9;
	s24 =	sadd.s32 $0xB8, s3;
	[dreg:$0x6] =	wrdreg s17  }
0xf: {  	s0 =	sadd.s32 s7, s0;
	s13 =	sshrl.u32 s10, $0x3;
	[dreg:$0x7] =	wrdreg s19  }
0x10: {  	s16 =	sadd.s32 $0x2658, s10;
	[dreg:$0x8] =	wrdreg s20;
	s22 =	sadd.s32 $0x2618, s10  }
0x11: {  	s7 =	smax.u32 s26, $0x1;
	s26 =	sshrl.u32 s24, $0x3;
	s19 =	sadd.s32 $0x170, s3  }
0x12: {  	s24 =	simm.s32 $0xB8;
	s3 =	simm.s32 $0x5;
	s10 =	simm.s32 $0x6  }
0x13: {  	s14 =	sadd.s32 s6, s13;
	s13 =	sadd.s32 s1, s13;
	[dreg:$0xc] =	wrdreg s7  }
0x14: {  	s8 =	sshrl.u32 s16, $0x3;
	s0 =	sadd.s32 $0x32E00, s0;
	[dreg:$0x4] =	wrdreg s14  }
0x15: {  	s23 =	sshrl.u32 s22, $0x3;
	s20 =	sadd.s32 s26, s1;
	[dreg:$0x5] =	wrdreg s13  }
0x16: {  	s22 =	simm.s32 $0x200;
	s8 =	sadd.s32 s6, s8;
	[dreg:$0xb] =	wrdreg s0  }
0x17: {  	s7 =	simm.s32 $0x4;
	s21 =	sadd.s32 $0x4DA, s13;
	[dreg:$0x9] =	wrdreg s8  }
0x18: {  	s25 =	sadd.s32 s6, s23;
	s18 =	sadd.s32 s1, s23;
	[dreg:$0xa] =	wrdreg s21  }
0x19: {  	s23 =	simm.s32 $0x1;
	s0 =	simm.s32 $0x2;
	[dreg:$0xd] =	wrdreg s25  }
0x1a: {  	v0 =	vimm.f32 $0.0e+00;
	s21 =	sadd.s32 s26, s6;
	s25 =	simm.s32 $0x480;
	s26 =	simm.s32 $0x6080  }
.LBB2_1:
0x1b: {  	s8 =	rddreg [dreg:$0x4]  }
0x1c: {  	[tilespmem:s4], [sflag:$0x1] =	stream.linear.gather [hbm4b:s8+s4], $0xB8, $0x38;
	[tilespmem:$0x1FC80] =	vst v63  }
0x1d: {  	s17 =	rddreg [dreg:$0x5]  }
0x1e: {  	[tilespmem:s22], [sflag:$0x1] =	stream.linear.gather [hbm4b:s17+s4], $0xB8, $0x38;
	[tilespmem:$0x1FC80] =	vst v63  }
0x1f: {  	_ =	swait.ge [sflag:s23], $0xB8  }
0x20: {  	[sflag:s23] =	ssyncset.done $0x0  }
0x21: {  	[sflag:s23] =	ssyncadd.s32 $0xFFFFFF48  }
0x22: {  	_ =	swait.ge [sflag:s23], $0xB8  }
0x23: {  	[sflag:s23] =	ssyncset.done $0x0  }
0x24: {  	s13 =	simm.s32 $0x6180;
	[sflag:s23] =	ssyncadd.s32 $0xFFFFFF48  }
0x25: {  	[tilespmem:s25], [sflag:$0x3] =	stream.indirect.gather [hbm4b:s5+s24], $0x80, s4, s24, $0xb8;
	[tilespmem:$0x1FC80] =	vst v63  }
0x26: {  	[tilespmem:s13+$0xFFFFFF00] =	vst v0  }
0x27: {  	[tilespmem:s13+$0xF0] =	vst v0  }
0x28: {  	[tilespmem:s13+$0xE0] =	vst v0  }
0x29: {  	[tilespmem:s13+$0xD0] =	vst v0  }
0x2a: {  	[tilespmem:s13+$0xC0] =	vst v0  }
0x2b: {  	[tilespmem:s13+$0xB0] =	vst v0  }
0x2c: {  	[tilespmem:s13+$0xA0] =	vst v0  }
0x2d: {  	[tilespmem:s13+$0x90] =	vst v0  }
0x2e: {  	[tilespmem:s13+$0x80] =	vst v0  }
0x2f: {  	[tilespmem:s13+$0x70] =	vst v0  }
0x30: {  	[tilespmem:s13+$0x60] =	vst v0  }
0x31: {  	[tilespmem:s13+$0x50] =	vst v0  }
0x32: {  	[tilespmem:s13+$0x40] =	vst v0  }
0x33: {  	[tilespmem:s13+$0x30] =	vst v0  }
0x34: {  	[tilespmem:s13+$0x20] =	vst v0  }
0x35: {  	[tilespmem:s13+$0x10] =	vst v0  }
0x36: {  	[tilespmem:s13+$0x0] =	vst v0  }
0x37: {  	[tilespmem:s13+$0xFFFFFFF0] =	vst v0  }
0x38: {  	[tilespmem:s13+$0xFFFFFFE0] =	vst v0  }
0x39: {  	[tilespmem:s13+$0xFFFFFFD0] =	vst v0  }
0x3a: {  	[tilespmem:s13+$0xFFFFFFC0] =	vst v0  }
0x3b: {  	[tilespmem:s13+$0xFFFFFFB0] =	vst v0  }
0x3c: {  	[tilespmem:s13+$0xFFFFFFA0] =	vst v0  }
0x3d: {  	[tilespmem:s13+$0xFFFFFF90] =	vst v0  }
0x3e: {  	[tilespmem:s13+$0xFFFFFF80] =	vst v0  }
0x3f: {  	[tilespmem:s13+$0xFFFFFF70] =	vst v0  }
0x40: {  	[tilespmem:s13+$0xFFFFFF60] =	vst v0  }
0x41: {  	[tilespmem:s13+$0xFFFFFF50] =	vst v0  }
0x42: {  	[tilespmem:s13+$0xFFFFFF40] =	vst v0  }
0x43: {  	[tilespmem:s13+$0xFFFFFF30] =	vst v0  }
0x44: {  	s8 =	simm.s32 $0x0;
	[tilespmem:s13+$0xFFFFFF20] =	vst v0  }
.LBB2_2:
0x45: {  	s8 =	sadd.s32 $0x4, s8;
	[tilespmem:s13+$0xFFFFFF10] =	vst v0;
	s13 =	sadd.s32 $0x200, s13  }
0x46: {  	[tilespmem:s13+$0xFFFFFF00] =	vst v0;
	p0 =	slt.u32 s8, $0xB4  }
0x47: {  	[tilespmem:s13+$0xF0] =	vst v0  }
0x48: {  	[tilespmem:s13+$0xE0] =	vst v0  }
0x49: {  	[tilespmem:s13+$0xD0] =	vst v0  }
0x4a: {  	[tilespmem:s13+$0xC0] =	vst v0  }
0x4b: {  	[tilespmem:s13+$0xB0] =	vst v0  }
0x4c: {  	[tilespmem:s13+$0xA0] =	vst v0  }
0x4d: {  	[tilespmem:s13+$0x90] =	vst v0  }
0x4e: {  	[tilespmem:s13+$0x80] =	vst v0  }
0x4f: {  	[tilespmem:s13+$0x70] =	vst v0  }
0x50: {  	[tilespmem:s13+$0x60] =	vst v0  }
0x51: {  	[tilespmem:s13+$0x50] =	vst v0  }
0x52: {  	[tilespmem:s13+$0x40] =	vst v0  }
0x53: {  	[tilespmem:s13+$0x30] =	vst v0  }
0x54: {  	[tilespmem:s13+$0x20] =	vst v0  }
0x55: {  	[tilespmem:s13+$0x10] =	vst v0  }
0x56: {  	[tilespmem:s13+$0x0] =	vst v0  }
0x57: {  	[tilespmem:s13+$0xFFFFFFF0] =	vst v0  }
0x58: {  	[tilespmem:s13+$0xFFFFFFE0] =	vst v0  }
0x59: {  	[tilespmem:s13+$0xFFFFFFD0] =	vst v0  }
0x5a: {  	[tilespmem:s13+$0xFFFFFFC0] =	vst v0  }
0x5b: {  	[tilespmem:s13+$0xFFFFFFB0] =	vst v0  }
0x5c: {  	[tilespmem:s13+$0xFFFFFFA0] =	vst v0  }
0x5d: {  	[tilespmem:s13+$0xFFFFFF90] =	vst v0  }
0x5e: {  	[tilespmem:s13+$0xFFFFFF80] =	vst v0  }
0x5f: {  	[tilespmem:s13+$0xFFFFFF70] =	vst v0  }
.Ltmp0:
0x60: {  	[tilespmem:s13+$0xFFFFFF60] =	vst v0;
	(pc) =	sbr.rel @p0 .LBB2_2-.Ltmp0, $4  }
0x61: {  	[tilespmem:s13+$0xFFFFFF50] =	vst v0  }
0x62: {  	[tilespmem:s13+$0xFFFFFF40] =	vst v0  }
0x63: {  	[tilespmem:s13+$0xFFFFFF30] =	vst v0  }
0x64: {  	[tilespmem:s13+$0xFFFFFF20] =	vst v0  }
0x65: {  	[tilespmem:s13+$0xFFFFFF10] =	vst v0  }
0x66: {  	[spmem:s9] =	stream.linear.scatter [tilespmem:s26], [sflag:$0x7], $0x5C00, $0x38;
	[tilespmem:$0x1FC80] =	vst v63  }
0x67: {  	_ =	swait.ge [sflag:s28], $0x5C00  }
0x68: {  	[sflag:s28] =	ssyncset.done $0x0  }
0x69: {  	s8 =	rddreg [dreg:$0x6];
	[sflag:s28] =	ssyncadd.s32 $0xFFFFA400  }
0x6a: {  	[spmem:s8] =	stream.linear.scatter [tilespmem:s26], [sflag:$0x7], $0x5C00, $0x38;
	[tilespmem:$0x1FC80] =	vst v63  }
0x6b: {  	_ =	swait.ge [sflag:s28], $0x5C00  }
0x6c: {  	[sflag:s28] =	ssyncset.done $0x0  }
0x6d: {  	s17 =	rddreg [dreg:$0x7];
	[sflag:s28] =	ssyncadd.s32 $0xFFFFA400  }
0x6e: {  	[spmem:s17] =	stream.linear.scatter [tilespmem:s26], [sflag:$0x7], $0x5C00, $0x38;
	[tilespmem:$0x1FC80] =	vst v63  }
0x6f: {  	_ =	swait.ge [sflag:s28], $0x5C00  }
0x70: {  	[sflag:s28] =	ssyncset.done $0x0  }
0x71: {  	s13 =	rddreg [dreg:$0x8];
	[sflag:s28] =	ssyncadd.s32 $0xFFFFA400  }
0x72: {  	[spmem:s13] =	stream.linear.scatter [tilespmem:s26], [sflag:$0x7], $0x2C00, $0x38;
	[tilespmem:$0x1FC80] =	vst v63  }
0x73: {  	_ =	swait.ge [sflag:s28], $0x2C00  }
0x74: {  	[sflag:s28] =	ssyncset.done $0x0  }
0x75: {  	[sflag:s28] =	ssyncadd.s32 $0xFFFFD400  }
0x76: {  	s14 =	sadd.s32 $0x0, s21;
	[bflag:$0x0] =	sbarrier.arrive $0xFFFF  }
0x77: {  	[tilespmem:s29], [sflag:$0x2] =	stream.linear.gather [hbm4b:s14+s4], $0xB8, $0x38;
	[tilespmem:$0x1FC80] =	vst v63  }
0x78: {  	s15 =	sadd.s32 $0x0, s20  }
0x79: {  	[tilespmem:s30], [sflag:$0x2] =	stream.linear.gather [hbm4b:s15+s4], $0xB8, $0x38;
	[tilespmem:$0x1FC80] =	vst v63  }
0x7a: {  	_ =	swait.ge [sflag:s31], $0x5C00  }
0x7b: {  	[sflag:s31] =	ssyncset.done $0x0  }
0x7c: {  	[sflag:s31] =	ssyncadd.s32 $0xFFFFA400  }
0x7d: {  	[spmem:s2] =	stream.indirect.scatter.add.f32 [tilespmem:s25], [sflag:$0x5], $0x80, s22, s24, $0xb8;
	[tilespmem:$0x1FC80] =	vst v63  }
0x7e: {  	_ =	swait.ge [sflag:s0], $0xB8  }
0x7f: {  	[sflag:s0] =	ssyncset.done $0x0  }
0x80: {  	[sflag:s0] =	ssyncadd.s32 $0xFFFFFF48  }
0x81: {  	_ =	swait.ge [sflag:s0], $0xB8  }
0x82: {  	[sflag:s0] =	ssyncset.done $0x0  }
0x83: {  	[sflag:s0] =	ssyncadd.s32 $0xFFFFFF48  }
0x84: {  	[tilespmem:s26], [sflag:$0x4] =	stream.indirect.gather [hbm4b:s5+s24], $0x80, s29, s24, $0xb8;
	[tilespmem:$0x1FC80] =	vst v63  }
0x85: {  	_ =	swait.ge [sflag:s3], $0x5C00  }
0x86: {  	s16 =	sshrl.u32 s19, $0x3;
	[sflag:s3] =	ssyncset.done $0x0  }
0x87: {  	s17 =	sadd.s32 s6, s16;
	[sflag:s3] =	ssyncadd.s32 $0xFFFFA400  }
0x88: {  	[tilespmem:s4], [sflag:$0x1] =	stream.linear.gather [hbm4b:s17+s4], $0xB8, $0x38;
	[tilespmem:$0x1FC80] =	vst v63  }
0x89: {  	s8 =	sadd.s32 s1, s16  }
0x8a: {  	[tilespmem:s22], [sflag:$0x1] =	stream.linear.gather [hbm4b:s8+s4], $0xB8, $0x38;
	[tilespmem:$0x1FC80] =	vst v63  }
0x8b: {  	_ =	swait.ge [sflag:s7], $0x5C00  }
0x8c: {  	[sflag:s7] =	ssyncset.done $0x0  }
0x8d: {  	[sflag:s7] =	ssyncadd.s32 $0xFFFFA400  }
0x8e: {  	[spmem:s2] =	stream.indirect.scatter.add.f32 [tilespmem:s26], [sflag:$0x6], $0x80, s30, s24, $0xb8;
	[tilespmem:$0x1FC80] =	vst v63  }
0x8f: {  	_ =	swait.ge [sflag:s23], $0xB8  }
0x90: {  	[sflag:s23] =	ssyncset.done $0x0  }
0x91: {  	[sflag:s23] =	ssyncadd.s32 $0xFFFFFF48  }
0x92: {  	_ =	swait.ge [sflag:s23], $0xB8  }
0x93: {  	[sflag:s23] =	ssyncset.done $0x0  }
0x94: {  	[sflag:s23] =	ssyncadd.s32 $0xFFFFFF48  }
0x95: {  	[tilespmem:s25], [sflag:$0x3] =	stream.indirect.gather [hbm4b:s5+s24], $0x80, s4, s24, $0xb8;
	[tilespmem:$0x1FC80] =	vst v63  }
0x96: {  	s13 =	sadd.s32 $0x170, s19;
	_ =	swait.ge [sflag:s10], $0x5C00  }
0x97: {  	s14 =	simm.s32 $0x2E;
	s8 =	simm.s32 $0x5C;
	[sflag:s10] =	ssyncset.done $0x0  }
.LBB2_4:
0x98: {  	s16 =	sadd.s32 s14, s21  }
0x99: {  	[sflag:s10] =	ssyncadd.s32 $0xFFFFA400;
	s17 =	smov.u32 s8;
	s15 =	sadd.s32 $0x2E, s8  }
0x9a: {  	[tilespmem:s29], [sflag:$0x2] =	stream.linear.gather [hbm4b:s16+s4], $0xB8, $0x38;
	[tilespmem:$0x1FC80] =	vst v63  }
0x9b: {  	p0 =	sne.s32 s8, $0x47E;
	s8 =	sadd.s32 s14, s20;
	s14 =	smov.u32 s17  }
0x9c: {  	[tilespmem:s30], [sflag:$0x2] =	stream.linear.gather [hbm4b:s8+s4], $0xB8, $0x38;
	[tilespmem:$0x1FC80] =	vst v63  }
0x9d: {  	_ =	swait.ge [sflag:s31], $0x5C00  }
0x9e: {  	[sflag:s31] =	ssyncset.done $0x0  }
0x9f: {  	[sflag:s31] =	ssyncadd.s32 $0xFFFFA400  }
0xa0: {  	[spmem:s2] =	stream.indirect.scatter.add.f32 [tilespmem:s25], [sflag:$0x5], $0x80, s22, s24, $0xb8;
	[tilespmem:$0x1FC80] =	vst v63  }
0xa1: {  	_ =	swait.ge [sflag:s0], $0xB8  }
0xa2: {  	[sflag:s0] =	ssyncset.done $0x0  }
0xa3: {  	[sflag:s0] =	ssyncadd.s32 $0xFFFFFF48  }
0xa4: {  	_ =	swait.ge [sflag:s0], $0xB8  }
0xa5: {  	[sflag:s0] =	ssyncset.done $0x0  }
0xa6: {  	[sflag:s0] =	ssyncadd.s32 $0xFFFFFF48  }
0xa7: {  	[tilespmem:s26], [sflag:$0x4] =	stream.indirect.gather [hbm4b:s5+s24], $0x80, s29, s24, $0xb8;
	[tilespmem:$0x1FC80] =	vst v63  }
0xa8: {  	_ =	swait.ge [sflag:s3], $0x5C00  }
0xa9: {  	s8 =	sshrl.u32 s13, $0x3;
	[sflag:s3] =	ssyncset.done $0x0  }
0xaa: {  	s16 =	sadd.s32 s6, s8;
	[sflag:s3] =	ssyncadd.s32 $0xFFFFA400  }
0xab: {  	[tilespmem:s4], [sflag:$0x1] =	stream.linear.gather [hbm4b:s16+s4], $0xB8, $0x38;
	[tilespmem:$0x1FC80] =	vst v63  }
0xac: {  	s8 =	sadd.s32 s1, s8  }
0xad: {  	[tilespmem:s22], [sflag:$0x1] =	stream.linear.gather [hbm4b:s8+s4], $0xB8, $0x38;
	[tilespmem:$0x1FC80] =	vst v63  }
0xae: {  	_ =	swait.ge [sflag:s7], $0x5C00  }
0xaf: {  	[sflag:s7] =	ssyncset.done $0x0  }
0xb0: {  	[sflag:s7] =	ssyncadd.s32 $0xFFFFA400  }
0xb1: {  	[spmem:s2] =	stream.indirect.scatter.add.f32 [tilespmem:s26], [sflag:$0x6], $0x80, s30, s24, $0xb8;
	[tilespmem:$0x1FC80] =	vst v63  }
0xb2: {  	_ =	swait.ge [sflag:s23], $0xB8  }
0xb3: {  	[sflag:s23] =	ssyncset.done $0x0  }
0xb4: {  	[sflag:s23] =	ssyncadd.s32 $0xFFFFFF48  }
0xb5: {  	_ =	swait.ge [sflag:s23], $0xB8  }
.Ltmp1:
0xb6: {  	[sflag:s23] =	ssyncset.done $0x0;
	(pc) =	sbr.rel @p0 .LBB2_4-.Ltmp1, $4  }
0xb7: {  	[sflag:s23] =	ssyncadd.s32 $0xFFFFFF48  }
0xb8: {  	[tilespmem:s25], [sflag:$0x3] =	stream.indirect.gather [hbm4b:s5+s24], $0x80, s4, s24, $0xb8;
	[tilespmem:$0x1FC80] =	vst v63  }
0xb9: {  	_ =	swait.ge [sflag:s10], $0x5C00  }
0xba: {  	s13 =	sadd.s32 $0x170, s13;
	s8 =	smov.u32 s15;
	[sflag:s10] =	ssyncset.done $0x0  }
0xbb: {  	s8 =	sadd.s32 s14, s21;
	[sflag:s10] =	ssyncadd.s32 $0xFFFFA400  }
0xbc: {  	[tilespmem:s29], [sflag:$0x2] =	stream.linear.gather [hbm4b:s8+s4], $0xB8, $0x38;
	[tilespmem:$0x1FC80] =	vst v63  }
0xbd: {  	s16 =	sadd.s32 s14, s20  }
0xbe: {  	[tilespmem:s30], [sflag:$0x2] =	stream.linear.gather [hbm4b:s16+s4], $0xB8, $0x38;
	[tilespmem:$0x1FC80] =	vst v63  }
0xbf: {  	_ =	swait.ge [sflag:s31], $0x5C00  }
0xc0: {  	[sflag:s31] =	ssyncset.done $0x0  }
0xc1: {  	[sflag:s31] =	ssyncadd.s32 $0xFFFFA400  }
0xc2: {  	[spmem:s2] =	stream.indirect.scatter.add.f32 [tilespmem:s25], [sflag:$0x5], $0x80, s22, s24, $0xb8;
	[tilespmem:$0x1FC80] =	vst v63  }
0xc3: {  	_ =	swait.ge [sflag:s0], $0xB8  }
0xc4: {  	[sflag:s0] =	ssyncset.done $0x0  }
0xc5: {  	[sflag:s0] =	ssyncadd.s32 $0xFFFFFF48  }
0xc6: {  	_ =	swait.ge [sflag:s0], $0xB8  }
0xc7: {  	[sflag:s0] =	ssyncset.done $0x0  }
0xc8: {  	[sflag:s0] =	ssyncadd.s32 $0xFFFFFF48  }
0xc9: {  	[tilespmem:s26], [sflag:$0x4] =	stream.indirect.gather [hbm4b:s5+s24], $0x80, s29, s24, $0xb8;
	[tilespmem:$0x1FC80] =	vst v63  }
0xca: {  	_ =	swait.ge [sflag:s3], $0x5C00  }
0xcb: {  	s17 =	sshrl.u32 s13, $0x3;
	[sflag:s3] =	ssyncset.done $0x0  }
0xcc: {  	s13 =	sadd.s32 s6, s17;
	[sflag:s3] =	ssyncadd.s32 $0xFFFFA400  }
0xcd: {  	[tilespmem:s4], [sflag:$0x1] =	stream.linear.gather [hbm4b:s13+s4], $0xB8, $0x38;
	[tilespmem:$0x1FC80] =	vst v63  }
0xce: {  	s8 =	sadd.s32 s1, s17  }
0xcf: {  	[tilespmem:s22], [sflag:$0x1] =	stream.linear.gather [hbm4b:s8+s4], $0xB8, $0x38;
	[tilespmem:$0x1FC80] =	vst v63  }
0xd0: {  	_ =	swait.ge [sflag:s7], $0x5C00  }
0xd1: {  	[sflag:s7] =	ssyncset.done $0x0  }
0xd2: {  	[sflag:s7] =	ssyncadd.s32 $0xFFFFA400  }
0xd3: {  	[spmem:s2] =	stream.indirect.scatter.add.f32 [tilespmem:s26], [sflag:$0x6], $0x80, s30, s24, $0xb8;
	[tilespmem:$0x1FC80] =	vst v63  }
0xd4: {  	_ =	swait.ge [sflag:s23], $0xB8  }
0xd5: {  	[sflag:s23] =	ssyncset.done $0x0  }
0xd6: {  	[sflag:s23] =	ssyncadd.s32 $0xFFFFFF48  }
0xd7: {  	_ =	swait.ge [sflag:s23], $0xB8  }
0xd8: {  	[sflag:s23] =	ssyncset.done $0x0  }
0xd9: {  	[sflag:s23] =	ssyncadd.s32 $0xFFFFFF48  }
0xda: {  	[tilespmem:s25], [sflag:$0x3] =	stream.indirect.gather [hbm4b:s5+s24], $0x80, s4, s24, $0xb8;
	[tilespmem:$0x1FC80] =	vst v63  }
0xdb: {  	_ =	swait.ge [sflag:s10], $0x5C00  }
0xdc: {  	[sflag:s10] =	ssyncset.done $0x0  }
0xdd: {  	s13 =	rddreg [dreg:$0xd];
	[sflag:s10] =	ssyncadd.s32 $0xFFFFA400  }
0xde: {  	[tilespmem:s29], [sflag:$0x2] =	stream.linear.gather [hbm4b:s13+s4], $0xB8, $0x38;
	[tilespmem:$0x1FC80] =	vst v63  }
0xdf: {  	_ = 	snop  }
0xe0: {  	[tilespmem:s30], [sflag:$0x2] =	stream.linear.gather [hbm4b:s18+s4], $0xB8, $0x38;
	[tilespmem:$0x1FC80] =	vst v63  }
0xe1: {  	_ =	swait.ge [sflag:s31], $0x5C00  }
0xe2: {  	[sflag:s31] =	ssyncset.done $0x0  }
0xe3: {  	[sflag:s31] =	ssyncadd.s32 $0xFFFFA400  }
0xe4: {  	[spmem:s2] =	stream.indirect.scatter.add.f32 [tilespmem:s25], [sflag:$0x5], $0x80, s22, s24, $0xb8;
	[tilespmem:$0x1FC80] =	vst v63  }
0xe5: {  	_ =	swait.ge [sflag:s0], $0xB8  }
0xe6: {  	[sflag:s0] =	ssyncset.done $0x0  }
0xe7: {  	[sflag:s0] =	ssyncadd.s32 $0xFFFFFF48  }
0xe8: {  	_ =	swait.ge [sflag:s0], $0xB8  }
0xe9: {  	[sflag:s0] =	ssyncset.done $0x0  }
0xea: {  	[sflag:s0] =	ssyncadd.s32 $0xFFFFFF48  }
0xeb: {  	[tilespmem:s26], [sflag:$0x4] =	stream.indirect.gather [hbm4b:s5+s24], $0x80, s29, s24, $0xb8;
	[tilespmem:$0x1FC80] =	vst v63  }
0xec: {  	_ =	swait.ge [sflag:s3], $0x5C00  }
0xed: {  	[sflag:s3] =	ssyncset.done $0x0  }
0xee: {  	[sflag:s3] =	ssyncadd.s32 $0xFFFFA400  }
0xef: {  	_ =	swait.ge [sflag:s7], $0x5C00  }
0xf0: {  	[sflag:s7] =	ssyncset.done $0x0  }
0xf1: {  	[sflag:s7] =	ssyncadd.s32 $0xFFFFA400  }
0xf2: {  	[spmem:s2] =	stream.indirect.scatter.add.f32 [tilespmem:s26], [sflag:$0x6], $0x80, s30, s24, $0xb8;
	[tilespmem:$0x1FC80] =	vst v63  }
0xf3: {  	_ =	swait.ge [sflag:s10], $0x5C00  }
0xf4: {  	[sflag:s10] =	ssyncset.done $0x0  }
0xf5: {  	s14 =	rddreg [dreg:$0x9];
	[sflag:s10] =	ssyncadd.s32 $0xFFFFA400  }
0xf6: {  	[tilespmem:s4], [sflag:$0x7] =	stream.linear.gather [hbm4b:s14+s4], $0xB8, $0x38;
	[tilespmem:$0x1FC80] =	vst v63  }
0xf7: {  	_ =	swait.ge [sflag:s28], $0xB8  }
0xf8: {  	[sflag:s28] =	ssyncset.done $0x0  }
0xf9: {  	s15 =	rddreg [dreg:$0xa];
	[sflag:s28] =	ssyncadd.s32 $0xFFFFFF48  }
0xfa: {  	[tilespmem:s11], [sflag:$0x7] =	stream.linear.gather [hbm4b:s15+s4], $0x40, $0x38;
	[tilespmem:$0x1FC80] =	vst v63  }
0xfb: {  	_ =	swait.ge [sflag:s28], $0x40  }
0xfc: {  	[sflag:s28] =	ssyncset.done $0x0  }
0xfd: {  	[sflag:s28] =	ssyncadd.s32 $0xFFFFFFC0  }
0xfe: {  	[tilespmem:s25], [sflag:$0x3] =	stream.indirect.gather [hbm4b:s5+s24], $0x80, s4, s24, $0xb8;
	[tilespmem:$0x1FC80] =	vst v63  }
0xff: {  	_ =	swait.ge [sflag:s31], $0x5C00  }
0x100: {  	[sflag:s31] =	ssyncset.done $0x0  }
0x101: {  	s17 =	simm.s32 $0x4080;
	s16 =	simm.s32 $0x40;
	[sflag:s31] =	ssyncadd.s32 $0xFFFFA400  }
0x102: {  	[spmem:s2] =	stream.indirect.scatter.add.f32 [tilespmem:s17], [sflag:$0x7], $0x80, s11, s16, $0xb8;
	[tilespmem:$0x1FC80] =	vst v63  }
0x103: {  	_ =	swait.ge [sflag:s28], $0x2000  }
0x104: {  	[sflag:s28] =	ssyncset.done $0x0  }
0x105: {  	s14 =	stileid.u32;
	[sflag:s28] =	ssyncadd.s32 $0xFFFFE000  }
0x106: {  	s8 =	sshll.u32 s14, $0x6;
	[bflag:$0x0] =	sbarrier.arrive $0xFFFF  }
0x107: {  	s8 =	sor.u32 $0x1C07, s8;
	s15 =	sshrl.u32 s9, $0x3;
	s16 =	rddreg [dreg:$0xb]  }
0x108: {  	[hbm:s16], [sflag:s8] =	dma.local [spmem:s15], $0x2800  }
0x109: {  	_ =	swait.ge [sflag:s28], $0x2800  }
0x10a: {  	s12 =	sadd.s32 $0x1, s12;
	s17 =	rddreg [dreg:$0xc]  }
0x10b: {  	p0 =	sne.s32 s12, s17  }
.Ltmp2:
0x10c: {  	_ = 	snop;
	(pc) =	sbr.rel @p0 .LBB2_1-.Ltmp2, $3  }
0x10d: {  	_ =	sdelay $0x1  }
0x10e: {  	[sflag:s28] =	ssyncset.done $0x0  }
0x10f: {  	[sflag:s28] =	ssyncadd.s32 $0xFFFFD800  }
0x110: {  	_ =	sfence.sel $0x180000  }
0x111: {  	[bflag:$0x0] =	sbarrier.arrive $0xFFFF  }
0x112: {  	_ =	strace $0x9000004A  }
0x113: {  	s0 =	stileid.u32;
	[bflag:$0x2] =	sbarrier.arrive $0xFFFF  }
0x114: {  	p0 =	sne.s32 s0, $0x0;
	s0 =	rddreg [dreg:$0x3]  }
0x115: {  	s0 =	sadd.s32 @!p0 $0x100000, s0  }
0x116: {  	[sflag:s0] =	ssyncadd.tile.s32 @!p0 $0x1;
	_ =	shalt  }
.Lfunc_end2:
_tile_overlayer_lowered:
.L_overlay_start_2:
0x117: {  	(tag) =	ssettag $0x2  }
0x118: {  	s0 =	rddreg [dreg:$0x0];
	s2 =	stileid.u32  }
0x119: {  	s1 =	rddreg [dreg:$0x1];
	p0 =	sne.s32 s2, $0x0  }
0x11a: {  	s3 =	rddreg [dreg:$0x2];
	[bflag:$0x3] =	sbarrier.arrive $0xFFFF;
	s2 =	simm.s32 @!p0 $0x1C07  }
0x11b: {  	[timem:s3], [sflag:s2] =	dma.local @!p0 [hbm:s0], s1  }
0x11c: {  	s0 =	simm.s32 @!p0 $0x7  }
0x11d: {  	_ =	swait.ge @!p0 [sflag:s0], s1  }
0x11e: {  	s1 =	ssub.s32 @!p0 $0x0, s1;
	[sflag:s0] =	ssyncset.done @!p0 $0x0  }
0x11f: {  	[sflag:s0] =	ssyncadd.s32 @!p0 s1  }
0x120: {  	[bflag:$0x3] =	sbarrier.arrive $0xFFFF  }
0x121: {  	_ =	shalt  }

// kernel: kernel.15.cloned.1.call-start
scs
__scs_entry_jumppad:
0x0: {  	(pc) =	sbr.rel $0x88, $3  }
0x1: {  	(tag) =	ssettag $0x0;
	lr =	simm.s32 $0x1  }
0x2: {  	[smem:$0x3F99] =	sst lr;
	_ =	strace $0xD0000000  }
0x3: {  	_ = 	snop  }
0x4: {  	_ = 	snop  }
0x5: {  	_ = 	snop  }
0x6: {  	_ = 	snop  }
0x7: {  	_ = 	snop  }
__scs_overlays_trampoline_lowered:
0x8: {  	[smem:$0x3FA8] =	sst s0  }
0x9: {  	[smem:$0x3FA9] =	sst s1  }
0xa: {  	[smem:$0x3FAA] =	sst s2  }
0xb: {  	[smem:$0x3FAB] =	sst s3  }
0xc: {  	[smem:$0x3FAC] =	sst s4  }
0xd: {  	[smem:$0x3FAD] =	sst s5  }
0xe: {  	[smem:$0x3FAE] =	sst s6  }
0xf: {  	[smem:$0x3FAF] =	sst s7  }
0x10: {  	[smem:$0x3FB0] =	sst s8  }
0x11: {  	[smem:$0x3FB1] =	sst s9;
	s0 =	simm.s32 @!p0 $0x0  }
0x12: {  	s1 =	sld [smem:$0x3F97];
	s0 =	simm.s32 @p0 $0x1  }
0x13: {  	[smem:$0x3FB2] =	sst s0;
	s0 =	simm.s32 @!p1 $0x0  }
0x14: {  	s2 =	sld [smem:$0x3F96];
	s0 =	simm.s32 @p1 $0x1  }
0x15: {  	[smem:$0x3FB3] =	sst s0;
	s0 =	simm.s32 @!p2 $0x0  }
0x16: {  	s3 =	sld [smem:$0x3FDB];
	s0 =	simm.s32 @p2 $0x1  }
0x17: {  	s4 =	simm.s32 $0x1BF5;
	[smem:$0x3FB5] =	sst s0  }
0x18: {  	s0 =	sld [smem:$0x3F98];
	_ =	swait.ge [sflag:s4], $0x0  }
0x19: {  	s7 =	sld [smem:$0x3F99]  }
0x1a: {  	s8 =	sadd.s32 $0xFFFFE003, lr  }
0x1b: {  	s9 =	sadd.s32 $0xFFFFFEF7, lr;
	s5 =	simm.s32 $0xFFFFFFFF;
	p2 =	slt.u32 s8, $0xFFFFF086  }
0x1c: {  	p1 =	slt.u32 s9, $0xF7A;
	s5 =	simm.s32 @!p2 $0x0  }
0x1d: {  	s5 =	simm.s32 @p1 $0x1;
	p0 =	seq.s32 s7, s2  }
0x1e: {  	s7 =	smul.u32 @!p0 $0xF7A, s2;
	p2 =	seq.s32 @!p0 s5, $0x0  }
0x1f: {  	s9 =	smul.u32 $0xF7A, s1;
	s8 =	simm.s32 @!p0 $0x1BF5;
	p2 =	por !p2, p0  }
0x20: {  	[sflag:s8] =	ssyncset.s32 @!p0 $0xFFFFF086;
	s6 =	sadd.s32 @!p0 s3, s7;
	s7 =	simm.s32 @!p0 $0x108  }
0x21: {  	s3 =	sadd.s32 s3, s9;
	s6 =	sadd.s32 @!p0 $0x88, s6;
	s7 =	simm.s32 @p2 $0x1082  }
0x22: {  	[simem:s7], [sflag:s8] =	dma.local @!p0 [hbm:s6], $0xF7A  }
0x23: {  	s9 =	sor.u32 $0xD0000000, s2;
	s6 =	simm.s32 $0x108;
	_ =	swait.ge @!p0 [sflag:s8], $0x0  }
0x24: {  	s3 =	sadd.s32 $0x88, s3;
	s6 =	simm.s32 @!p1 $0x1082;
	[sflag:s4] =	ssyncset.s32 $0xFFFFF086  }
0x25: {  	[simem:s6], [sflag:s4] =	dma.local [hbm:s3], $0xF7A  }
0x26: {  	[smem:$0x3F99] =	sst s1;
	(tag) =	ssettag s2;
	_ =	strace s9  }
0x27: {  	s1 =	sld [smem:$0x3FA9]  }
0x28: {  	s2 =	sld [smem:$0x3FAA]  }
0x29: {  	s4 =	sld [smem:$0x3FAC]  }
0x2a: {  	p0 =	seq.s32 s5, $0x0;
	s5 =	sld [smem:$0x3FAD]  }
0x2b: {  	s6 =	sld [smem:$0x3FAE]  }
0x2c: {  	s7 =	sld [smem:$0x3FAF]  }
0x2d: {  	s3 =	simm.s32 $0x108;
	s8 =	sld [smem:$0x3FB0]  }
0x2e: {  	s3 =	simm.s32 @!p0 $0x1082;
	s9 =	sld [smem:$0x3FB1]  }
0x2f: {  	lr =	sadd.s32 s0, s3;
	s0 =	sld [smem:$0x3FA8]  }
0x30: {  	s3 =	sld [smem:$0x3FAB]  }
0x31: {  	[smem:$0x3FB4] =	sst s10  }
0x32: {  	s10 =	sld [smem:$0x3FB2];
	_ =	sdelay $0x3  }
0x33: {  	p0 =	seq.s32 s10, $0x1;
	s10 =	sld [smem:$0x3FB4];
	_ =	sdelay $0x3  }
0x34: {  	[smem:$0x3FB4] =	sst s10  }
0x35: {  	s10 =	sld [smem:$0x3FB3];
	_ =	sdelay $0x3  }
0x36: {  	p1 =	seq.s32 s10, $0x1;
	s10 =	sld [smem:$0x3FB4];
	_ =	sdelay $0x3  }
0x37: {  	[smem:$0x3FB4] =	sst s10  }
0x38: {  	s10 =	sld [smem:$0x3FB5]  }
0x39: {  	_ = 	snop;
	(pc) =	sbr.ind lr, $3  }
0x3a: {  	_ = 	snop  }
0x3b: {  	_ = 	snop  }
0x3c: {  	p2 =	seq.s32 s10, $0x1;
	s10 =	sld [smem:$0x3FB4]  }
0x3d: {  	_ =	shalt  }
0x3e: {  	_ =	shalt  }
0x3f: {  	_ =	shalt  }
0x40: {  	_ =	shalt  }
0x41: {  	_ =	shalt  }
0x42: {  	_ =	shalt  }
0x43: {  	_ =	shalt  }
0x44: {  	_ =	shalt  }
0x45: {  	_ =	shalt  }
0x46: {  	_ =	shalt  }
0x47: {  	_ =	shalt  }
0x48: {  	_ =	shalt  }
0x49: {  	_ =	shalt  }
0x4a: {  	_ =	shalt  }
0x4b: {  	_ =	shalt  }
0x4c: {  	_ =	shalt  }
0x4d: {  	_ =	shalt  }
0x4e: {  	_ =	shalt  }
0x4f: {  	_ =	shalt  }
0x50: {  	_ =	shalt  }
0x51: {  	_ =	shalt  }
0x52: {  	_ =	shalt  }
0x53: {  	_ =	shalt  }
0x54: {  	_ =	shalt  }
0x55: {  	_ =	shalt  }
0x56: {  	_ =	shalt  }
0x57: {  	_ =	shalt  }
0x58: {  	_ =	shalt  }
0x59: {  	_ =	shalt  }
0x5a: {  	_ =	shalt  }
0x5b: {  	_ =	shalt  }
0x5c: {  	_ =	shalt  }
0x5d: {  	_ =	shalt  }
0x5e: {  	_ =	shalt  }
0x5f: {  	_ =	shalt  }
0x60: {  	_ =	shalt  }
0x61: {  	_ =	shalt  }
0x62: {  	_ =	shalt  }
0x63: {  	_ =	shalt  }
0x64: {  	_ =	shalt  }
0x65: {  	_ =	shalt  }
0x66: {  	_ =	shalt  }
0x67: {  	_ =	shalt  }
0x68: {  	_ =	shalt  }
0x69: {  	_ =	shalt  }
0x6a: {  	_ =	shalt  }
0x6b: {  	_ =	shalt  }
0x6c: {  	_ =	shalt  }
0x6d: {  	_ =	shalt  }
0x6e: {  	_ =	shalt  }
0x6f: {  	_ =	shalt  }
0x70: {  	_ =	shalt  }
0x71: {  	_ =	shalt  }
0x72: {  	_ =	shalt  }
0x73: {  	_ =	shalt  }
0x74: {  	_ =	shalt  }
0x75: {  	_ =	shalt  }
0x76: {  	_ =	shalt  }
0x77: {  	_ =	shalt  }
0x78: {  	_ =	shalt  }
0x79: {  	_ =	shalt  }
0x7a: {  	_ =	shalt  }
0x7b: {  	_ =	shalt  }
0x7c: {  	_ =	shalt  }
0x7d: {  	_ =	shalt  }
0x7e: {  	_ =	shalt  }
0x7f: {  	_ =	shalt  }
0x80: {  	_ =	shalt  }
0x81: {  	_ =	shalt  }
0x82: {  	_ =	shalt  }
0x83: {  	_ =	shalt  }
0x84: {  	_ =	shalt  }
0x85: {  	_ =	shalt  }
0x86: {  	_ =	shalt  }
0x87: {  	_ =	shalt  }
.Lfunc_end0:
.L_simem_size_0:
called_computation.2_lowered:
.L_overlay_start_0:
0x88: {  	s2 =	sld [smem:$0x3FD9]  }
0x89: {  	s3 =	sld [smem:$0x3FFE];
	_ =	sdelay $0x1  }
0x8a: {  	s1 =	srdreg.scid  }
0x8b: {  	s0 =	sand.u32 $0x1, s1  }
0x8c: {  	s17 =	sshll.u32 s0, $0xA;
	s2 =	sadd.s32 s3, s2  }
0x8d: {  	s2 =	sadd.s32 s2, s17  }
0x8e: {  	[smem:$0x3FC0] =	sst s2  }
0x8f: {  	_ = 	snop  }
0x90: {  	s2 =	sld [smem:$0x3FD0];
	(tm) =	ssettm $0x1  }
0x91: {  	s18 =	sld [smem:$0x3FFB];
	_ =	sdelay $0x3  }
0x92: {  	_ =	strace s18  }
0x93: {  	s3 =	sld [smem:$0x3FFC];
	_ =	sdelay $0x3  }
0x94: {  	_ =	strace s3  }
0x95: {  	s3 =	sld [smem:$0x3FFD];
	_ =	sdelay $0x3  }
0x96: {  	_ =	strace s3  }
0x97: {  	_ =	strace $0x8FFFFFFF  }
0x98: {  	s19 =	sld [smem:$0x3FDB];
	_ =	sdelay $0x1  }
0x99: {  	s4 =	simm.s32 $_scs_section_size  }
0x9a: {  	s5 =	simm.s32 $_size__tile_overlayer_lowered;
	s6 =	simm.s32 $_tile_overlayer_lowered  }
0x9b: {  	s22 =	simm.s32 $0x1BFF;
	s21 =	sshll.u32 s6, $0x1;
	s3 =	sadd.s32 s4, s19  }
0x9c: {  	s7 =	simm.s32 $0x0;
	s20 =	sshll.u32 s5, $0x1;
	s5 =	sadd.s32 s21, s3  }
0x9d: {  	[timem:s7], [sflag:s22] =	dma.local [hbm:s5], s20  }
0x9e: {  	_ =	swait.ge [sflag:s22], s20  }
0x9f: {  	s4 =	ssub.s32 $0x0, s20;
	[sflag:s22] =	ssyncset.done $0x0  }
0xa0: {  	[sflag:s22] =	ssyncadd.s32 s4;
	_ =	sdelay $0x1  }
0xa1: {  	s23 =	simm.s32 $0x1B8B  }
0xa2: {  	_ =	swait.ge [sflag:s23], $0x1  }
0xa3: {  	[sflag:s23] =	ssyncset.done $0x0  }
0xa4: {  	s25 =	simm.s32 $0x1B8E;
	s24 =	sld [smem:$0x3FFE];
	[sflag:s23] =	ssyncadd.s32 $0xFFFFFFFF  }
0xa5: {  	s26 =	simm.s32 $execute0_lowered;
	[smem:$0x3FD2] =	sst s25  }
0xa6: {  	s5 =	sshll.u32 s26, $0x1;
	_ =	strace $0x8000004C;
	[dreg:$0x1] =	wrdreg $0xFFFFFFFF  }
0xa7: {  	s28 =	simm.s32 $_size_execute0_lowered;
	s3 =	sadd.s32 s3, s5;
	[dreg:$0x0] =	wrdreg $0x0  }
0xa8: {  	s5 =	sshll.u32 s28, $0x1;
	[dreg:$0x2] =	wrdreg s3  }
0xa9: {  	[dreg:$0x3] =	wrdreg s5  }
0xaa: {  	[dreg:$0x4] =	wrdreg $0xC0  }
0xab: {  	_ =	task [dreg:s7], $0x5FFFF  }
0xac: {  	[dreg:$0x1] =	wrdreg $0xFFFFFFFF  }
0xad: {  	[dreg:$0x0] =	wrdreg $0x60  }
0xae: {  	[dreg:$0x2] =	wrdreg s24  }
0xaf: {  	[dreg:$0x3] =	wrdreg s2  }
0xb0: {  	[dreg:$0x4] =	wrdreg $0xBC800  }
0xb1: {  	[dreg:$0x5] =	wrdreg $0x9  }
0xb2: {  	_ =	task.clear_ibuf [dreg:s7], $0x6FFFF;
	_ =	strace $0x9000004C  }
0xb3: {  	s29 =	simm.s32 $0x9;
	_ =	strace $0x8000004E  }
0xb4: {  	_ =	swait.ge [sflag:s29], $0x1  }
0xb5: {  	[sflag:s29] =	ssyncadd.s32 $0xFFFFFFFF  }
0xb6: {  	_ =	strace $0x9000004E  }
0xb7: {  	_ =	sfence  }
0xb8: {  	s30 =	sld [smem:$0x0];
	_ =	sdelay $0x2  }
0xb9: {  	s31 =	sshll.u32 s1, $0xD;
	s1 =	sshrl.u32 s1, $0x2  }
0xba: {  	s3 =	sand.u32 $0x4000, s31;
	s1 =	sadd.s32 s1, s30  }
0xbb: {  	s0 =	sor.u32 s3, s0;
	s1 =	sshll.u32 s1, $0x11  }
0xbc: {  	s0 =	sor.u32 s1, s0  }
0xbd: {  	s0 =	sadd.s32 $0x8F2B, s0  }
0xbe: {  	[sflag:s0] =	ssyncadd.remote.s32 $0x1  }
0xbf: {  	_ =	sfence.sel $0xFFFF  }
0xc0: {  	[dreg:$0x0] =	wrdreg $0xFFFFFFFF;
	(pc) =	sbr.abs _section_cstart, $3  }
0xc1: {  	[dreg:$0x1] =	wrdreg $0xFFFFFFFF  }
0xc2: {  	_ =	task.clear_ibuf [dreg:s7], $0x2FFFF;
	_ =	strace $0x9FFFFFFF  }
0xc3: {  	(tm) =	ssettm $0x7FFFFFFF  }
tec
execute0_lowered:
.L_overlay_start_1:
0x0: {  	(tag) =	ssettag $0x1  }
0x1: {  	s0 =	rddreg [dreg:$0x0]  }
0x2: {  	s1 =	rddreg [dreg:$0x1]  }
0x3: {  	s2 =	rddreg [dreg:$0x2];
	s4 =	simm.s32 $0x0;
	s3 =	srdreg.scid  }
0x4: {  	s12 =	stileid.u32;
	s28 =	simm.s32 $0x7;
	s29 =	simm.s32 $0x100  }
0x5: {  	s30 =	simm.s32 $0x300;
	s31 =	simm.s32 $0x3;
	s8 =	smul.u32 $0x14000, s12  }
0x6: {  	[smem:$0x7FF] =	sst s4;
	s3 =	sand.u32 $0x1, s3;
	s11 =	smul.u32 $0x50000, s12  }
0x7: {  	s5 =	sadd.s32 $0xBC00, s0;
	s6 =	sadd.s32 $0x1E00, s0;
	s18 =	smul.u32 $0x2710, s12  }
0x8: {  	s7 =	smul.u32 $0x140000, s3;
	_ =	strace $0x8000004D;
	s9 =	sshll.u32 s3, $0x4  }
0x9: {  	s24 =	ssub.s32 $0x2, s3;
	s3 =	smul.u32 $0x27100, s3;
	s9 =	sor.u32 s12, s9  }
0xa: {  	s25 =	sshrl.u32 s24, $0x1;
	s15 =	sshrl.u32 s11, $0x2;
	s11 =	simm.s32 $0x400  }
0xb: {  	s12 =	simm.s32 $0x0;
	s7 =	sadd.s32 s8, s7;
	s10 =	smul.u32 $0x2710, s9  }
0xc: {  	s26 =	ssub.s32 s24, s25;
	s9 =	sadd.s32 s15, s2;
	s3 =	sadd.s32 s18, s3  }
0xd: {  	s7 =	sshrl.u32 s7, $0x3;
	s17 =	sadd.s32 $0x5C00, s9;
	s19 =	sadd.s32 $0xB800, s9  }
0xe: {  	s20 =	sadd.s32 $0x11400, s9;
	s24 =	sadd.s32 $0xB8, s3;
	[dreg:$0x6] =	wrdreg s17  }
0xf: {  	s0 =	sadd.s32 s7, s0;
	s13 =	sshrl.u32 s10, $0x3;
	[dreg:$0x7] =	wrdreg s19  }
0x10: {  	s16 =	sadd.s32 $0x2658, s10;
	[dreg:$0x8] =	wrdreg s20;
	s22 =	sadd.s32 $0x2618, s10  }
0x11: {  	s7 =	smax.u32 s26, $0x1;
	s26 =	sshrl.u32 s24, $0x3;
	s19 =	sadd.s32 $0x170, s3  }
0x12: {  	s24 =	simm.s32 $0xB8;
	s3 =	simm.s32 $0x5;
	s10 =	simm.s32 $0x6  }
0x13: {  	s14 =	sadd.s32 s6, s13;
	s13 =	sadd.s32 s1, s13;
	[dreg:$0xc] =	wrdreg s7  }
0x14: {  	s8 =	sshrl.u32 s16, $0x3;
	s0 =	sadd.s32 $0x32E00, s0;
	[dreg:$0x4] =	wrdreg s14  }
0x15: {  	s23 =	sshrl.u32 s22, $0x3;
	s20 =	sadd.s32 s26, s1;
	[dreg:$0x5] =	wrdreg s13  }
0x16: {  	s22 =	simm.s32 $0x200;
	s8 =	sadd.s32 s6, s8;
	[dreg:$0xb] =	wrdreg s0  }
0x17: {  	s7 =	simm.s32 $0x4;
	s21 =	sadd.s32 $0x4DA, s13;
	[dreg:$0x9] =	wrdreg s8  }
0x18: {  	s25 =	sadd.s32 s6, s23;
	s18 =	sadd.s32 s1, s23;
	[dreg:$0xa] =	wrdreg s21  }
0x19: {  	s23 =	simm.s32 $0x1;
	s0 =	simm.s32 $0x2;
	[dreg:$0xd] =	wrdreg s25  }
0x1a: {  	v0 =	vimm.f32 $0.0e+00;
	s21 =	sadd.s32 s26, s6;
	s25 =	simm.s32 $0x480;
	s26 =	simm.s32 $0x6080  }
.LBB2_1:
0x1b: {  	s8 =	rddreg [dreg:$0x4]  }
0x1c: {  	[tilespmem:s4], [sflag:$0x1] =	stream.linear.gather [hbm4b:s8+s4], $0xB8, $0x38;
	[tilespmem:$0x1FC80] =	vst v63  }
0x1d: {  	s17 =	rddreg [dreg:$0x5]  }
0x1e: {  	[tilespmem:s22], [sflag:$0x1] =	stream.linear.gather [hbm4b:s17+s4], $0xB8, $0x38;
	[tilespmem:$0x1FC80] =	vst v63  }
0x1f: {  	_ =	swait.ge [sflag:s23], $0xB8  }
0x20: {  	[sflag:s23] =	ssyncset.done $0x0  }
0x21: {  	[sflag:s23] =	ssyncadd.s32 $0xFFFFFF48  }
0x22: {  	_ =	swait.ge [sflag:s23], $0xB8  }
0x23: {  	[sflag:s23] =	ssyncset.done $0x0  }
0x24: {  	s13 =	simm.s32 $0x6180;
	[sflag:s23] =	ssyncadd.s32 $0xFFFFFF48  }
0x25: {  	[tilespmem:s25], [sflag:$0x3] =	stream.indirect.gather [hbm4b:s5+s24], $0x80, s4, s24, $0xb8;
	[tilespmem:$0x1FC80] =	vst v63  }
0x26: {  	[tilespmem:s13+$0xFFFFFF00] =	vst v0  }
0x27: {  	[tilespmem:s13+$0xF0] =	vst v0  }
0x28: {  	[tilespmem:s13+$0xE0] =	vst v0  }
0x29: {  	[tilespmem:s13+$0xD0] =	vst v0  }
0x2a: {  	[tilespmem:s13+$0xC0] =	vst v0  }
0x2b: {  	[tilespmem:s13+$0xB0] =	vst v0  }
0x2c: {  	[tilespmem:s13+$0xA0] =	vst v0  }
0x2d: {  	[tilespmem:s13+$0x90] =	vst v0  }
0x2e: {  	[tilespmem:s13+$0x80] =	vst v0  }
0x2f: {  	[tilespmem:s13+$0x70] =	vst v0  }
0x30: {  	[tilespmem:s13+$0x60] =	vst v0  }
0x31: {  	[tilespmem:s13+$0x50] =	vst v0  }
0x32: {  	[tilespmem:s13+$0x40] =	vst v0  }
0x33: {  	[tilespmem:s13+$0x30] =	vst v0  }
0x34: {  	[tilespmem:s13+$0x20] =	vst v0  }
0x35: {  	[tilespmem:s13+$0x10] =	vst v0  }
0x36: {  	[tilespmem:s13+$0x0] =	vst v0  }
0x37: {  	[tilespmem:s13+$0xFFFFFFF0] =	vst v0  }
0x38: {  	[tilespmem:s13+$0xFFFFFFE0] =	vst v0  }
0x39: {  	[tilespmem:s13+$0xFFFFFFD0] =	vst v0  }
0x3a: {  	[tilespmem:s13+$0xFFFFFFC0] =	vst v0  }
0x3b: {  	[tilespmem:s13+$0xFFFFFFB0] =	vst v0  }
0x3c: {  	[tilespmem:s13+$0xFFFFFFA0] =	vst v0  }
0x3d: {  	[tilespmem:s13+$0xFFFFFF90] =	vst v0  }
0x3e: {  	[tilespmem:s13+$0xFFFFFF80] =	vst v0  }
0x3f: {  	[tilespmem:s13+$0xFFFFFF70] =	vst v0  }
0x40: {  	[tilespmem:s13+$0xFFFFFF60] =	vst v0  }
0x41: {  	[tilespmem:s13+$0xFFFFFF50] =	vst v0  }
0x42: {  	[tilespmem:s13+$0xFFFFFF40] =	vst v0  }
0x43: {  	[tilespmem:s13+$0xFFFFFF30] =	vst v0  }
0x44: {  	s8 =	simm.s32 $0x0;
	[tilespmem:s13+$0xFFFFFF20] =	vst v0  }
.LBB2_2:
0x45: {  	s8 =	sadd.s32 $0x4, s8;
	[tilespmem:s13+$0xFFFFFF10] =	vst v0;
	s13 =	sadd.s32 $0x200, s13  }
0x46: {  	[tilespmem:s13+$0xFFFFFF00] =	vst v0;
	p0 =	slt.u32 s8, $0xB4  }
0x47: {  	[tilespmem:s13+$0xF0] =	vst v0  }
0x48: {  	[tilespmem:s13+$0xE0] =	vst v0  }
0x49: {  	[tilespmem:s13+$0xD0] =	vst v0  }
0x4a: {  	[tilespmem:s13+$0xC0] =	vst v0  }
0x4b: {  	[tilespmem:s13+$0xB0] =	vst v0  }
0x4c: {  	[tilespmem:s13+$0xA0] =	vst v0  }
0x4d: {  	[tilespmem:s13+$0x90] =	vst v0  }
0x4e: {  	[tilespmem:s13+$0x80] =	vst v0  }
0x4f: {  	[tilespmem:s13+$0x70] =	vst v0  }
0x50: {  	[tilespmem:s13+$0x60] =	vst v0  }
0x51: {  	[tilespmem:s13+$0x50] =	vst v0  }
0x52: {  	[tilespmem:s13+$0x40] =	vst v0  }
0x53: {  	[tilespmem:s13+$0x30] =	vst v0  }
0x54: {  	[tilespmem:s13+$0x20] =	vst v0  }
0x55: {  	[tilespmem:s13+$0x10] =	vst v0  }
0x56: {  	[tilespmem:s13+$0x0] =	vst v0  }
0x57: {  	[tilespmem:s13+$0xFFFFFFF0] =	vst v0  }
0x58: {  	[tilespmem:s13+$0xFFFFFFE0] =	vst v0  }
0x59: {  	[tilespmem:s13+$0xFFFFFFD0] =	vst v0  }
0x5a: {  	[tilespmem:s13+$0xFFFFFFC0] =	vst v0  }
0x5b: {  	[tilespmem:s13+$0xFFFFFFB0] =	vst v0  }
0x5c: {  	[tilespmem:s13+$0xFFFFFFA0] =	vst v0  }
0x5d: {  	[tilespmem:s13+$0xFFFFFF90] =	vst v0  }
0x5e: {  	[tilespmem:s13+$0xFFFFFF80] =	vst v0  }
0x5f: {  	[tilespmem:s13+$0xFFFFFF70] =	vst v0  }
.Ltmp0:
0x60: {  	[tilespmem:s13+$0xFFFFFF60] =	vst v0;
	(pc) =	sbr.rel @p0 .LBB2_2-.Ltmp0, $4  }
0x61: {  	[tilespmem:s13+$0xFFFFFF50] =	vst v0  }
0x62: {  	[tilespmem:s13+$0xFFFFFF40] =	vst v0  }
0x63: {  	[tilespmem:s13+$0xFFFFFF30] =	vst v0  }
0x64: {  	[tilespmem:s13+$0xFFFFFF20] =	vst v0  }
0x65: {  	[tilespmem:s13+$0xFFFFFF10] =	vst v0  }
0x66: {  	[spmem:s9] =	stream.linear.scatter [tilespmem:s26], [sflag:$0x7], $0x5C00, $0x38;
	[tilespmem:$0x1FC80] =	vst v63  }
0x67: {  	_ =	swait.ge [sflag:s28], $0x5C00  }
0x68: {  	[sflag:s28] =	ssyncset.done $0x0  }
0x69: {  	s8 =	rddreg [dreg:$0x6];
	[sflag:s28] =	ssyncadd.s32 $0xFFFFA400  }
0x6a: {  	[spmem:s8] =	stream.linear.scatter [tilespmem:s26], [sflag:$0x7], $0x5C00, $0x38;
	[tilespmem:$0x1FC80] =	vst v63  }
0x6b: {  	_ =	swait.ge [sflag:s28], $0x5C00  }
0x6c: {  	[sflag:s28] =	ssyncset.done $0x0  }
0x6d: {  	s17 =	rddreg [dreg:$0x7];
	[sflag:s28] =	ssyncadd.s32 $0xFFFFA400  }
0x6e: {  	[spmem:s17] =	stream.linear.scatter [tilespmem:s26], [sflag:$0x7], $0x5C00, $0x38;
	[tilespmem:$0x1FC80] =	vst v63  }
0x6f: {  	_ =	swait.ge [sflag:s28], $0x5C00  }
0x70: {  	[sflag:s28] =	ssyncset.done $0x0  }
0x71: {  	s13 =	rddreg [dreg:$0x8];
	[sflag:s28] =	ssyncadd.s32 $0xFFFFA400  }
0x72: {  	[spmem:s13] =	stream.linear.scatter [tilespmem:s26], [sflag:$0x7], $0x2C00, $0x38;
	[tilespmem:$0x1FC80] =	vst v63  }
0x73: {  	_ =	swait.ge [sflag:s28], $0x2C00  }
0x74: {  	[sflag:s28] =	ssyncset.done $0x0  }
0x75: {  	[sflag:s28] =	ssyncadd.s32 $0xFFFFD400  }
0x76: {  	s14 =	sadd.s32 $0x0, s21;
	[bflag:$0x0] =	sbarrier.arrive $0xFFFF  }
0x77: {  	[tilespmem:s29], [sflag:$0x2] =	stream.linear.gather [hbm4b:s14+s4], $0xB8, $0x38;
	[tilespmem:$0x1FC80] =	vst v63  }
0x78: {  	s15 =	sadd.s32 $0x0, s20  }
0x79: {  	[tilespmem:s30], [sflag:$0x2] =	stream.linear.gather [hbm4b:s15+s4], $0xB8, $0x38;
	[tilespmem:$0x1FC80] =	vst v63  }
0x7a: {  	_ =	swait.ge [sflag:s31], $0x5C00  }
0x7b: {  	[sflag:s31] =	ssyncset.done $0x0  }
0x7c: {  	[sflag:s31] =	ssyncadd.s32 $0xFFFFA400  }
0x7d: {  	[spmem:s2] =	stream.indirect.scatter.add.f32 [tilespmem:s25], [sflag:$0x5], $0x80, s22, s24, $0xb8;
	[tilespmem:$0x1FC80] =	vst v63  }
0x7e: {  	_ =	swait.ge [sflag:s0], $0xB8  }
0x7f: {  	[sflag:s0] =	ssyncset.done $0x0  }
0x80: {  	[sflag:s0] =	ssyncadd.s32 $0xFFFFFF48  }
0x81: {  	_ =	swait.ge [sflag:s0], $0xB8  }
0x82: {  	[sflag:s0] =	ssyncset.done $0x0  }
0x83: {  	[sflag:s0] =	ssyncadd.s32 $0xFFFFFF48  }
0x84: {  	[tilespmem:s26], [sflag:$0x4] =	stream.indirect.gather [hbm4b:s5+s24], $0x80, s29, s24, $0xb8;
	[tilespmem:$0x1FC80] =	vst v63  }
0x85: {  	_ =	swait.ge [sflag:s3], $0x5C00  }
0x86: {  	s16 =	sshrl.u32 s19, $0x3;
	[sflag:s3] =	ssyncset.done $0x0  }
0x87: {  	s17 =	sadd.s32 s6, s16;
	[sflag:s3] =	ssyncadd.s32 $0xFFFFA400  }
0x88: {  	[tilespmem:s4], [sflag:$0x1] =	stream.linear.gather [hbm4b:s17+s4], $0xB8, $0x38;
	[tilespmem:$0x1FC80] =	vst v63  }
0x89: {  	s8 =	sadd.s32 s1, s16  }
0x8a: {  	[tilespmem:s22], [sflag:$0x1] =	stream.linear.gather [hbm4b:s8+s4], $0xB8, $0x38;
	[tilespmem:$0x1FC80] =	vst v63  }
0x8b: {  	_ =	swait.ge [sflag:s7], $0x5C00  }
0x8c: {  	[sflag:s7] =	ssyncset.done $0x0  }
0x8d: {  	[sflag:s7] =	ssyncadd.s32 $0xFFFFA400  }
0x8e: {  	[spmem:s2] =	stream.indirect.scatter.add.f32 [tilespmem:s26], [sflag:$0x6], $0x80, s30, s24, $0xb8;
	[tilespmem:$0x1FC80] =	vst v63  }
0x8f: {  	_ =	swait.ge [sflag:s23], $0xB8  }
0x90: {  	[sflag:s23] =	ssyncset.done $0x0  }
0x91: {  	[sflag:s23] =	ssyncadd.s32 $0xFFFFFF48  }
0x92: {  	_ =	swait.ge [sflag:s23], $0xB8  }
0x93: {  	[sflag:s23] =	ssyncset.done $0x0  }
0x94: {  	[sflag:s23] =	ssyncadd.s32 $0xFFFFFF48  }
0x95: {  	[tilespmem:s25], [sflag:$0x3] =	stream.indirect.gather [hbm4b:s5+s24], $0x80, s4, s24, $0xb8;
	[tilespmem:$0x1FC80] =	vst v63  }
0x96: {  	s13 =	sadd.s32 $0x170, s19;
	_ =	swait.ge [sflag:s10], $0x5C00  }
0x97: {  	s14 =	simm.s32 $0x2E;
	s8 =	simm.s32 $0x5C;
	[sflag:s10] =	ssyncset.done $0x0  }
.LBB2_4:
0x98: {  	s16 =	sadd.s32 s14, s21  }
0x99: {  	[sflag:s10] =	ssyncadd.s32 $0xFFFFA400;
	s17 =	smov.u32 s8;
	s15 =	sadd.s32 $0x2E, s8  }
0x9a: {  	[tilespmem:s29], [sflag:$0x2] =	stream.linear.gather [hbm4b:s16+s4], $0xB8, $0x38;
	[tilespmem:$0x1FC80] =	vst v63  }
0x9b: {  	p0 =	sne.s32 s8, $0x47E;
	s8 =	sadd.s32 s14, s20;
	s14 =	smov.u32 s17  }
0x9c: {  	[tilespmem:s30], [sflag:$0x2] =	stream.linear.gather [hbm4b:s8+s4], $0xB8, $0x38;
	[tilespmem:$0x1FC80] =	vst v63  }
0x9d: {  	_ =	swait.ge [sflag:s31], $0x5C00  }
0x9e: {  	[sflag:s31] =	ssyncset.done $0x0  }
0x9f: {  	[sflag:s31] =	ssyncadd.s32 $0xFFFFA400  }
0xa0: {  	[spmem:s2] =	stream.indirect.scatter.add.f32 [tilespmem:s25], [sflag:$0x5], $0x80, s22, s24, $0xb8;
	[tilespmem:$0x1FC80] =	vst v63  }
0xa1: {  	_ =	swait.ge [sflag:s0], $0xB8  }
0xa2: {  	[sflag:s0] =	ssyncset.done $0x0  }
0xa3: {  	[sflag:s0] =	ssyncadd.s32 $0xFFFFFF48  }
0xa4: {  	_ =	swait.ge [sflag:s0], $0xB8  }
0xa5: {  	[sflag:s0] =	ssyncset.done $0x0  }
0xa6: {  	[sflag:s0] =	ssyncadd.s32 $0xFFFFFF48  }
0xa7: {  	[tilespmem:s26], [sflag:$0x4] =	stream.indirect.gather [hbm4b:s5+s24], $0x80, s29, s24, $0xb8;
	[tilespmem:$0x1FC80] =	vst v63  }
0xa8: {  	_ =	swait.ge [sflag:s3], $0x5C00  }
0xa9: {  	s8 =	sshrl.u32 s13, $0x3;
	[sflag:s3] =	ssyncset.done $0x0  }
0xaa: {  	s16 =	sadd.s32 s6, s8;
	[sflag:s3] =	ssyncadd.s32 $0xFFFFA400  }
0xab: {  	[tilespmem:s4], [sflag:$0x1] =	stream.linear.gather [hbm4b:s16+s4], $0xB8, $0x38;
	[tilespmem:$0x1FC80] =	vst v63  }
0xac: {  	s8 =	sadd.s32 s1, s8  }
0xad: {  	[tilespmem:s22], [sflag:$0x1] =	stream.linear.gather [hbm4b:s8+s4], $0xB8, $0x38;
	[tilespmem:$0x1FC80] =	vst v63  }
0xae: {  	_ =	swait.ge [sflag:s7], $0x5C00  }
0xaf: {  	[sflag:s7] =	ssyncset.done $0x0  }
0xb0: {  	[sflag:s7] =	ssyncadd.s32 $0xFFFFA400  }
0xb1: {  	[spmem:s2] =	stream.indirect.scatter.add.f32 [tilespmem:s26], [sflag:$0x6], $0x80, s30, s24, $0xb8;
	[tilespmem:$0x1FC80] =	vst v63  }
0xb2: {  	_ =	swait.ge [sflag:s23], $0xB8  }
0xb3: {  	[sflag:s23] =	ssyncset.done $0x0  }
0xb4: {  	[sflag:s23] =	ssyncadd.s32 $0xFFFFFF48  }
0xb5: {  	_ =	swait.ge [sflag:s23], $0xB8  }
.Ltmp1:
0xb6: {  	[sflag:s23] =	ssyncset.done $0x0;
	(pc) =	sbr.rel @p0 .LBB2_4-.Ltmp1, $4  }
0xb7: {  	[sflag:s23] =	ssyncadd.s32 $0xFFFFFF48  }
0xb8: {  	[tilespmem:s25], [sflag:$0x3] =	stream.indirect.gather [hbm4b:s5+s24], $0x80, s4, s24, $0xb8;
	[tilespmem:$0x1FC80] =	vst v63  }
0xb9: {  	_ =	swait.ge [sflag:s10], $0x5C00  }
0xba: {  	s13 =	sadd.s32 $0x170, s13;
	s8 =	smov.u32 s15;
	[sflag:s10] =	ssyncset.done $0x0  }
0xbb: {  	s8 =	sadd.s32 s14, s21;
	[sflag:s10] =	ssyncadd.s32 $0xFFFFA400  }
0xbc: {  	[tilespmem:s29], [sflag:$0x2] =	stream.linear.gather [hbm4b:s8+s4], $0xB8, $0x38;
	[tilespmem:$0x1FC80] =	vst v63  }
0xbd: {  	s16 =	sadd.s32 s14, s20  }
0xbe: {  	[tilespmem:s30], [sflag:$0x2] =	stream.linear.gather [hbm4b:s16+s4], $0xB8, $0x38;
	[tilespmem:$0x1FC80] =	vst v63  }
0xbf: {  	_ =	swait.ge [sflag:s31], $0x5C00  }
0xc0: {  	[sflag:s31] =	ssyncset.done $0x0  }
0xc1: {  	[sflag:s31] =	ssyncadd.s32 $0xFFFFA400  }
0xc2: {  	[spmem:s2] =	stream.indirect.scatter.add.f32 [tilespmem:s25], [sflag:$0x5], $0x80, s22, s24, $0xb8;
	[tilespmem:$0x1FC80] =	vst v63  }
0xc3: {  	_ =	swait.ge [sflag:s0], $0xB8  }
0xc4: {  	[sflag:s0] =	ssyncset.done $0x0  }
0xc5: {  	[sflag:s0] =	ssyncadd.s32 $0xFFFFFF48  }
0xc6: {  	_ =	swait.ge [sflag:s0], $0xB8  }
0xc7: {  	[sflag:s0] =	ssyncset.done $0x0  }
0xc8: {  	[sflag:s0] =	ssyncadd.s32 $0xFFFFFF48  }
0xc9: {  	[tilespmem:s26], [sflag:$0x4] =	stream.indirect.gather [hbm4b:s5+s24], $0x80, s29, s24, $0xb8;
	[tilespmem:$0x1FC80] =	vst v63  }
0xca: {  	_ =	swait.ge [sflag:s3], $0x5C00  }
0xcb: {  	s17 =	sshrl.u32 s13, $0x3;
	[sflag:s3] =	ssyncset.done $0x0  }
0xcc: {  	s13 =	sadd.s32 s6, s17;
	[sflag:s3] =	ssyncadd.s32 $0xFFFFA400  }
0xcd: {  	[tilespmem:s4], [sflag:$0x1] =	stream.linear.gather [hbm4b:s13+s4], $0xB8, $0x38;
	[tilespmem:$0x1FC80] =	vst v63  }
0xce: {  	s8 =	sadd.s32 s1, s17  }
0xcf: {  	[tilespmem:s22], [sflag:$0x1] =	stream.linear.gather [hbm4b:s8+s4], $0xB8, $0x38;
	[tilespmem:$0x1FC80] =	vst v63  }
0xd0: {  	_ =	swait.ge [sflag:s7], $0x5C00  }
0xd1: {  	[sflag:s7] =	ssyncset.done $0x0  }
0xd2: {  	[sflag:s7] =	ssyncadd.s32 $0xFFFFA400  }
0xd3: {  	[spmem:s2] =	stream.indirect.scatter.add.f32 [tilespmem:s26], [sflag:$0x6], $0x80, s30, s24, $0xb8;
	[tilespmem:$0x1FC80] =	vst v63  }
0xd4: {  	_ =	swait.ge [sflag:s23], $0xB8  }
0xd5: {  	[sflag:s23] =	ssyncset.done $0x0  }
0xd6: {  	[sflag:s23] =	ssyncadd.s32 $0xFFFFFF48  }
0xd7: {  	_ =	swait.ge [sflag:s23], $0xB8  }
0xd8: {  	[sflag:s23] =	ssyncset.done $0x0  }
0xd9: {  	[sflag:s23] =	ssyncadd.s32 $0xFFFFFF48  }
0xda: {  	[tilespmem:s25], [sflag:$0x3] =	stream.indirect.gather [hbm4b:s5+s24], $0x80, s4, s24, $0xb8;
	[tilespmem:$0x1FC80] =	vst v63  }
0xdb: {  	_ =	swait.ge [sflag:s10], $0x5C00  }
0xdc: {  	[sflag:s10] =	ssyncset.done $0x0  }
0xdd: {  	s13 =	rddreg [dreg:$0xd];
	[sflag:s10] =	ssyncadd.s32 $0xFFFFA400  }
0xde: {  	[tilespmem:s29], [sflag:$0x2] =	stream.linear.gather [hbm4b:s13+s4], $0xB8, $0x38;
	[tilespmem:$0x1FC80] =	vst v63  }
0xdf: {  	_ = 	snop  }
0xe0: {  	[tilespmem:s30], [sflag:$0x2] =	stream.linear.gather [hbm4b:s18+s4], $0xB8, $0x38;
	[tilespmem:$0x1FC80] =	vst v63  }
0xe1: {  	_ =	swait.ge [sflag:s31], $0x5C00  }
0xe2: {  	[sflag:s31] =	ssyncset.done $0x0  }
0xe3: {  	[sflag:s31] =	ssyncadd.s32 $0xFFFFA400  }
0xe4: {  	[spmem:s2] =	stream.indirect.scatter.add.f32 [tilespmem:s25], [sflag:$0x5], $0x80, s22, s24, $0xb8;
	[tilespmem:$0x1FC80] =	vst v63  }
0xe5: {  	_ =	swait.ge [sflag:s0], $0xB8  }
0xe6: {  	[sflag:s0] =	ssyncset.done $0x0  }
0xe7: {  	[sflag:s0] =	ssyncadd.s32 $0xFFFFFF48  }
0xe8: {  	_ =	swait.ge [sflag:s0], $0xB8  }
0xe9: {  	[sflag:s0] =	ssyncset.done $0x0  }
0xea: {  	[sflag:s0] =	ssyncadd.s32 $0xFFFFFF48  }
0xeb: {  	[tilespmem:s26], [sflag:$0x4] =	stream.indirect.gather [hbm4b:s5+s24], $0x80, s29, s24, $0xb8;
	[tilespmem:$0x1FC80] =	vst v63  }
0xec: {  	_ =	swait.ge [sflag:s3], $0x5C00  }
0xed: {  	[sflag:s3] =	ssyncset.done $0x0  }
0xee: {  	[sflag:s3] =	ssyncadd.s32 $0xFFFFA400  }
0xef: {  	_ =	swait.ge [sflag:s7], $0x5C00  }
0xf0: {  	[sflag:s7] =	ssyncset.done $0x0  }
0xf1: {  	[sflag:s7] =	ssyncadd.s32 $0xFFFFA400  }
0xf2: {  	[spmem:s2] =	stream.indirect.scatter.add.f32 [tilespmem:s26], [sflag:$0x6], $0x80, s30, s24, $0xb8;
	[tilespmem:$0x1FC80] =	vst v63  }
0xf3: {  	_ =	swait.ge [sflag:s10], $0x5C00  }
0xf4: {  	[sflag:s10] =	ssyncset.done $0x0  }
0xf5: {  	s14 =	rddreg [dreg:$0x9];
	[sflag:s10] =	ssyncadd.s32 $0xFFFFA400  }
0xf6: {  	[tilespmem:s4], [sflag:$0x7] =	stream.linear.gather [hbm4b:s14+s4], $0xB8, $0x38;
	[tilespmem:$0x1FC80] =	vst v63  }
0xf7: {  	_ =	swait.ge [sflag:s28], $0xB8  }
0xf8: {  	[sflag:s28] =	ssyncset.done $0x0  }
0xf9: {  	s15 =	rddreg [dreg:$0xa];
	[sflag:s28] =	ssyncadd.s32 $0xFFFFFF48  }
0xfa: {  	[tilespmem:s11], [sflag:$0x7] =	stream.linear.gather [hbm4b:s15+s4], $0x40, $0x38;
	[tilespmem:$0x1FC80] =	vst v63  }
0xfb: {  	_ =	swait.ge [sflag:s28], $0x40  }
0xfc: {  	[sflag:s28] =	ssyncset.done $0x0  }
0xfd: {  	[sflag:s28] =	ssyncadd.s32 $0xFFFFFFC0  }
0xfe: {  	[tilespmem:s25], [sflag:$0x3] =	stream.indirect.gather [hbm4b:s5+s24], $0x80, s4, s24, $0xb8;
	[tilespmem:$0x1FC80] =	vst v63  }
0xff: {  	_ =	swait.ge [sflag:s31], $0x5C00  }
0x100: {  	[sflag:s31] =	ssyncset.done $0x0  }
0x101: {  	s17 =	simm.s32 $0x4080;
	s16 =	simm.s32 $0x40;
	[sflag:s31] =	ssyncadd.s32 $0xFFFFA400  }
0x102: {  	[spmem:s2] =	stream.indirect.scatter.add.f32 [tilespmem:s17], [sflag:$0x7], $0x80, s11, s16, $0xb8;
	[tilespmem:$0x1FC80] =	vst v63  }
0x103: {  	_ =	swait.ge [sflag:s28], $0x2000  }
0x104: {  	[sflag:s28] =	ssyncset.done $0x0  }
0x105: {  	s14 =	stileid.u32;
	[sflag:s28] =	ssyncadd.s32 $0xFFFFE000  }
0x106: {  	s8 =	sshll.u32 s14, $0x6;
	[bflag:$0x0] =	sbarrier.arrive $0xFFFF  }
0x107: {  	s8 =	sor.u32 $0x1C07, s8;
	s15 =	sshrl.u32 s9, $0x3;
	s16 =	rddreg [dreg:$0xb]  }
0x108: {  	[hbm:s16], [sflag:s8] =	dma.local [spmem:s15], $0x2800  }
0x109: {  	_ =	swait.ge [sflag:s28], $0x2800  }
0x10a: {  	s12 =	sadd.s32 $0x1, s12;
	s17 =	rddreg [dreg:$0xc]  }
0x10b: {  	p0 =	sne.s32 s12, s17  }
.Ltmp2:
0x10c: {  	_ = 	snop;
	(pc) =	sbr.rel @p0 .LBB2_1-.Ltmp2, $3  }
0x10d: {  	_ =	sdelay $0x1  }
0x10e: {  	[sflag:s28] =	ssyncset.done $0x0  }
0x10f: {  	[sflag:s28] =	ssyncadd.s32 $0xFFFFD800  }
0x110: {  	_ =	sfence.sel $0x180000  }
0x111: {  	[bflag:$0x0] =	sbarrier.arrive $0xFFFF  }
0x112: {  	_ =	strace $0x9000004D  }
0x113: {  	s0 =	stileid.u32;
	[bflag:$0x2] =	sbarrier.arrive $0xFFFF  }
0x114: {  	p0 =	sne.s32 s0, $0x0;
	s0 =	rddreg [dreg:$0x3]  }
0x115: {  	s0 =	sadd.s32 @!p0 $0x100000, s0  }
0x116: {  	[sflag:s0] =	ssyncadd.tile.s32 @!p0 $0x1;
	_ =	shalt  }
.Lfunc_end2:
_tile_overlayer_lowered:
.L_overlay_start_2:
0x117: {  	(tag) =	ssettag $0x2  }
0x118: {  	s0 =	rddreg [dreg:$0x0];
	s2 =	stileid.u32  }
0x119: {  	s1 =	rddreg [dreg:$0x1];
	p0 =	sne.s32 s2, $0x0  }
0x11a: {  	s3 =	rddreg [dreg:$0x2];
	[bflag:$0x3] =	sbarrier.arrive $0xFFFF;
	s2 =	simm.s32 @!p0 $0x1C07  }
0x11b: {  	[timem:s3], [sflag:s2] =	dma.local @!p0 [hbm:s0], s1  }
0x11c: {  	s0 =	simm.s32 @!p0 $0x7  }
0x11d: {  	_ =	swait.ge @!p0 [sflag:s0], s1  }
0x11e: {  	s1 =	ssub.s32 @!p0 $0x0, s1;
	[sflag:s0] =	ssyncset.done @!p0 $0x0  }
0x11f: {  	[sflag:s0] =	ssyncadd.s32 @!p0 s1  }
0x120: {  	[bflag:$0x3] =	sbarrier.arrive $0xFFFF  }
0x121: {  	_ =	shalt  }

// kernel: kernel.9.cloned.1.call-start
scs
__scs_entry_jumppad:
0x0: {  	(pc) =	sbr.rel $0x88, $3  }
0x1: {  	(tag) =	ssettag $0x0;
	lr =	simm.s32 $0x1  }
0x2: {  	[smem:$0x3F99] =	sst lr;
	_ =	strace $0xD0000000  }
0x3: {  	_ = 	snop  }
0x4: {  	_ = 	snop  }
0x5: {  	_ = 	snop  }
0x6: {  	_ = 	snop  }
0x7: {  	_ = 	snop  }
__scs_overlays_trampoline_lowered:
0x8: {  	[smem:$0x3FA8] =	sst s0  }
0x9: {  	[smem:$0x3FA9] =	sst s1  }
0xa: {  	[smem:$0x3FAA] =	sst s2  }
0xb: {  	[smem:$0x3FAB] =	sst s3  }
0xc: {  	[smem:$0x3FAC] =	sst s4  }
0xd: {  	[smem:$0x3FAD] =	sst s5  }
0xe: {  	[smem:$0x3FAE] =	sst s6  }
0xf: {  	[smem:$0x3FAF] =	sst s7  }
0x10: {  	[smem:$0x3FB0] =	sst s8  }
0x11: {  	[smem:$0x3FB1] =	sst s9;
	s0 =	simm.s32 @!p0 $0x0  }
0x12: {  	s1 =	sld [smem:$0x3F97];
	s0 =	simm.s32 @p0 $0x1  }
0x13: {  	[smem:$0x3FB2] =	sst s0;
	s0 =	simm.s32 @!p1 $0x0  }
0x14: {  	s2 =	sld [smem:$0x3F96];
	s0 =	simm.s32 @p1 $0x1  }
0x15: {  	[smem:$0x3FB3] =	sst s0;
	s0 =	simm.s32 @!p2 $0x0  }
0x16: {  	s3 =	sld [smem:$0x3FDB];
	s0 =	simm.s32 @p2 $0x1  }
0x17: {  	s4 =	simm.s32 $0x1BF5;
	[smem:$0x3FB5] =	sst s0  }
0x18: {  	s0 =	sld [smem:$0x3F98];
	_ =	swait.ge [sflag:s4], $0x0  }
0x19: {  	s7 =	sld [smem:$0x3F99]  }
0x1a: {  	s8 =	sadd.s32 $0xFFFFE003, lr  }
0x1b: {  	s9 =	sadd.s32 $0xFFFFFEF7, lr;
	s5 =	simm.s32 $0xFFFFFFFF;
	p2 =	slt.u32 s8, $0xFFFFF086  }
0x1c: {  	p1 =	slt.u32 s9, $0xF7A;
	s5 =	simm.s32 @!p2 $0x0  }
0x1d: {  	s5 =	simm.s32 @p1 $0x1;
	p0 =	seq.s32 s7, s2  }
0x1e: {  	s7 =	smul.u32 @!p0 $0xF7A, s2;
	p2 =	seq.s32 @!p0 s5, $0x0  }
0x1f: {  	s9 =	smul.u32 $0xF7A, s1;
	s8 =	simm.s32 @!p0 $0x1BF5;
	p2 =	por !p2, p0  }
0x20: {  	[sflag:s8] =	ssyncset.s32 @!p0 $0xFFFFF086;
	s6 =	sadd.s32 @!p0 s3, s7;
	s7 =	simm.s32 @!p0 $0x108  }
0x21: {  	s3 =	sadd.s32 s3, s9;
	s6 =	sadd.s32 @!p0 $0x88, s6;
	s7 =	simm.s32 @p2 $0x1082  }
0x22: {  	[simem:s7], [sflag:s8] =	dma.local @!p0 [hbm:s6], $0xF7A  }
0x23: {  	s9 =	sor.u32 $0xD0000000, s2;
	s6 =	simm.s32 $0x108;
	_ =	swait.ge @!p0 [sflag:s8], $0x0  }
0x24: {  	s3 =	sadd.s32 $0x88, s3;
	s6 =	simm.s32 @!p1 $0x1082;
	[sflag:s4] =	ssyncset.s32 $0xFFFFF086  }
0x25: {  	[simem:s6], [sflag:s4] =	dma.local [hbm:s3], $0xF7A  }
0x26: {  	[smem:$0x3F99] =	sst s1;
	(tag) =	ssettag s2;
	_ =	strace s9  }
0x27: {  	s1 =	sld [smem:$0x3FA9]  }
0x28: {  	s2 =	sld [smem:$0x3FAA]  }
0x29: {  	s4 =	sld [smem:$0x3FAC]  }
0x2a: {  	p0 =	seq.s32 s5, $0x0;
	s5 =	sld [smem:$0x3FAD]  }
0x2b: {  	s6 =	sld [smem:$0x3FAE]  }
0x2c: {  	s7 =	sld [smem:$0x3FAF]  }
0x2d: {  	s3 =	simm.s32 $0x108;
	s8 =	sld [smem:$0x3FB0]  }
0x2e: {  	s3 =	simm.s32 @!p0 $0x1082;
	s9 =	sld [smem:$0x3FB1]  }
0x2f: {  	lr =	sadd.s32 s0, s3;
	s0 =	sld [smem:$0x3FA8]  }
0x30: {  	s3 =	sld [smem:$0x3FAB]  }
0x31: {  	[smem:$0x3FB4] =	sst s10  }
0x32: {  	s10 =	sld [smem:$0x3FB2];
	_ =	sdelay $0x3  }
0x33: {  	p0 =	seq.s32 s10, $0x1;
	s10 =	sld [smem:$0x3FB4];
	_ =	sdelay $0x3  }
0x34: {  	[smem:$0x3FB4] =	sst s10  }
0x35: {  	s10 =	sld [smem:$0x3FB3];
	_ =	sdelay $0x3  }
0x36: {  	p1 =	seq.s32 s10, $0x1;
	s10 =	sld [smem:$0x3FB4];
	_ =	sdelay $0x3  }
0x37: {  	[smem:$0x3FB4] =	sst s10  }
0x38: {  	s10 =	sld [smem:$0x3FB5]  }
0x39: {  	_ = 	snop;
	(pc) =	sbr.ind lr, $3  }
0x3a: {  	_ = 	snop  }
0x3b: {  	_ = 	snop  }
0x3c: {  	p2 =	seq.s32 s10, $0x1;
	s10 =	sld [smem:$0x3FB4]  }
0x3d: {  	_ =	shalt  }
0x3e: {  	_ =	shalt  }
0x3f: {  	_ =	shalt  }
0x40: {  	_ =	shalt  }
0x41: {  	_ =	shalt  }
0x42: {  	_ =	shalt  }
0x43: {  	_ =	shalt  }
0x44: {  	_ =	shalt  }
0x45: {  	_ =	shalt  }
0x46: {  	_ =	shalt  }
0x47: {  	_ =	shalt  }
0x48: {  	_ =	shalt  }
0x49: {  	_ =	shalt  }
0x4a: {  	_ =	shalt  }
0x4b: {  	_ =	shalt  }
0x4c: {  	_ =	shalt  }
0x4d: {  	_ =	shalt  }
0x4e: {  	_ =	shalt  }
0x4f: {  	_ =	shalt  }
0x50: {  	_ =	shalt  }
0x51: {  	_ =	shalt  }
0x52: {  	_ =	shalt  }
0x53: {  	_ =	shalt  }
0x54: {  	_ =	shalt  }
0x55: {  	_ =	shalt  }
0x56: {  	_ =	shalt  }
0x57: {  	_ =	shalt  }
0x58: {  	_ =	shalt  }
0x59: {  	_ =	shalt  }
0x5a: {  	_ =	shalt  }
0x5b: {  	_ =	shalt  }
0x5c: {  	_ =	shalt  }
0x5d: {  	_ =	shalt  }
0x5e: {  	_ =	shalt  }
0x5f: {  	_ =	shalt  }
0x60: {  	_ =	shalt  }
0x61: {  	_ =	shalt  }
0x62: {  	_ =	shalt  }
0x63: {  	_ =	shalt  }
0x64: {  	_ =	shalt  }
0x65: {  	_ =	shalt  }
0x66: {  	_ =	shalt  }
0x67: {  	_ =	shalt  }
0x68: {  	_ =	shalt  }
0x69: {  	_ =	shalt  }
0x6a: {  	_ =	shalt  }
0x6b: {  	_ =	shalt  }
0x6c: {  	_ =	shalt  }
0x6d: {  	_ =	shalt  }
0x6e: {  	_ =	shalt  }
0x6f: {  	_ =	shalt  }
0x70: {  	_ =	shalt  }
0x71: {  	_ =	shalt  }
0x72: {  	_ =	shalt  }
0x73: {  	_ =	shalt  }
0x74: {  	_ =	shalt  }
0x75: {  	_ =	shalt  }
0x76: {  	_ =	shalt  }
0x77: {  	_ =	shalt  }
0x78: {  	_ =	shalt  }
0x79: {  	_ =	shalt  }
0x7a: {  	_ =	shalt  }
0x7b: {  	_ =	shalt  }
0x7c: {  	_ =	shalt  }
0x7d: {  	_ =	shalt  }
0x7e: {  	_ =	shalt  }
0x7f: {  	_ =	shalt  }
0x80: {  	_ =	shalt  }
0x81: {  	_ =	shalt  }
0x82: {  	_ =	shalt  }
0x83: {  	_ =	shalt  }
0x84: {  	_ =	shalt  }
0x85: {  	_ =	shalt  }
0x86: {  	_ =	shalt  }
0x87: {  	_ =	shalt  }
.Lfunc_end0:
.L_simem_size_0:
called_computation_lowered:
.L_overlay_start_0:
0x88: {  	s2 =	sld [smem:$0x3FD9]  }
0x89: {  	s3 =	sld [smem:$0x3FFE];
	_ =	sdelay $0x1  }
0x8a: {  	s1 =	srdreg.scid  }
0x8b: {  	s0 =	sand.u32 $0x1, s1  }
0x8c: {  	s17 =	sshll.u32 s0, $0xA;
	s2 =	sadd.s32 s3, s2  }
0x8d: {  	s2 =	sadd.s32 s2, s17  }
0x8e: {  	[smem:$0x3FC0] =	sst s2  }
0x8f: {  	_ = 	snop  }
0x90: {  	s2 =	sld [smem:$0x3FD0];
	(tm) =	ssettm $0x1  }
0x91: {  	s18 =	sld [smem:$0x3FFB];
	_ =	sdelay $0x3  }
0x92: {  	_ =	strace s18  }
0x93: {  	s3 =	sld [smem:$0x3FFC];
	_ =	sdelay $0x3  }
0x94: {  	_ =	strace s3  }
0x95: {  	s3 =	sld [smem:$0x3FFD];
	_ =	sdelay $0x3  }
0x96: {  	_ =	strace s3  }
0x97: {  	_ =	strace $0x8FFFFFFF  }
0x98: {  	s19 =	sld [smem:$0x3FDB];
	_ =	sdelay $0x1  }
0x99: {  	s4 =	simm.s32 $_scs_section_size  }
0x9a: {  	s5 =	simm.s32 $_size__tile_overlayer_lowered;
	s6 =	simm.s32 $_tile_overlayer_lowered  }
0x9b: {  	s22 =	simm.s32 $0x1BFF;
	s21 =	sshll.u32 s6, $0x1;
	s3 =	sadd.s32 s4, s19  }
0x9c: {  	s7 =	simm.s32 $0x0;
	s20 =	sshll.u32 s5, $0x1;
	s5 =	sadd.s32 s21, s3  }
0x9d: {  	[timem:s7], [sflag:s22] =	dma.local [hbm:s5], s20  }
0x9e: {  	_ =	swait.ge [sflag:s22], s20  }
0x9f: {  	s4 =	ssub.s32 $0x0, s20;
	[sflag:s22] =	ssyncset.done $0x0  }
0xa0: {  	[sflag:s22] =	ssyncadd.s32 s4;
	_ =	sdelay $0x1  }
0xa1: {  	s23 =	simm.s32 $0x1B8B  }
0xa2: {  	_ =	swait.ge [sflag:s23], $0x1  }
0xa3: {  	[sflag:s23] =	ssyncset.done $0x0  }
0xa4: {  	s25 =	simm.s32 $0x1B8E;
	s24 =	sld [smem:$0x3FFE];
	[sflag:s23] =	ssyncadd.s32 $0xFFFFFFFF  }
0xa5: {  	s26 =	simm.s32 $execute0_lowered;
	[smem:$0x3FD2] =	sst s25  }
0xa6: {  	s5 =	sshll.u32 s26, $0x1;
	_ =	strace $0x80000046;
	[dreg:$0x1] =	wrdreg $0xFFFFFFFF  }
0xa7: {  	s28 =	simm.s32 $_size_execute0_lowered;
	s3 =	sadd.s32 s3, s5;
	[dreg:$0x0] =	wrdreg $0x0  }
0xa8: {  	s5 =	sshll.u32 s28, $0x1;
	[dreg:$0x2] =	wrdreg s3  }
0xa9: {  	[dreg:$0x3] =	wrdreg s5  }
0xaa: {  	[dreg:$0x4] =	wrdreg $0xC0  }
0xab: {  	_ =	task [dreg:s7], $0x5FFFF  }
0xac: {  	[dreg:$0x1] =	wrdreg $0xFFFFFFFF  }
0xad: {  	[dreg:$0x0] =	wrdreg $0x60  }
0xae: {  	[dreg:$0x2] =	wrdreg s24  }
0xaf: {  	[dreg:$0x3] =	wrdreg s2  }
0xb0: {  	[dreg:$0x4] =	wrdreg $0xBC800  }
0xb1: {  	[dreg:$0x5] =	wrdreg $0x9  }
0xb2: {  	_ =	task.clear_ibuf [dreg:s7], $0x6FFFF;
	_ =	strace $0x90000046  }
0xb3: {  	s29 =	simm.s32 $0x9;
	_ =	strace $0x80000048  }
0xb4: {  	_ =	swait.ge [sflag:s29], $0x1  }
0xb5: {  	[sflag:s29] =	ssyncadd.s32 $0xFFFFFFFF  }
0xb6: {  	_ =	strace $0x90000048  }
0xb7: {  	_ =	sfence  }
0xb8: {  	s30 =	sld [smem:$0x0];
	_ =	sdelay $0x2  }
0xb9: {  	s31 =	sshll.u32 s1, $0xD;
	s1 =	sshrl.u32 s1, $0x2  }
0xba: {  	s3 =	sand.u32 $0x4000, s31;
	s1 =	sadd.s32 s1, s30  }
0xbb: {  	s0 =	sor.u32 s3, s0;
	s1 =	sshll.u32 s1, $0x11  }
0xbc: {  	s0 =	sor.u32 s1, s0  }
0xbd: {  	s0 =	sadd.s32 $0x8F2B, s0  }
0xbe: {  	[sflag:s0] =	ssyncadd.remote.s32 $0x1  }
0xbf: {  	_ =	sfence.sel $0xFFFF  }
0xc0: {  	[dreg:$0x0] =	wrdreg $0xFFFFFFFF;
	(pc) =	sbr.abs _section_cstart, $3  }
0xc1: {  	[dreg:$0x1] =	wrdreg $0xFFFFFFFF  }
0xc2: {  	_ =	task.clear_ibuf [dreg:s7], $0x2FFFF;
	_ =	strace $0x9FFFFFFF  }
0xc3: {  	(tm) =	ssettm $0x7FFFFFFF  }
tec
execute0_lowered:
.L_overlay_start_1:
0x0: {  	(tag) =	ssettag $0x1  }
0x1: {  	s0 =	rddreg [dreg:$0x0]  }
0x2: {  	s1 =	rddreg [dreg:$0x1]  }
0x3: {  	s2 =	rddreg [dreg:$0x2];
	s4 =	simm.s32 $0x0;
	s3 =	srdreg.scid  }
0x4: {  	s12 =	stileid.u32;
	s28 =	simm.s32 $0x7;
	s29 =	simm.s32 $0x100  }
0x5: {  	s30 =	simm.s32 $0x300;
	s31 =	simm.s32 $0x3;
	s8 =	smul.u32 $0x14000, s12  }
0x6: {  	[smem:$0x7FF] =	sst s4;
	s3 =	sand.u32 $0x1, s3;
	s11 =	smul.u32 $0x50000, s12  }
0x7: {  	s5 =	sadd.s32 $0xBC00, s0;
	s6 =	sadd.s32 $0x1E00, s0;
	s18 =	smul.u32 $0x2710, s12  }
0x8: {  	s7 =	smul.u32 $0x140000, s3;
	_ =	strace $0x80000047;
	s9 =	sshll.u32 s3, $0x4  }
0x9: {  	s24 =	ssub.s32 $0x2, s3;
	s3 =	smul.u32 $0x27100, s3;
	s9 =	sor.u32 s12, s9  }
0xa: {  	s25 =	sshrl.u32 s24, $0x1;
	s15 =	sshrl.u32 s11, $0x2;
	s11 =	simm.s32 $0x400  }
0xb: {  	s12 =	simm.s32 $0x0;
	s7 =	sadd.s32 s8, s7;
	s10 =	smul.u32 $0x2710, s9  }
0xc: {  	s26 =	ssub.s32 s24, s25;
	s9 =	sadd.s32 s15, s2;
	s3 =	sadd.s32 s18, s3  }
0xd: {  	s7 =	sshrl.u32 s7, $0x3;
	s17 =	sadd.s32 $0x5C00, s9;
	s19 =	sadd.s32 $0xB800, s9  }
0xe: {  	s20 =	sadd.s32 $0x11400, s9;
	s24 =	sadd.s32 $0xB8, s3;
	[dreg:$0x6] =	wrdreg s17  }
0xf: {  	s0 =	sadd.s32 s7, s0;
	s13 =	sshrl.u32 s10, $0x3;
	[dreg:$0x7] =	wrdreg s19  }
0x10: {  	s16 =	sadd.s32 $0x2658, s10;
	[dreg:$0x8] =	wrdreg s20;
	s22 =	sadd.s32 $0x2618, s10  }
0x11: {  	s7 =	smax.u32 s26, $0x1;
	s26 =	sshrl.u32 s24, $0x3;
	s19 =	sadd.s32 $0x170, s3  }
0x12: {  	s24 =	simm.s32 $0xB8;
	s3 =	simm.s32 $0x5;
	s10 =	simm.s32 $0x6  }
0x13: {  	s14 =	sadd.s32 s6, s13;
	s13 =	sadd.s32 s1, s13;
	[dreg:$0xc] =	wrdreg s7  }
0x14: {  	s8 =	sshrl.u32 s16, $0x3;
	s0 =	sadd.s32 $0x32E00, s0;
	[dreg:$0x4] =	wrdreg s14  }
0x15: {  	s23 =	sshrl.u32 s22, $0x3;
	s20 =	sadd.s32 s26, s1;
	[dreg:$0x5] =	wrdreg s13  }
0x16: {  	s22 =	simm.s32 $0x200;
	s8 =	sadd.s32 s6, s8;
	[dreg:$0xb] =	wrdreg s0  }
0x17: {  	s7 =	simm.s32 $0x4;
	s21 =	sadd.s32 $0x4DA, s13;
	[dreg:$0x9] =	wrdreg s8  }
0x18: {  	s25 =	sadd.s32 s6, s23;
	s18 =	sadd.s32 s1, s23;
	[dreg:$0xa] =	wrdreg s21  }
0x19: {  	s23 =	simm.s32 $0x1;
	s0 =	simm.s32 $0x2;
	[dreg:$0xd] =	wrdreg s25  }
0x1a: {  	v0 =	vimm.f32 $0.0e+00;
	s21 =	sadd.s32 s26, s6;
	s25 =	simm.s32 $0x480;
	s26 =	simm.s32 $0x6080  }
.LBB2_1:
0x1b: {  	s8 =	rddreg [dreg:$0x4]  }
0x1c: {  	[tilespmem:s4], [sflag:$0x1] =	stream.linear.gather [hbm4b:s8+s4], $0xB8, $0x38;
	[tilespmem:$0x1FC80] =	vst v63  }
0x1d: {  	s17 =	rddreg [dreg:$0x5]  }
0x1e: {  	[tilespmem:s22], [sflag:$0x1] =	stream.linear.gather [hbm4b:s17+s4], $0xB8, $0x38;
	[tilespmem:$0x1FC80] =	vst v63  }
0x1f: {  	_ =	swait.ge [sflag:s23], $0xB8  }
0x20: {  	[sflag:s23] =	ssyncset.done $0x0  }
0x21: {  	[sflag:s23] =	ssyncadd.s32 $0xFFFFFF48  }
0x22: {  	_ =	swait.ge [sflag:s23], $0xB8  }
0x23: {  	[sflag:s23] =	ssyncset.done $0x0  }
0x24: {  	s13 =	simm.s32 $0x6180;
	[sflag:s23] =	ssyncadd.s32 $0xFFFFFF48  }
0x25: {  	[tilespmem:s25], [sflag:$0x3] =	stream.indirect.gather [hbm4b:s5+s24], $0x80, s4, s24, $0xb8;
	[tilespmem:$0x1FC80] =	vst v63  }
0x26: {  	[tilespmem:s13+$0xFFFFFF00] =	vst v0  }
0x27: {  	[tilespmem:s13+$0xF0] =	vst v0  }
0x28: {  	[tilespmem:s13+$0xE0] =	vst v0  }
0x29: {  	[tilespmem:s13+$0xD0] =	vst v0  }
0x2a: {  	[tilespmem:s13+$0xC0] =	vst v0  }
0x2b: {  	[tilespmem:s13+$0xB0] =	vst v0  }
0x2c: {  	[tilespmem:s13+$0xA0] =	vst v0  }
0x2d: {  	[tilespmem:s13+$0x90] =	vst v0  }
0x2e: {  	[tilespmem:s13+$0x80] =	vst v0  }
0x2f: {  	[tilespmem:s13+$0x70] =	vst v0  }
0x30: {  	[tilespmem:s13+$0x60] =	vst v0  }
0x31: {  	[tilespmem:s13+$0x50] =	vst v0  }
0x32: {  	[tilespmem:s13+$0x40] =	vst v0  }
0x33: {  	[tilespmem:s13+$0x30] =	vst v0  }
0x34: {  	[tilespmem:s13+$0x20] =	vst v0  }
0x35: {  	[tilespmem:s13+$0x10] =	vst v0  }
0x36: {  	[tilespmem:s13+$0x0] =	vst v0  }
0x37: {  	[tilespmem:s13+$0xFFFFFFF0] =	vst v0  }
0x38: {  	[tilespmem:s13+$0xFFFFFFE0] =	vst v0  }
0x39: {  	[tilespmem:s13+$0xFFFFFFD0] =	vst v0  }
0x3a: {  	[tilespmem:s13+$0xFFFFFFC0] =	vst v0  }
0x3b: {  	[tilespmem:s13+$0xFFFFFFB0] =	vst v0  }
0x3c: {  	[tilespmem:s13+$0xFFFFFFA0] =	vst v0  }
0x3d: {  	[tilespmem:s13+$0xFFFFFF90] =	vst v0  }
0x3e: {  	[tilespmem:s13+$0xFFFFFF80] =	vst v0  }
0x3f: {  	[tilespmem:s13+$0xFFFFFF70] =	vst v0  }
0x40: {  	[tilespmem:s13+$0xFFFFFF60] =	vst v0  }
0x41: {  	[tilespmem:s13+$0xFFFFFF50] =	vst v0  }
0x42: {  	[tilespmem:s13+$0xFFFFFF40] =	vst v0  }
0x43: {  	[tilespmem:s13+$0xFFFFFF30] =	vst v0  }
0x44: {  	s8 =	simm.s32 $0x0;
	[tilespmem:s13+$0xFFFFFF20] =	vst v0  }
.LBB2_2:
0x45: {  	s8 =	sadd.s32 $0x4, s8;
	[tilespmem:s13+$0xFFFFFF10] =	vst v0;
	s13 =	sadd.s32 $0x200, s13  }
0x46: {  	[tilespmem:s13+$0xFFFFFF00] =	vst v0;
	p0 =	slt.u32 s8, $0xB4  }
0x47: {  	[tilespmem:s13+$0xF0] =	vst v0  }
0x48: {  	[tilespmem:s13+$0xE0] =	vst v0  }
0x49: {  	[tilespmem:s13+$0xD0] =	vst v0  }
0x4a: {  	[tilespmem:s13+$0xC0] =	vst v0  }
0x4b: {  	[tilespmem:s13+$0xB0] =	vst v0  }
0x4c: {  	[tilespmem:s13+$0xA0] =	vst v0  }
0x4d: {  	[tilespmem:s13+$0x90] =	vst v0  }
0x4e: {  	[tilespmem:s13+$0x80] =	vst v0  }
0x4f: {  	[tilespmem:s13+$0x70] =	vst v0  }
0x50: {  	[tilespmem:s13+$0x60] =	vst v0  }
0x51: {  	[tilespmem:s13+$0x50] =	vst v0  }
0x52: {  	[tilespmem:s13+$0x40] =	vst v0  }
0x53: {  	[tilespmem:s13+$0x30] =	vst v0  }
0x54: {  	[tilespmem:s13+$0x20] =	vst v0  }
0x55: {  	[tilespmem:s13+$0x10] =	vst v0  }
0x56: {  	[tilespmem:s13+$0x0] =	vst v0  }
0x57: {  	[tilespmem:s13+$0xFFFFFFF0] =	vst v0  }
0x58: {  	[tilespmem:s13+$0xFFFFFFE0] =	vst v0  }
0x59: {  	[tilespmem:s13+$0xFFFFFFD0] =	vst v0  }
0x5a: {  	[tilespmem:s13+$0xFFFFFFC0] =	vst v0  }
0x5b: {  	[tilespmem:s13+$0xFFFFFFB0] =	vst v0  }
0x5c: {  	[tilespmem:s13+$0xFFFFFFA0] =	vst v0  }
0x5d: {  	[tilespmem:s13+$0xFFFFFF90] =	vst v0  }
0x5e: {  	[tilespmem:s13+$0xFFFFFF80] =	vst v0  }
0x5f: {  	[tilespmem:s13+$0xFFFFFF70] =	vst v0  }
.Ltmp0:
0x60: {  	[tilespmem:s13+$0xFFFFFF60] =	vst v0;
	(pc) =	sbr.rel @p0 .LBB2_2-.Ltmp0, $4  }
0x61: {  	[tilespmem:s13+$0xFFFFFF50] =	vst v0  }
0x62: {  	[tilespmem:s13+$0xFFFFFF40] =	vst v0  }
0x63: {  	[tilespmem:s13+$0xFFFFFF30] =	vst v0  }
0x64: {  	[tilespmem:s13+$0xFFFFFF20] =	vst v0  }
0x65: {  	[tilespmem:s13+$0xFFFFFF10] =	vst v0  }
0x66: {  	[spmem:s9] =	stream.linear.scatter [tilespmem:s26], [sflag:$0x7], $0x5C00, $0x38;
	[tilespmem:$0x1FC80] =	vst v63  }
0x67: {  	_ =	swait.ge [sflag:s28], $0x5C00  }
0x68: {  	[sflag:s28] =	ssyncset.done $0x0  }
0x69: {  	s8 =	rddreg [dreg:$0x6];
	[sflag:s28] =	ssyncadd.s32 $0xFFFFA400  }
0x6a: {  	[spmem:s8] =	stream.linear.scatter [tilespmem:s26], [sflag:$0x7], $0x5C00, $0x38;
	[tilespmem:$0x1FC80] =	vst v63  }
0x6b: {  	_ =	swait.ge [sflag:s28], $0x5C00  }
0x6c: {  	[sflag:s28] =	ssyncset.done $0x0  }
0x6d: {  	s17 =	rddreg [dreg:$0x7];
	[sflag:s28] =	ssyncadd.s32 $0xFFFFA400  }
0x6e: {  	[spmem:s17] =	stream.linear.scatter [tilespmem:s26], [sflag:$0x7], $0x5C00, $0x38;
	[tilespmem:$0x1FC80] =	vst v63  }
0x6f: {  	_ =	swait.ge [sflag:s28], $0x5C00  }
0x70: {  	[sflag:s28] =	ssyncset.done $0x0  }
0x71: {  	s13 =	rddreg [dreg:$0x8];
	[sflag:s28] =	ssyncadd.s32 $0xFFFFA400  }
0x72: {  	[spmem:s13] =	stream.linear.scatter [tilespmem:s26], [sflag:$0x7], $0x2C00, $0x38;
	[tilespmem:$0x1FC80] =	vst v63  }
0x73: {  	_ =	swait.ge [sflag:s28], $0x2C00  }
0x74: {  	[sflag:s28] =	ssyncset.done $0x0  }
0x75: {  	[sflag:s28] =	ssyncadd.s32 $0xFFFFD400  }
0x76: {  	s14 =	sadd.s32 $0x0, s21;
	[bflag:$0x0] =	sbarrier.arrive $0xFFFF  }
0x77: {  	[tilespmem:s29], [sflag:$0x2] =	stream.linear.gather [hbm4b:s14+s4], $0xB8, $0x38;
	[tilespmem:$0x1FC80] =	vst v63  }
0x78: {  	s15 =	sadd.s32 $0x0, s20  }
0x79: {  	[tilespmem:s30], [sflag:$0x2] =	stream.linear.gather [hbm4b:s15+s4], $0xB8, $0x38;
	[tilespmem:$0x1FC80] =	vst v63  }
0x7a: {  	_ =	swait.ge [sflag:s31], $0x5C00  }
0x7b: {  	[sflag:s31] =	ssyncset.done $0x0  }
0x7c: {  	[sflag:s31] =	ssyncadd.s32 $0xFFFFA400  }
0x7d: {  	[spmem:s2] =	stream.indirect.scatter.add.f32 [tilespmem:s25], [sflag:$0x5], $0x80, s22, s24, $0xb8;
	[tilespmem:$0x1FC80] =	vst v63  }
0x7e: {  	_ =	swait.ge [sflag:s0], $0xB8  }
0x7f: {  	[sflag:s0] =	ssyncset.done $0x0  }
0x80: {  	[sflag:s0] =	ssyncadd.s32 $0xFFFFFF48  }
0x81: {  	_ =	swait.ge [sflag:s0], $0xB8  }
0x82: {  	[sflag:s0] =	ssyncset.done $0x0  }
0x83: {  	[sflag:s0] =	ssyncadd.s32 $0xFFFFFF48  }
0x84: {  	[tilespmem:s26], [sflag:$0x4] =	stream.indirect.gather [hbm4b:s5+s24], $0x80, s29, s24, $0xb8;
	[tilespmem:$0x1FC80] =	vst v63  }
0x85: {  	_ =	swait.ge [sflag:s3], $0x5C00  }
0x86: {  	s16 =	sshrl.u32 s19, $0x3;
	[sflag:s3] =	ssyncset.done $0x0  }
0x87: {  	s17 =	sadd.s32 s6, s16;
	[sflag:s3] =	ssyncadd.s32 $0xFFFFA400  }
0x88: {  	[tilespmem:s4], [sflag:$0x1] =	stream.linear.gather [hbm4b:s17+s4], $0xB8, $0x38;
	[tilespmem:$0x1FC80] =	vst v63  }
0x89: {  	s8 =	sadd.s32 s1, s16  }
0x8a: {  	[tilespmem:s22], [sflag:$0x1] =	stream.linear.gather [hbm4b:s8+s4], $0xB8, $0x38;
	[tilespmem:$0x1FC80] =	vst v63  }
0x8b: {  	_ =	swait.ge [sflag:s7], $0x5C00  }
0x8c: {  	[sflag:s7] =	ssyncset.done $0x0  }
0x8d: {  	[sflag:s7] =	ssyncadd.s32 $0xFFFFA400  }
0x8e: {  	[spmem:s2] =	stream.indirect.scatter.add.f32 [tilespmem:s26], [sflag:$0x6], $0x80, s30, s24, $0xb8;
	[tilespmem:$0x1FC80] =	vst v63  }
0x8f: {  	_ =	swait.ge [sflag:s23], $0xB8  }
0x90: {  	[sflag:s23] =	ssyncset.done $0x0  }
0x91: {  	[sflag:s23] =	ssyncadd.s32 $0xFFFFFF48  }
0x92: {  	_ =	swait.ge [sflag:s23], $0xB8  }
0x93: {  	[sflag:s23] =	ssyncset.done $0x0  }
0x94: {  	[sflag:s23] =	ssyncadd.s32 $0xFFFFFF48  }
0x95: {  	[tilespmem:s25], [sflag:$0x3] =	stream.indirect.gather [hbm4b:s5+s24], $0x80, s4, s24, $0xb8;
	[tilespmem:$0x1FC80] =	vst v63  }
0x96: {  	s13 =	sadd.s32 $0x170, s19;
	_ =	swait.ge [sflag:s10], $0x5C00  }
0x97: {  	s14 =	simm.s32 $0x2E;
	s8 =	simm.s32 $0x5C;
	[sflag:s10] =	ssyncset.done $0x0  }
.LBB2_4:
0x98: {  	s16 =	sadd.s32 s14, s21  }
0x99: {  	[sflag:s10] =	ssyncadd.s32 $0xFFFFA400;
	s17 =	smov.u32 s8;
	s15 =	sadd.s32 $0x2E, s8  }
0x9a: {  	[tilespmem:s29], [sflag:$0x2] =	stream.linear.gather [hbm4b:s16+s4], $0xB8, $0x38;
	[tilespmem:$0x1FC80] =	vst v63  }
0x9b: {  	p0 =	sne.s32 s8, $0x47E;
	s8 =	sadd.s32 s14, s20;
	s14 =	smov.u32 s17  }
0x9c: {  	[tilespmem:s30], [sflag:$0x2] =	stream.linear.gather [hbm4b:s8+s4], $0xB8, $0x38;
	[tilespmem:$0x1FC80] =	vst v63  }
0x9d: {  	_ =	swait.ge [sflag:s31], $0x5C00  }
0x9e: {  	[sflag:s31] =	ssyncset.done $0x0  }
0x9f: {  	[sflag:s31] =	ssyncadd.s32 $0xFFFFA400  }
0xa0: {  	[spmem:s2] =	stream.indirect.scatter.add.f32 [tilespmem:s25], [sflag:$0x5], $0x80, s22, s24, $0xb8;
	[tilespmem:$0x1FC80] =	vst v63  }
0xa1: {  	_ =	swait.ge [sflag:s0], $0xB8  }
0xa2: {  	[sflag:s0] =	ssyncset.done $0x0  }
0xa3: {  	[sflag:s0] =	ssyncadd.s32 $0xFFFFFF48  }
0xa4: {  	_ =	swait.ge [sflag:s0], $0xB8  }
0xa5: {  	[sflag:s0] =	ssyncset.done $0x0  }
0xa6: {  	[sflag:s0] =	ssyncadd.s32 $0xFFFFFF48  }
0xa7: {  	[tilespmem:s26], [sflag:$0x4] =	stream.indirect.gather [hbm4b:s5+s24], $0x80, s29, s24, $0xb8;
	[tilespmem:$0x1FC80] =	vst v63  }
0xa8: {  	_ =	swait.ge [sflag:s3], $0x5C00  }
0xa9: {  	s8 =	sshrl.u32 s13, $0x3;
	[sflag:s3] =	ssyncset.done $0x0  }
0xaa: {  	s16 =	sadd.s32 s6, s8;
	[sflag:s3] =	ssyncadd.s32 $0xFFFFA400  }
0xab: {  	[tilespmem:s4], [sflag:$0x1] =	stream.linear.gather [hbm4b:s16+s4], $0xB8, $0x38;
	[tilespmem:$0x1FC80] =	vst v63  }
0xac: {  	s8 =	sadd.s32 s1, s8  }
0xad: {  	[tilespmem:s22], [sflag:$0x1] =	stream.linear.gather [hbm4b:s8+s4], $0xB8, $0x38;
	[tilespmem:$0x1FC80] =	vst v63  }
0xae: {  	_ =	swait.ge [sflag:s7], $0x5C00  }
0xaf: {  	[sflag:s7] =	ssyncset.done $0x0  }
0xb0: {  	[sflag:s7] =	ssyncadd.s32 $0xFFFFA400  }
0xb1: {  	[spmem:s2] =	stream.indirect.scatter.add.f32 [tilespmem:s26], [sflag:$0x6], $0x80, s30, s24, $0xb8;
	[tilespmem:$0x1FC80] =	vst v63  }
0xb2: {  	_ =	swait.ge [sflag:s23], $0xB8  }
0xb3: {  	[sflag:s23] =	ssyncset.done $0x0  }
0xb4: {  	[sflag:s23] =	ssyncadd.s32 $0xFFFFFF48  }
0xb5: {  	_ =	swait.ge [sflag:s23], $0xB8  }
.Ltmp1:
0xb6: {  	[sflag:s23] =	ssyncset.done $0x0;
	(pc) =	sbr.rel @p0 .LBB2_4-.Ltmp1, $4  }
0xb7: {  	[sflag:s23] =	ssyncadd.s32 $0xFFFFFF48  }
0xb8: {  	[tilespmem:s25], [sflag:$0x3] =	stream.indirect.gather [hbm4b:s5+s24], $0x80, s4, s24, $0xb8;
	[tilespmem:$0x1FC80] =	vst v63  }
0xb9: {  	_ =	swait.ge [sflag:s10], $0x5C00  }
0xba: {  	s13 =	sadd.s32 $0x170, s13;
	s8 =	smov.u32 s15;
	[sflag:s10] =	ssyncset.done $0x0  }
0xbb: {  	s8 =	sadd.s32 s14, s21;
	[sflag:s10] =	ssyncadd.s32 $0xFFFFA400  }
0xbc: {  	[tilespmem:s29], [sflag:$0x2] =	stream.linear.gather [hbm4b:s8+s4], $0xB8, $0x38;
	[tilespmem:$0x1FC80] =	vst v63  }
0xbd: {  	s16 =	sadd.s32 s14, s20  }
0xbe: {  	[tilespmem:s30], [sflag:$0x2] =	stream.linear.gather [hbm4b:s16+s4], $0xB8, $0x38;
	[tilespmem:$0x1FC80] =	vst v63  }
0xbf: {  	_ =	swait.ge [sflag:s31], $0x5C00  }
0xc0: {  	[sflag:s31] =	ssyncset.done $0x0  }
0xc1: {  	[sflag:s31] =	ssyncadd.s32 $0xFFFFA400  }
0xc2: {  	[spmem:s2] =	stream.indirect.scatter.add.f32 [tilespmem:s25], [sflag:$0x5], $0x80, s22, s24, $0xb8;
	[tilespmem:$0x1FC80] =	vst v63  }
0xc3: {  	_ =	swait.ge [sflag:s0], $0xB8  }
0xc4: {  	[sflag:s0] =	ssyncset.done $0x0  }
0xc5: {  	[sflag:s0] =	ssyncadd.s32 $0xFFFFFF48  }
0xc6: {  	_ =	swait.ge [sflag:s0], $0xB8  }
0xc7: {  	[sflag:s0] =	ssyncset.done $0x0  }
0xc8: {  	[sflag:s0] =	ssyncadd.s32 $0xFFFFFF48  }
0xc9: {  	[tilespmem:s26], [sflag:$0x4] =	stream.indirect.gather [hbm4b:s5+s24], $0x80, s29, s24, $0xb8;
	[tilespmem:$0x1FC80] =	vst v63  }
0xca: {  	_ =	swait.ge [sflag:s3], $0x5C00  }
0xcb: {  	s17 =	sshrl.u32 s13, $0x3;
	[sflag:s3] =	ssyncset.done $0x0  }
0xcc: {  	s13 =	sadd.s32 s6, s17;
	[sflag:s3] =	ssyncadd.s32 $0xFFFFA400  }
0xcd: {  	[tilespmem:s4], [sflag:$0x1] =	stream.linear.gather [hbm4b:s13+s4], $0xB8, $0x38;
	[tilespmem:$0x1FC80] =	vst v63  }
0xce: {  	s8 =	sadd.s32 s1, s17  }
0xcf: {  	[tilespmem:s22], [sflag:$0x1] =	stream.linear.gather [hbm4b:s8+s4], $0xB8, $0x38;
	[tilespmem:$0x1FC80] =	vst v63  }
0xd0: {  	_ =	swait.ge [sflag:s7], $0x5C00  }
0xd1: {  	[sflag:s7] =	ssyncset.done $0x0  }
0xd2: {  	[sflag:s7] =	ssyncadd.s32 $0xFFFFA400  }
0xd3: {  	[spmem:s2] =	stream.indirect.scatter.add.f32 [tilespmem:s26], [sflag:$0x6], $0x80, s30, s24, $0xb8;
	[tilespmem:$0x1FC80] =	vst v63  }
0xd4: {  	_ =	swait.ge [sflag:s23], $0xB8  }
0xd5: {  	[sflag:s23] =	ssyncset.done $0x0  }
0xd6: {  	[sflag:s23] =	ssyncadd.s32 $0xFFFFFF48  }
0xd7: {  	_ =	swait.ge [sflag:s23], $0xB8  }
0xd8: {  	[sflag:s23] =	ssyncset.done $0x0  }
0xd9: {  	[sflag:s23] =	ssyncadd.s32 $0xFFFFFF48  }
0xda: {  	[tilespmem:s25], [sflag:$0x3] =	stream.indirect.gather [hbm4b:s5+s24], $0x80, s4, s24, $0xb8;
	[tilespmem:$0x1FC80] =	vst v63  }
0xdb: {  	_ =	swait.ge [sflag:s10], $0x5C00  }
0xdc: {  	[sflag:s10] =	ssyncset.done $0x0  }
0xdd: {  	s13 =	rddreg [dreg:$0xd];
	[sflag:s10] =	ssyncadd.s32 $0xFFFFA400  }
0xde: {  	[tilespmem:s29], [sflag:$0x2] =	stream.linear.gather [hbm4b:s13+s4], $0xB8, $0x38;
	[tilespmem:$0x1FC80] =	vst v63  }
0xdf: {  	_ = 	snop  }
0xe0: {  	[tilespmem:s30], [sflag:$0x2] =	stream.linear.gather [hbm4b:s18+s4], $0xB8, $0x38;
	[tilespmem:$0x1FC80] =	vst v63  }
0xe1: {  	_ =	swait.ge [sflag:s31], $0x5C00  }
0xe2: {  	[sflag:s31] =	ssyncset.done $0x0  }
0xe3: {  	[sflag:s31] =	ssyncadd.s32 $0xFFFFA400  }
0xe4: {  	[spmem:s2] =	stream.indirect.scatter.add.f32 [tilespmem:s25], [sflag:$0x5], $0x80, s22, s24, $0xb8;
	[tilespmem:$0x1FC80] =	vst v63  }
0xe5: {  	_ =	swait.ge [sflag:s0], $0xB8  }
0xe6: {  	[sflag:s0] =	ssyncset.done $0x0  }
0xe7: {  	[sflag:s0] =	ssyncadd.s32 $0xFFFFFF48  }
0xe8: {  	_ =	swait.ge [sflag:s0], $0xB8  }
0xe9: {  	[sflag:s0] =	ssyncset.done $0x0  }
0xea: {  	[sflag:s0] =	ssyncadd.s32 $0xFFFFFF48  }
0xeb: {  	[tilespmem:s26], [sflag:$0x4] =	stream.indirect.gather [hbm4b:s5+s24], $0x80, s29, s24, $0xb8;
	[tilespmem:$0x1FC80] =	vst v63  }
0xec: {  	_ =	swait.ge [sflag:s3], $0x5C00  }
0xed: {  	[sflag:s3] =	ssyncset.done $0x0  }
0xee: {  	[sflag:s3] =	ssyncadd.s32 $0xFFFFA400  }
0xef: {  	_ =	swait.ge [sflag:s7], $0x5C00  }
0xf0: {  	[sflag:s7] =	ssyncset.done $0x0  }
0xf1: {  	[sflag:s7] =	ssyncadd.s32 $0xFFFFA400  }
0xf2: {  	[spmem:s2] =	stream.indirect.scatter.add.f32 [tilespmem:s26], [sflag:$0x6], $0x80, s30, s24, $0xb8;
	[tilespmem:$0x1FC80] =	vst v63  }
0xf3: {  	_ =	swait.ge [sflag:s10], $0x5C00  }
0xf4: {  	[sflag:s10] =	ssyncset.done $0x0  }
0xf5: {  	s14 =	rddreg [dreg:$0x9];
	[sflag:s10] =	ssyncadd.s32 $0xFFFFA400  }
0xf6: {  	[tilespmem:s4], [sflag:$0x7] =	stream.linear.gather [hbm4b:s14+s4], $0xB8, $0x38;
	[tilespmem:$0x1FC80] =	vst v63  }
0xf7: {  	_ =	swait.ge [sflag:s28], $0xB8  }
0xf8: {  	[sflag:s28] =	ssyncset.done $0x0  }
0xf9: {  	s15 =	rddreg [dreg:$0xa];
	[sflag:s28] =	ssyncadd.s32 $0xFFFFFF48  }
0xfa: {  	[tilespmem:s11], [sflag:$0x7] =	stream.linear.gather [hbm4b:s15+s4], $0x40, $0x38;
	[tilespmem:$0x1FC80] =	vst v63  }
0xfb: {  	_ =	swait.ge [sflag:s28], $0x40  }
0xfc: {  	[sflag:s28] =	ssyncset.done $0x0  }
0xfd: {  	[sflag:s28] =	ssyncadd.s32 $0xFFFFFFC0  }
0xfe: {  	[tilespmem:s25], [sflag:$0x3] =	stream.indirect.gather [hbm4b:s5+s24], $0x80, s4, s24, $0xb8;
	[tilespmem:$0x1FC80] =	vst v63  }
0xff: {  	_ =	swait.ge [sflag:s31], $0x5C00  }
0x100: {  	[sflag:s31] =	ssyncset.done $0x0  }
0x101: {  	s17 =	simm.s32 $0x4080;
	s16 =	simm.s32 $0x40;
	[sflag:s31] =	ssyncadd.s32 $0xFFFFA400  }
0x102: {  	[spmem:s2] =	stream.indirect.scatter.add.f32 [tilespmem:s17], [sflag:$0x7], $0x80, s11, s16, $0xb8;
	[tilespmem:$0x1FC80] =	vst v63  }
0x103: {  	_ =	swait.ge [sflag:s28], $0x2000  }
0x104: {  	[sflag:s28] =	ssyncset.done $0x0  }
0x105: {  	s14 =	stileid.u32;
	[sflag:s28] =	ssyncadd.s32 $0xFFFFE000  }
0x106: {  	s8 =	sshll.u32 s14, $0x6;
	[bflag:$0x0] =	sbarrier.arrive $0xFFFF  }
0x107: {  	s8 =	sor.u32 $0x1C07, s8;
	s15 =	sshrl.u32 s9, $0x3;
	s16 =	rddreg [dreg:$0xb]  }
0x108: {  	[hbm:s16], [sflag:s8] =	dma.local [spmem:s15], $0x2800  }
0x109: {  	_ =	swait.ge [sflag:s28], $0x2800  }
0x10a: {  	s12 =	sadd.s32 $0x1, s12;
	s17 =	rddreg [dreg:$0xc]  }
0x10b: {  	p0 =	sne.s32 s12, s17  }
.Ltmp2:
0x10c: {  	_ = 	snop;
	(pc) =	sbr.rel @p0 .LBB2_1-.Ltmp2, $3  }
0x10d: {  	_ =	sdelay $0x1  }
0x10e: {  	[sflag:s28] =	ssyncset.done $0x0  }
0x10f: {  	[sflag:s28] =	ssyncadd.s32 $0xFFFFD800  }
0x110: {  	_ =	sfence.sel $0x180000  }
0x111: {  	[bflag:$0x0] =	sbarrier.arrive $0xFFFF  }
0x112: {  	_ =	strace $0x90000047  }
0x113: {  	s0 =	stileid.u32;
	[bflag:$0x2] =	sbarrier.arrive $0xFFFF  }
0x114: {  	p0 =	sne.s32 s0, $0x0;
	s0 =	rddreg [dreg:$0x3]  }
0x115: {  	s0 =	sadd.s32 @!p0 $0x100000, s0  }
0x116: {  	[sflag:s0] =	ssyncadd.tile.s32 @!p0 $0x1;
	_ =	shalt  }
.Lfunc_end2:
_tile_overlayer_lowered:
.L_overlay_start_2:
0x117: {  	(tag) =	ssettag $0x2  }
0x118: {  	s0 =	rddreg [dreg:$0x0];
	s2 =	stileid.u32  }
0x119: {  	s1 =	rddreg [dreg:$0x1];
	p0 =	sne.s32 s2, $0x0  }
0x11a: {  	s3 =	rddreg [dreg:$0x2];
	[bflag:$0x3] =	sbarrier.arrive $0xFFFF;
	s2 =	simm.s32 @!p0 $0x1C07  }
0x11b: {  	[timem:s3], [sflag:s2] =	dma.local @!p0 [hbm:s0], s1  }
0x11c: {  	s0 =	simm.s32 @!p0 $0x7  }
0x11d: {  	_ =	swait.ge @!p0 [sflag:s0], s1  }
0x11e: {  	s1 =	ssub.s32 @!p0 $0x0, s1;
	[sflag:s0] =	ssyncset.done @!p0 $0x0  }
0x11f: {  	[sflag:s0] =	ssyncadd.s32 @!p0 s1  }
0x120: {  	[bflag:$0x3] =	sbarrier.arrive $0xFFFF  }
0x121: {  	_ =	shalt  }

</sc_bundles>
